<compile_context>
chip_gen: v7x
topology: tpu7x:2x2x1
jax: 0.10.2.dev20260603
libtpu: 0.0.44.dev20260713+nightly
codegen_flags: <defaults>
</compile_context>

<pallas_src>
import functools

import jax
import jax.numpy as jnp
from jax import lax
from jax.experimental import pallas as pl
from jax.experimental.pallas import tpu as pltpu
from jax.experimental.pallas import tpu_sc as plsc

_V = 1000000
_D = 64
_R = 8
_LANES = 16
_NDB = _D // _LANES
_NW = 32
_BPW = 128
_H = 50


def _make_sc_kernel():
    mesh = plsc.VectorSubcoreMesh(core_axis_name="c", subcore_axis_name="s")

    @functools.partial(
        pl.kernel,
        mesh=mesh,
        compiler_params=pltpu.CompilerParams(use_tc_tiling_on_sc=False,
                                             needs_layout_passes=False),
        out_type=jax.ShapeDtypeStruct((_H, _D // 8, _NW, 8, _BPW),
                                      jnp.float32),
        scratch_types=[
            pltpu.VMEM((_H, _BPW), jnp.int32),
            pltpu.VMEM((2, _BPW, _D), jnp.float32),
            pltpu.VMEM((2, _BPW, 128), jnp.float32),
            pltpu.VMEM((2, _BPW), jnp.int32),
            pltpu.VMEM((2, _D // 8, 8, _BPW + 1), jnp.float32),
            pltpu.VMEM((_R, _D), jnp.float32),
            pltpu.SemaphoreType.DMA,
            pltpu.SemaphoreType.DMA,
            pltpu.SemaphoreType.DMA,
            pltpu.SemaphoreType.DMA,
        ],
    )
    def sc_kernel(idx_hbm, emb_hbm, a_hbm, b_hbm, out_hbm,
                  idx_v, rows2_v, av2_v, ai2_v, tr2_v, b_v,
                  gs0, gs1, os0, os1):
        num_cores = 2
        wid = lax.axis_index("s") * num_cores + lax.axis_index("c")

        pltpu.sync_copy(idx_hbm.at[:, pl.ds(wid * _BPW, _BPW)], idx_v)
        pltpu.sync_copy(b_hbm, b_v)

        b_vecs = [[b_v[r, pl.ds(db * _LANES, _LANES)] for db in range(_NDB)]
                  for r in range(_R)]
        j_vecs = [lax.iota(jnp.int32, _LANES) + db * _LANES
                  for db in range(_NDB)]
        jt_vecs = [jv // 8 for jv in j_vecs]
        j8_vecs = [jv % 8 for jv in j_vecs]

        bufs = [(rows2_v.at[0], av2_v.at[0], ai2_v.at[0], tr2_v.at[0],
                 gs0, os0),
                (rows2_v.at[1], av2_v.at[1], ai2_v.at[1], tr2_v.at[1],
                 gs1, os1)]

        def gathers(h, buf):
            rows_v, av_v, ai_v, _, gsem, _ = bufs[buf]
            for t in range(_BPW // _LANES):
                sl = pl.ds(t * _LANES, _LANES)
                ai_v[sl] = idx_v[h, sl] >> 4
            return [pltpu.make_async_copy(emb_hbm.at[idx_v.at[h]],
                                          rows_v, gsem),
                    pltpu.make_async_copy(a_hbm.at[ai_v],
                                          av_v, gsem)]

        def out_copy(h, buf):
            _, _, _, tr_v, _, osem = bufs[buf]
            return pltpu.make_async_copy(tr_v.at[:, :, pl.ds(0, _BPW)],
                                         out_hbm.at[h, :, wid], osem)

        def compute_unit(h, buf):
            rows_v, av_v, _, tr_v, _, _ = bufs[buf]
            h_vec = jnp.full((_LANES,), h, jnp.int32)

            def row_body(k, c):
                k_vec = jnp.full((_LANES,), k, jnp.int32)
                iv = plsc.load_gather(idx_v, [h_vec, k_vec])
                a_base = (iv & 15) * _R
                avs = [plsc.load_gather(av_v, [k_vec, a_base + r])
                       for r in range(_R)]
                for db in range(_NDB):
                    acc = rows_v[k, pl.ds(db * _LANES, _LANES)]
                    for r in range(_R):
                        acc = acc + avs[r] * b_vecs[r][db]
                    plsc.store_scatter(
                        tr_v, [jt_vecs[db], j8_vecs[db], k_vec], acc)
                return c

            lax.fori_loop(0, _BPW, row_body, 0)

        for cp in gathers(0, 0):
            cp.start()

        def pair_body(hh, carry):
            for b in (0, 1):
                h = hh * 2 + b

                @pl.when(h + 1 < _H)
                def _():
                    for cp in gathers(h + 1, 1 - b):
                        cp.start()

                for cp in gathers(h, b):
                    cp.wait()

                @pl.when(h >= 2)
                def _():
                    out_copy(h - 2, b).wait()

                compute_unit(h, b)
                out_copy(h, b).start()
            return carry

        lax.fori_loop(0, _H // 2, pair_body, 0)
        out_copy(_H - 2, 0).wait()
        out_copy(_H - 1, 1).wait()

    return sc_kernel


_sc_kernel = _make_sc_kernel()


def kernel(inputs, embeddings, lora_A, lora_B):
    batch, hist = inputs.shape
    idx_t = inputs.T
    b_scaled = lora_B * jnp.sqrt(jnp.asarray(_D, jnp.float32))
    lora2 = lora_A.reshape(_V // 16, 16 * _R)
    out5 = _sc_kernel(idx_t, embeddings, lora2, b_scaled)
    out = out5.transpose(2, 4, 0, 1, 3).reshape(batch, hist, _D)
    return out

# --- scband reference (transcript-rebuilt; emitter-appended) ---
"""Pipeline reference for scband-embedding-22531398435195 (READ-ONLY COPY).

The authoritative reference and input builder live on the scoring server;
editing this copy changes nothing except your own understanding.
"""

import jax, jax.numpy as jnp
import numpy as np

NUM_EMBEDDINGS = 1000000
EMBEDDING_DIM = 64
R = 8
BATCH = 4096
HIST = 50


def setup_inputs(seed: int = 0) -> dict:
    key = jax.random.key(seed)
    k1, k2, k3, k4 = jax.random.split(key, 4)
    inputs = jax.random.randint(k1, (BATCH, HIST), 0, NUM_EMBEDDINGS, dtype=jnp.int32)
    # Frozen embedding table (random_normal init, per reset_parameters)
    embeddings = jax.random.normal(k2, (NUM_EMBEDDINGS, EMBEDDING_DIM), dtype=jnp.float32)
    # lora_A is zeros-initialized in the module; use small random values so the
    # LoRA path is numerically exercised in the reference.
    lora_A = jax.random.normal(k3, (NUM_EMBEDDINGS, R), dtype=jnp.float32) * 0.01
    lora_B = jax.random.normal(k4, (R, EMBEDDING_DIM), dtype=jnp.float32)
    return {"inputs": inputs, "embeddings": embeddings, "lora_A": lora_A, "lora_B": lora_B}


def reference(inputs, embeddings, lora_A, lora_B):
    # Faithful translation of Embedding.call with r > 0, training=None (falsy):
    #   result = embedding_lookup(embeddings, inputs)
    #   after_A = embedding_lookup(lora_A, inputs)
    #   result += after_A @ lora_B * scaling,  scaling = sqrt(embedding_dim)
    scaling = jnp.sqrt(jnp.asarray(EMBEDDING_DIM, dtype=jnp.float32))
    result = jnp.take(embeddings, inputs, axis=0)              # [B, L, D]
    after_A = jnp.take(lora_A, inputs, axis=0)                 # [B, L, R]
    result = result + jnp.matmul(after_A, lora_B) * scaling    # [B, L, D]
    return result

if __name__ == "__main__":
    import jax
    _d = setup_inputs()
    print(jax.jit(kernel)(*tuple(_d.values())))

</pallas_src>

<mosaic_0001>
#map = affine_map<(d0, d1) -> (0, 0)>
#map1 = affine_map<(d0, d1) -> (0, 0, 0, 0, 0)>
module attributes {stable_mosaic.version = 14 : i64} {
  func.func @sc_kernel(%arg0: i32, %arg1: i32, %arg2: memref<50x4096xi32, #tpu.memory_space<hbm>>, %arg3: memref<1000000x64xf32, #tpu.memory_space<hbm>>, %arg4: memref<62500x128xf32, #tpu.memory_space<hbm>>, %arg5: memref<8x64xf32, #tpu.memory_space<hbm>>, %arg6: memref<50x8x32x8x128xf32, #tpu.memory_space<hbm>>, %arg7: memref<50x128xi32, #tpu.memory_space<vmem>>, %arg8: memref<2x128x64xf32, #tpu.memory_space<vmem>>, %arg9: memref<2x128x128xf32, #tpu.memory_space<vmem>>, %arg10: memref<2x128xi32, #tpu.memory_space<vmem>>, %arg11: memref<2x8x8x129xf32, #tpu.memory_space<vmem>>, %arg12: memref<8x64xf32, #tpu.memory_space<vmem>>, %arg13: memref<!tpu.dma_semaphore, #tpu.memory_space<semaphore_mem>>, %arg14: memref<!tpu.dma_semaphore, #tpu.memory_space<semaphore_mem>>, %arg15: memref<!tpu.dma_semaphore, #tpu.memory_space<semaphore_mem>>, %arg16: memref<!tpu.dma_semaphore, #tpu.memory_space<semaphore_mem>>) attributes {dimension_semantics = [#tpu.dimension_semantics<core_parallel>, #tpu.dimension_semantics<subcore_parallel>], iteration_bounds = array<i64: 2, 16>, scalar_prefetch = 0 : i64, scratch_operands = 10 : i64, tpu.core_type = #tpu.core_type<sc_vector_subcore>, window_params = [{transform_indices = #map}, {transform_indices = #map}, {transform_indices = #map}, {transform_indices = #map}, {transform_indices = #map1}]} {
    %mul3A = arith.constant 2 : i32
    %mul3A_0 = arith.muli %arg1, %mul3A : i32
    %add3A = arith.addi %mul3A_0, %arg0 : i32
    %mul3A_1 = arith.constant 128 : i32
    %mul3A_2 = arith.muli %add3A, %mul3A_1 : i32
    "tpu.region"() ({
      %run_scoped3A = tpu.sem_alloc : memref<!tpu.dma_semaphore, #tpu.memory_space<semaphore_mem>>
      %dma_start3A_544 = arith.constant 0 : i32
      %dma_start3A_545 = tpu.memref_slice %arg2[%dma_start3A_544, %mul3A_2] : memref<50x4096xi32, #tpu.memory_space<hbm>> -> memref<50x128xi32, #tpu.memory_space<hbm>>
      %dma_start3A_546 = arith.constant 0 : i32
      %dma_start3A_547 = tpu.memref_slice %arg2[%dma_start3A_546, %mul3A_2] : memref<50x4096xi32, #tpu.memory_space<hbm>> -> memref<50x128xi32, #tpu.memory_space<hbm>>
      tpu.enqueue_dma source(%dma_start3A_547 : memref<50x128xi32, #tpu.memory_space<hbm>>) target(%arg7 : memref<50x128xi32, #tpu.memory_space<vmem>>) target_semaphore(%run_scoped3A : memref<!tpu.dma_semaphore, #tpu.memory_space<semaphore_mem>>)
      %dma_wait3A_548 = arith.constant 0 : i32
      %dma_wait3A_549 = tpu.memref_slice %arg2[%dma_wait3A_548, %mul3A_2] : memref<50x4096xi32, #tpu.memory_space<hbm>> -> memref<50x128xi32, #tpu.memory_space<hbm>>
      %dma_wait3A_550 = arith.constant 0 : i32
      %dma_wait3A_551 = tpu.memref_slice %arg2[%dma_wait3A_550, %mul3A_2] : memref<50x4096xi32, #tpu.memory_space<hbm>> -> memref<50x128xi32, #tpu.memory_space<hbm>>
      tpu.wait_dma2 semaphore(%run_scoped3A : memref<!tpu.dma_semaphore, #tpu.memory_space<semaphore_mem>>) src(%dma_wait3A_551 : memref<50x128xi32, #tpu.memory_space<hbm>>) dst(%arg7 : memref<50x128xi32, #tpu.memory_space<vmem>>)
      tpu.yield
    }) : () -> ()
    "tpu.region"() ({
      %run_scoped3A = tpu.sem_alloc : memref<!tpu.dma_semaphore, #tpu.memory_space<semaphore_mem>>
      tpu.enqueue_dma source(%arg5 : memref<8x64xf32, #tpu.memory_space<hbm>>) target(%arg12 : memref<8x64xf32, #tpu.memory_space<vmem>>) target_semaphore(%run_scoped3A : memref<!tpu.dma_semaphore, #tpu.memory_space<semaphore_mem>>)
      tpu.wait_dma2 semaphore(%run_scoped3A : memref<!tpu.dma_semaphore, #tpu.memory_space<semaphore_mem>>) src(%arg5 : memref<8x64xf32, #tpu.memory_space<hbm>>) dst(%arg12 : memref<8x64xf32, #tpu.memory_space<vmem>>)
      tpu.yield
    }) : () -> ()
    %get3A = arith.constant 0 : i32
    %get3A_3 = arith.index_cast %get3A : i32 to index
    %get3A_4 = arith.constant 0 : index
    %get3A_5 = tpu.vector_load %arg12[%get3A_3, %get3A_4] {strides = array<i32>} : memref<8x64xf32, #tpu.memory_space<vmem>>, vector<16xf32>,
    %get3A_6 = arith.constant 0 : i32
    %get3A_7 = arith.index_cast %get3A_6 : i32 to index
    %get3A_8 = arith.constant 16 : index
    %get3A_9 = tpu.vector_load %arg12[%get3A_7, %get3A_8] {strides = array<i32>} : memref<8x64xf32, #tpu.memory_space<vmem>>, vector<16xf32>,
    %get3A_10 = arith.constant 0 : i32
    %get3A_11 = arith.index_cast %get3A_10 : i32 to index
    %get3A_12 = arith.constant 32 : index
    %get3A_13 = tpu.vector_load %arg12[%get3A_11, %get3A_12] {strides = array<i32>} : memref<8x64xf32, #tpu.memory_space<vmem>>, vector<16xf32>,
    %get3A_14 = arith.constant 0 : i32
    %get3A_15 = arith.index_cast %get3A_14 : i32 to index
    %get3A_16 = arith.constant 48 : index
    %get3A_17 = tpu.vector_load %arg12[%get3A_15, %get3A_16] {strides = array<i32>} : memref<8x64xf32, #tpu.memory_space<vmem>>, vector<16xf32>,
    %get3A_18 = arith.constant 1 : i32
    %get3A_19 = arith.index_cast %get3A_18 : i32 to index
    %get3A_20 = arith.constant 0 : index
    %get3A_21 = tpu.vector_load %arg12[%get3A_19, %get3A_20] {strides = array<i32>} : memref<8x64xf32, #tpu.memory_space<vmem>>, vector<16xf32>,
    %get3A_22 = arith.constant 1 : i32
    %get3A_23 = arith.index_cast %get3A_22 : i32 to index
    %get3A_24 = arith.constant 16 : index
    %get3A_25 = tpu.vector_load %arg12[%get3A_23, %get3A_24] {strides = array<i32>} : memref<8x64xf32, #tpu.memory_space<vmem>>, vector<16xf32>,
    %get3A_26 = arith.constant 1 : i32
    %get3A_27 = arith.index_cast %get3A_26 : i32 to index
    %get3A_28 = arith.constant 32 : index
    %get3A_29 = tpu.vector_load %arg12[%get3A_27, %get3A_28] {strides = array<i32>} : memref<8x64xf32, #tpu.memory_space<vmem>>, vector<16xf32>,
    %get3A_30 = arith.constant 1 : i32
    %get3A_31 = arith.index_cast %get3A_30 : i32 to index
    %get3A_32 = arith.constant 48 : index
    %get3A_33 = tpu.vector_load %arg12[%get3A_31, %get3A_32] {strides = array<i32>} : memref<8x64xf32, #tpu.memory_space<vmem>>, vector<16xf32>,
    %get3A_34 = arith.constant 2 : i32
    %get3A_35 = arith.index_cast %get3A_34 : i32 to index
    %get3A_36 = arith.constant 0 : index
    %get3A_37 = tpu.vector_load %arg12[%get3A_35, %get3A_36] {strides = array<i32>} : memref<8x64xf32, #tpu.memory_space<vmem>>, vector<16xf32>,
    %get3A_38 = arith.constant 2 : i32
    %get3A_39 = arith.index_cast %get3A_38 : i32 to index
    %get3A_40 = arith.constant 16 : index
    %get3A_41 = tpu.vector_load %arg12[%get3A_39, %get3A_40] {strides = array<i32>} : memref<8x64xf32, #tpu.memory_space<vmem>>, vector<16xf32>,
    %get3A_42 = arith.constant 2 : i32
    %get3A_43 = arith.index_cast %get3A_42 : i32 to index
    %get3A_44 = arith.constant 32 : index
    %get3A_45 = tpu.vector_load %arg12[%get3A_43, %get3A_44] {strides = array<i32>} : memref<8x64xf32, #tpu.memory_space<vmem>>, vector<16xf32>,
    %get3A_46 = arith.constant 2 : i32
    %get3A_47 = arith.index_cast %get3A_46 : i32 to index
    %get3A_48 = arith.constant 48 : index
    %get3A_49 = tpu.vector_load %arg12[%get3A_47, %get3A_48] {strides = array<i32>} : memref<8x64xf32, #tpu.memory_space<vmem>>, vector<16xf32>,
    %get3A_50 = arith.constant 3 : i32
    %get3A_51 = arith.index_cast %get3A_50 : i32 to index
    %get3A_52 = arith.constant 0 : index
    %get3A_53 = tpu.vector_load %arg12[%get3A_51, %get3A_52] {strides = array<i32>} : memref<8x64xf32, #tpu.memory_space<vmem>>, vector<16xf32>,
    %get3A_54 = arith.constant 3 : i32
    %get3A_55 = arith.index_cast %get3A_54 : i32 to index
    %get3A_56 = arith.constant 16 : index
    %get3A_57 = tpu.vector_load %arg12[%get3A_55, %get3A_56] {strides = array<i32>} : memref<8x64xf32, #tpu.memory_space<vmem>>, vector<16xf32>,
    %get3A_58 = arith.constant 3 : i32
    %get3A_59 = arith.index_cast %get3A_58 : i32 to index
    %get3A_60 = arith.constant 32 : index
    %get3A_61 = tpu.vector_load %arg12[%get3A_59, %get3A_60] {strides = array<i32>} : memref<8x64xf32, #tpu.memory_space<vmem>>, vector<16xf32>,
    %get3A_62 = arith.constant 3 : i32
    %get3A_63 = arith.index_cast %get3A_62 : i32 to index
    %get3A_64 = arith.constant 48 : index
    %get3A_65 = tpu.vector_load %arg12[%get3A_63, %get3A_64] {strides = array<i32>} : memref<8x64xf32, #tpu.memory_space<vmem>>, vector<16xf32>,
    %get3A_66 = arith.constant 4 : i32
    %get3A_67 = arith.index_cast %get3A_66 : i32 to index
    %get3A_68 = arith.constant 0 : index
    %get3A_69 = tpu.vector_load %arg12[%get3A_67, %get3A_68] {strides = array<i32>} : memref<8x64xf32, #tpu.memory_space<vmem>>, vector<16xf32>,
    %get3A_70 = arith.constant 4 : i32
    %get3A_71 = arith.index_cast %get3A_70 : i32 to index
    %get3A_72 = arith.constant 16 : index
    %get3A_73 = tpu.vector_load %arg12[%get3A_71, %get3A_72] {strides = array<i32>} : memref<8x64xf32, #tpu.memory_space<vmem>>, vector<16xf32>,
    %get3A_74 = arith.constant 4 : i32
    %get3A_75 = arith.index_cast %get3A_74 : i32 to index
    %get3A_76 = arith.constant 32 : index
    %get3A_77 = tpu.vector_load %arg12[%get3A_75, %get3A_76] {strides = array<i32>} : memref<8x64xf32, #tpu.memory_space<vmem>>, vector<16xf32>,
    %get3A_78 = arith.constant 4 : i32
    %get3A_79 = arith.index_cast %get3A_78 : i32 to index
    %get3A_80 = arith.constant 48 : index
    %get3A_81 = tpu.vector_load %arg12[%get3A_79, %get3A_80] {strides = array<i32>} : memref<8x64xf32, #tpu.memory_space<vmem>>, vector<16xf32>,
    %get3A_82 = arith.constant 5 : i32
    %get3A_83 = arith.index_cast %get3A_82 : i32 to index
    %get3A_84 = arith.constant 0 : index
    %get3A_85 = tpu.vector_load %arg12[%get3A_83, %get3A_84] {strides = array<i32>} : memref<8x64xf32, #tpu.memory_space<vmem>>, vector<16xf32>,
    %get3A_86 = arith.constant 5 : i32
    %get3A_87 = arith.index_cast %get3A_86 : i32 to index
    %get3A_88 = arith.constant 16 : index
    %get3A_89 = tpu.vector_load %arg12[%get3A_87, %get3A_88] {strides = array<i32>} : memref<8x64xf32, #tpu.memory_space<vmem>>, vector<16xf32>,
    %get3A_90 = arith.constant 5 : i32
    %get3A_91 = arith.index_cast %get3A_90 : i32 to index
    %get3A_92 = arith.constant 32 : index
    %get3A_93 = tpu.vector_load %arg12[%get3A_91, %get3A_92] {strides = array<i32>} : memref<8x64xf32, #tpu.memory_space<vmem>>, vector<16xf32>,
    %get3A_94 = arith.constant 5 : i32
    %get3A_95 = arith.index_cast %get3A_94 : i32 to index
    %get3A_96 = arith.constant 48 : index
    %get3A_97 = tpu.vector_load %arg12[%get3A_95, %get3A_96] {strides = array<i32>} : memref<8x64xf32, #tpu.memory_space<vmem>>, vector<16xf32>,
    %get3A_98 = arith.constant 6 : i32
    %get3A_99 = arith.index_cast %get3A_98 : i32 to index
    %get3A_100 = arith.constant 0 : index
    %get3A_101 = tpu.vector_load %arg12[%get3A_99, %get3A_100] {strides = array<i32>} : memref<8x64xf32, #tpu.memory_space<vmem>>, vector<16xf32>,
    %get3A_102 = arith.constant 6 : i32
    %get3A_103 = arith.index_cast %get3A_102 : i32 to index
    %get3A_104 = arith.constant 16 : index
    %get3A_105 = tpu.vector_load %arg12[%get3A_103, %get3A_104] {strides = array<i32>} : memref<8x64xf32, #tpu.memory_space<vmem>>, vector<16xf32>,
    %get3A_106 = arith.constant 6 : i32
    %get3A_107 = arith.index_cast %get3A_106 : i32 to index
    %get3A_108 = arith.constant 32 : index
    %get3A_109 = tpu.vector_load %arg12[%get3A_107, %get3A_108] {strides = array<i32>} : memref<8x64xf32, #tpu.memory_space<vmem>>, vector<16xf32>,
    %get3A_110 = arith.constant 6 : i32
    %get3A_111 = arith.index_cast %get3A_110 : i32 to index
    %get3A_112 = arith.constant 48 : index
    %get3A_113 = tpu.vector_load %arg12[%get3A_111, %get3A_112] {strides = array<i32>} : memref<8x64xf32, #tpu.memory_space<vmem>>, vector<16xf32>,
    %get3A_114 = arith.constant 7 : i32
    %get3A_115 = arith.index_cast %get3A_114 : i32 to index
    %get3A_116 = arith.constant 0 : index
    %get3A_117 = tpu.vector_load %arg12[%get3A_115, %get3A_116] {strides = array<i32>} : memref<8x64xf32, #tpu.memory_space<vmem>>, vector<16xf32>,
    %get3A_118 = arith.constant 7 : i32
    %get3A_119 = arith.index_cast %get3A_118 : i32 to index
    %get3A_120 = arith.constant 16 : index
    %get3A_121 = tpu.vector_load %arg12[%get3A_119, %get3A_120] {strides = array<i32>} : memref<8x64xf32, #tpu.memory_space<vmem>>, vector<16xf32>,
    %get3A_122 = arith.constant 7 : i32
    %get3A_123 = arith.index_cast %get3A_122 : i32 to index
    %get3A_124 = arith.constant 32 : index
    %get3A_125 = tpu.vector_load %arg12[%get3A_123, %get3A_124] {strides = array<i32>} : memref<8x64xf32, #tpu.memory_space<vmem>>, vector<16xf32>,
    %get3A_126 = arith.constant 7 : i32
    %get3A_127 = arith.index_cast %get3A_126 : i32 to index
    %get3A_128 = arith.constant 48 : index
    %get3A_129 = tpu.vector_load %arg12[%get3A_127, %get3A_128] {strides = array<i32>} : memref<8x64xf32, #tpu.memory_space<vmem>>, vector<16xf32>,
    %iota3A = tpu.iota {dimensions = array<i32: 0>} : vector<16xi32>
    %add3A_130 = arith.constant 0 : i32
    %add3A_131 = vector.broadcast %add3A_130 : i32 to vector<16xi32>
    %add3A_132 = arith.addi %iota3A, %add3A_131 : vector<16xi32>
    %iota3A_133 = tpu.iota {dimensions = array<i32: 0>} : vector<16xi32>
    %add3A_134 = arith.constant 16 : i32
    %add3A_135 = vector.broadcast %add3A_134 : i32 to vector<16xi32>
    %add3A_136 = arith.addi %iota3A_133, %add3A_135 : vector<16xi32>
    %iota3A_137 = tpu.iota {dimensions = array<i32: 0>} : vector<16xi32>
    %add3A_138 = arith.constant 32 : i32
    %add3A_139 = vector.broadcast %add3A_138 : i32 to vector<16xi32>
    %add3A_140 = arith.addi %iota3A_137, %add3A_139 : vector<16xi32>
    %iota3A_141 = tpu.iota {dimensions = array<i32: 0>} : vector<16xi32>
    %add3A_142 = arith.constant 48 : i32
    %add3A_143 = vector.broadcast %add3A_142 : i32 to vector<16xi32>
    %add3A_144 = arith.addi %iota3A_141, %add3A_143 : vector<16xi32>
    %jit3A = arith.constant 8 : i32
    %div3A = vector.broadcast %jit3A : i32 to vector<16xi32>
    %div3A_145 = arith.divsi %add3A_132, %div3A : vector<16xi32>
    %sign3A = arith.constant 0 : i32
    %sign3A_146 = vector.broadcast %sign3A : i32 to vector<16xi32>
    %sign3A_147 = arith.cmpi sgt, %add3A_132, %sign3A_146 : vector<16xi32>
    %sign3A_148 = arith.extui %sign3A_147 : vector<16xi1> to vector<16xi32>
    %sign3A_149 = arith.constant 0 : i32
    %sign3A_150 = vector.broadcast %sign3A_149 : i32 to vector<16xi32>
    %sign3A_151 = arith.cmpi slt, %add3A_132, %sign3A_150 : vector<16xi32>
    %sign3A_152 = arith.extui %sign3A_151 : vector<16xi1> to vector<16xi32>
    %sign3A_153 = arith.subi %sign3A_148, %sign3A_152 : vector<16xi32>
    %sign3A_154 = arith.constant 0 : i32
    %sign3A_155 = arith.cmpi sgt, %jit3A, %sign3A_154 : i32
    %sign3A_156 = arith.extui %sign3A_155 : i1 to i32
    %sign3A_157 = arith.constant 0 : i32
    %sign3A_158 = arith.cmpi slt, %jit3A, %sign3A_157 : i32
    %sign3A_159 = arith.extui %sign3A_158 : i1 to i32
    %sign3A_160 = arith.subi %sign3A_156, %sign3A_159 : i32
    %ne3A = vector.broadcast %sign3A_160 : i32 to vector<16xi32>
    %ne3A_161 = arith.cmpi ne, %sign3A_153, %ne3A : vector<16xi32>
    %rem3A = vector.broadcast %jit3A : i32 to vector<16xi32>
    %rem3A_162 = arith.remsi %add3A_132, %rem3A : vector<16xi32>
    %ne3A_163 = arith.constant 0 : i32
    %ne3A_164 = vector.broadcast %ne3A_163 : i32 to vector<16xi32>
    %ne3A_165 = arith.cmpi ne, %rem3A_162, %ne3A_164 : vector<16xi32>
    %and3A = arith.andi %ne3A_161, %ne3A_165 : vector<16xi1>
    %sub3A = arith.constant 1 : i32
    %sub3A_166 = vector.broadcast %sub3A : i32 to vector<16xi32>
    %sub3A_167 = arith.subi %div3A_145, %sub3A_166 : vector<16xi32>
    %select_n3A = arith.select %and3A, %sub3A_167, %div3A_145 : vector<16xi1>, vector<16xi32>
    %jit3A_168 = arith.constant 8 : i32
    %div3A_169 = vector.broadcast %jit3A_168 : i32 to vector<16xi32>
    %div3A_170 = arith.divsi %add3A_136, %div3A_169 : vector<16xi32>
    %sign3A_171 = arith.constant 0 : i32
    %sign3A_172 = vector.broadcast %sign3A_171 : i32 to vector<16xi32>
    %sign3A_173 = arith.cmpi sgt, %add3A_136, %sign3A_172 : vector<16xi32>
    %sign3A_174 = arith.extui %sign3A_173 : vector<16xi1> to vector<16xi32>
    %sign3A_175 = arith.constant 0 : i32
    %sign3A_176 = vector.broadcast %sign3A_175 : i32 to vector<16xi32>
    %sign3A_177 = arith.cmpi slt, %add3A_136, %sign3A_176 : vector<16xi32>
    %sign3A_178 = arith.extui %sign3A_177 : vector<16xi1> to vector<16xi32>
    %sign3A_179 = arith.subi %sign3A_174, %sign3A_178 : vector<16xi32>
    %sign3A_180 = arith.constant 0 : i32
    %sign3A_181 = arith.cmpi sgt, %jit3A_168, %sign3A_180 : i32
    %sign3A_182 = arith.extui %sign3A_181 : i1 to i32
    %sign3A_183 = arith.constant 0 : i32
    %sign3A_184 = arith.cmpi slt, %jit3A_168, %sign3A_183 : i32
    %sign3A_185 = arith.extui %sign3A_184 : i1 to i32
    %sign3A_186 = arith.subi %sign3A_182, %sign3A_185 : i32
    %ne3A_187 = vector.broadcast %sign3A_186 : i32 to vector<16xi32>
    %ne3A_188 = arith.cmpi ne, %sign3A_179, %ne3A_187 : vector<16xi32>
    %rem3A_189 = vector.broadcast %jit3A_168 : i32 to vector<16xi32>
    %rem3A_190 = arith.remsi %add3A_136, %rem3A_189 : vector<16xi32>
    %ne3A_191 = arith.constant 0 : i32
    %ne3A_192 = vector.broadcast %ne3A_191 : i32 to vector<16xi32>
    %ne3A_193 = arith.cmpi ne, %rem3A_190, %ne3A_192 : vector<16xi32>
    %and3A_194 = arith.andi %ne3A_188, %ne3A_193 : vector<16xi1>
    %sub3A_195 = arith.constant 1 : i32
    %sub3A_196 = vector.broadcast %sub3A_195 : i32 to vector<16xi32>
    %sub3A_197 = arith.subi %div3A_170, %sub3A_196 : vector<16xi32>
    %select_n3A_198 = arith.select %and3A_194, %sub3A_197, %div3A_170 : vector<16xi1>, vector<16xi32>
    %jit3A_199 = arith.constant 8 : i32
    %div3A_200 = vector.broadcast %jit3A_199 : i32 to vector<16xi32>
    %div3A_201 = arith.divsi %add3A_140, %div3A_200 : vector<16xi32>
    %sign3A_202 = arith.constant 0 : i32
    %sign3A_203 = vector.broadcast %sign3A_202 : i32 to vector<16xi32>
    %sign3A_204 = arith.cmpi sgt, %add3A_140, %sign3A_203 : vector<16xi32>
    %sign3A_205 = arith.extui %sign3A_204 : vector<16xi1> to vector<16xi32>
    %sign3A_206 = arith.constant 0 : i32
    %sign3A_207 = vector.broadcast %sign3A_206 : i32 to vector<16xi32>
    %sign3A_208 = arith.cmpi slt, %add3A_140, %sign3A_207 : vector<16xi32>
    %sign3A_209 = arith.extui %sign3A_208 : vector<16xi1> to vector<16xi32>
    %sign3A_210 = arith.subi %sign3A_205, %sign3A_209 : vector<16xi32>
    %sign3A_211 = arith.constant 0 : i32
    %sign3A_212 = arith.cmpi sgt, %jit3A_199, %sign3A_211 : i32
    %sign3A_213 = arith.extui %sign3A_212 : i1 to i32
    %sign3A_214 = arith.constant 0 : i32
    %sign3A_215 = arith.cmpi slt, %jit3A_199, %sign3A_214 : i32
    %sign3A_216 = arith.extui %sign3A_215 : i1 to i32
    %sign3A_217 = arith.subi %sign3A_213, %sign3A_216 : i32
    %ne3A_218 = vector.broadcast %sign3A_217 : i32 to vector<16xi32>
    %ne3A_219 = arith.cmpi ne, %sign3A_210, %ne3A_218 : vector<16xi32>
    %rem3A_220 = vector.broadcast %jit3A_199 : i32 to vector<16xi32>
    %rem3A_221 = arith.remsi %add3A_140, %rem3A_220 : vector<16xi32>
    %ne3A_222 = arith.constant 0 : i32
    %ne3A_223 = vector.broadcast %ne3A_222 : i32 to vector<16xi32>
    %ne3A_224 = arith.cmpi ne, %rem3A_221, %ne3A_223 : vector<16xi32>
    %and3A_225 = arith.andi %ne3A_219, %ne3A_224 : vector<16xi1>
    %sub3A_226 = arith.constant 1 : i32
    %sub3A_227 = vector.broadcast %sub3A_226 : i32 to vector<16xi32>
    %sub3A_228 = arith.subi %div3A_201, %sub3A_227 : vector<16xi32>
    %select_n3A_229 = arith.select %and3A_225, %sub3A_228, %div3A_201 : vector<16xi1>, vector<16xi32>
    %jit3A_230 = arith.constant 8 : i32
    %div3A_231 = vector.broadcast %jit3A_230 : i32 to vector<16xi32>
    %div3A_232 = arith.divsi %add3A_144, %div3A_231 : vector<16xi32>
    %sign3A_233 = arith.constant 0 : i32
    %sign3A_234 = vector.broadcast %sign3A_233 : i32 to vector<16xi32>
    %sign3A_235 = arith.cmpi sgt, %add3A_144, %sign3A_234 : vector<16xi32>
    %sign3A_236 = arith.extui %sign3A_235 : vector<16xi1> to vector<16xi32>
    %sign3A_237 = arith.constant 0 : i32
    %sign3A_238 = vector.broadcast %sign3A_237 : i32 to vector<16xi32>
    %sign3A_239 = arith.cmpi slt, %add3A_144, %sign3A_238 : vector<16xi32>
    %sign3A_240 = arith.extui %sign3A_239 : vector<16xi1> to vector<16xi32>
    %sign3A_241 = arith.subi %sign3A_236, %sign3A_240 : vector<16xi32>
    %sign3A_242 = arith.constant 0 : i32
    %sign3A_243 = arith.cmpi sgt, %jit3A_230, %sign3A_242 : i32
    %sign3A_244 = arith.extui %sign3A_243 : i1 to i32
    %sign3A_245 = arith.constant 0 : i32
    %sign3A_246 = arith.cmpi slt, %jit3A_230, %sign3A_245 : i32
    %sign3A_247 = arith.extui %sign3A_246 : i1 to i32
    %sign3A_248 = arith.subi %sign3A_244, %sign3A_247 : i32
    %ne3A_249 = vector.broadcast %sign3A_248 : i32 to vector<16xi32>
    %ne3A_250 = arith.cmpi ne, %sign3A_241, %ne3A_249 : vector<16xi32>
    %rem3A_251 = vector.broadcast %jit3A_230 : i32 to vector<16xi32>
    %rem3A_252 = arith.remsi %add3A_144, %rem3A_251 : vector<16xi32>
    %ne3A_253 = arith.constant 0 : i32
    %ne3A_254 = vector.broadcast %ne3A_253 : i32 to vector<16xi32>
    %ne3A_255 = arith.cmpi ne, %rem3A_252, %ne3A_254 : vector<16xi32>
    %and3A_256 = arith.andi %ne3A_250, %ne3A_255 : vector<16xi1>
    %sub3A_257 = arith.constant 1 : i32
    %sub3A_258 = vector.broadcast %sub3A_257 : i32 to vector<16xi32>
    %sub3A_259 = arith.subi %div3A_232, %sub3A_258 : vector<16xi32>
    %select_n3A_260 = arith.select %and3A_256, %sub3A_259, %div3A_232 : vector<16xi1>, vector<16xi32>
    %jit3A_261 = arith.constant 8 : i32
    %eq3A = arith.constant 0 : i32
    %eq3A_262 = arith.cmpi eq, %jit3A_261, %eq3A : i32
    %jit3A_263 = arith.constant 1 : i32
    %select_n3A_264 = arith.select %eq3A_262, %jit3A_263, %jit3A_261 : i32
    %rem3A_265 = vector.broadcast %select_n3A_264 : i32 to vector<16xi32>
    %rem3A_266 = arith.remsi %add3A_132, %rem3A_265 : vector<16xi32>
    %ne3A_267 = arith.constant 0 : i32
    %ne3A_268 = vector.broadcast %ne3A_267 : i32 to vector<16xi32>
    %ne3A_269 = arith.cmpi ne, %rem3A_266, %ne3A_268 : vector<16xi32>
    %lt3A = arith.constant 0 : i32
    %lt3A_270 = vector.broadcast %lt3A : i32 to vector<16xi32>
    %lt3A_271 = arith.cmpi slt, %rem3A_266, %lt3A_270 : vector<16xi32>
    %lt3A_272 = arith.constant 0 : i32
    %lt3A_273 = arith.cmpi slt, %select_n3A_264, %lt3A_272 : i32
    %ne3A_274 = vector.broadcast %lt3A_273 : i1 to vector<16xi1>
    %ne3A_275 = vector.broadcast %ne3A_274 : vector<16xi1> to vector<16xi1>
    %ne3A_276 = arith.xori %lt3A_271, %ne3A_275 : vector<16xi1>
    %and3A_277 = arith.andi %ne3A_276, %ne3A_269 : vector<16xi1>
    %add3A_278 = vector.broadcast %select_n3A_264 : i32 to vector<16xi32>
    %add3A_279 = arith.addi %rem3A_266, %add3A_278 : vector<16xi32>
    %select_n3A_280 = arith.select %and3A_277, %add3A_279, %rem3A_266 : vector<16xi1>, vector<16xi32>
    %jit3A_281 = arith.constant 8 : i32
    %eq3A_282 = arith.constant 0 : i32
    %eq3A_283 = arith.cmpi eq, %jit3A_281, %eq3A_282 : i32
    %jit3A_284 = arith.constant 1 : i32
    %select_n3A_285 = arith.select %eq3A_283, %jit3A_284, %jit3A_281 : i32
    %rem3A_286 = vector.broadcast %select_n3A_285 : i32 to vector<16xi32>
    %rem3A_287 = arith.remsi %add3A_136, %rem3A_286 : vector<16xi32>
    %ne3A_288 = arith.constant 0 : i32
    %ne3A_289 = vector.broadcast %ne3A_288 : i32 to vector<16xi32>
    %ne3A_290 = arith.cmpi ne, %rem3A_287, %ne3A_289 : vector<16xi32>
    %lt3A_291 = arith.constant 0 : i32
    %lt3A_292 = vector.broadcast %lt3A_291 : i32 to vector<16xi32>
    %lt3A_293 = arith.cmpi slt, %rem3A_287, %lt3A_292 : vector<16xi32>
    %lt3A_294 = arith.constant 0 : i32
    %lt3A_295 = arith.cmpi slt, %select_n3A_285, %lt3A_294 : i32
    %ne3A_296 = vector.broadcast %lt3A_295 : i1 to vector<16xi1>
    %ne3A_297 = vector.broadcast %ne3A_296 : vector<16xi1> to vector<16xi1>
    %ne3A_298 = arith.xori %lt3A_293, %ne3A_297 : vector<16xi1>
    %and3A_299 = arith.andi %ne3A_298, %ne3A_290 : vector<16xi1>
    %add3A_300 = vector.broadcast %select_n3A_285 : i32 to vector<16xi32>
    %add3A_301 = arith.addi %rem3A_287, %add3A_300 : vector<16xi32>
    %select_n3A_302 = arith.select %and3A_299, %add3A_301, %rem3A_287 : vector<16xi1>, vector<16xi32>
    %jit3A_303 = arith.constant 8 : i32
    %eq3A_304 = arith.constant 0 : i32
    %eq3A_305 = arith.cmpi eq, %jit3A_303, %eq3A_304 : i32
    %jit3A_306 = arith.constant 1 : i32
    %select_n3A_307 = arith.select %eq3A_305, %jit3A_306, %jit3A_303 : i32
    %rem3A_308 = vector.broadcast %select_n3A_307 : i32 to vector<16xi32>
    %rem3A_309 = arith.remsi %add3A_140, %rem3A_308 : vector<16xi32>
    %ne3A_310 = arith.constant 0 : i32
    %ne3A_311 = vector.broadcast %ne3A_310 : i32 to vector<16xi32>
    %ne3A_312 = arith.cmpi ne, %rem3A_309, %ne3A_311 : vector<16xi32>
    %lt3A_313 = arith.constant 0 : i32
    %lt3A_314 = vector.broadcast %lt3A_313 : i32 to vector<16xi32>
    %lt3A_315 = arith.cmpi slt, %rem3A_309, %lt3A_314 : vector<16xi32>
    %lt3A_316 = arith.constant 0 : i32
    %lt3A_317 = arith.cmpi slt, %select_n3A_307, %lt3A_316 : i32
    %ne3A_318 = vector.broadcast %lt3A_317 : i1 to vector<16xi1>
    %ne3A_319 = vector.broadcast %ne3A_318 : vector<16xi1> to vector<16xi1>
    %ne3A_320 = arith.xori %lt3A_315, %ne3A_319 : vector<16xi1>
    %and3A_321 = arith.andi %ne3A_320, %ne3A_312 : vector<16xi1>
    %add3A_322 = vector.broadcast %select_n3A_307 : i32 to vector<16xi32>
    %add3A_323 = arith.addi %rem3A_309, %add3A_322 : vector<16xi32>
    %select_n3A_324 = arith.select %and3A_321, %add3A_323, %rem3A_309 : vector<16xi1>, vector<16xi32>
    %jit3A_325 = arith.constant 8 : i32
    %eq3A_326 = arith.constant 0 : i32
    %eq3A_327 = arith.cmpi eq, %jit3A_325, %eq3A_326 : i32
    %jit3A_328 = arith.constant 1 : i32
    %select_n3A_329 = arith.select %eq3A_327, %jit3A_328, %jit3A_325 : i32
    %rem3A_330 = vector.broadcast %select_n3A_329 : i32 to vector<16xi32>
    %rem3A_331 = arith.remsi %add3A_144, %rem3A_330 : vector<16xi32>
    %ne3A_332 = arith.constant 0 : i32
    %ne3A_333 = vector.broadcast %ne3A_332 : i32 to vector<16xi32>
    %ne3A_334 = arith.cmpi ne, %rem3A_331, %ne3A_333 : vector<16xi32>
    %lt3A_335 = arith.constant 0 : i32
    %lt3A_336 = vector.broadcast %lt3A_335 : i32 to vector<16xi32>
    %lt3A_337 = arith.cmpi slt, %rem3A_331, %lt3A_336 : vector<16xi32>
    %lt3A_338 = arith.constant 0 : i32
    %lt3A_339 = arith.cmpi slt, %select_n3A_329, %lt3A_338 : i32
    %ne3A_340 = vector.broadcast %lt3A_339 : i1 to vector<16xi1>
    %ne3A_341 = vector.broadcast %ne3A_340 : vector<16xi1> to vector<16xi1>
    %ne3A_342 = arith.xori %lt3A_337, %ne3A_341 : vector<16xi1>
    %and3A_343 = arith.andi %ne3A_342, %ne3A_334 : vector<16xi1>
    %add3A_344 = vector.broadcast %select_n3A_329 : i32 to vector<16xi32>
    %add3A_345 = arith.addi %rem3A_331, %add3A_344 : vector<16xi32>
    %select_n3A_346 = arith.select %and3A_343, %add3A_345, %rem3A_331 : vector<16xi1>, vector<16xi32>
    %get3A_347 = arith.constant 0 : i32
    %get3A_348 = arith.index_cast %get3A_347 : i32 to index
    %get3A_349 = arith.constant 0 : index
    %get3A_350 = tpu.vector_load %arg7[%get3A_348, %get3A_349] {strides = array<i32>} : memref<50x128xi32, #tpu.memory_space<vmem>>, vector<16xi32>,
    %shift_right_arithmetic3A = arith.constant 4 : i32
    %shift_right_arithmetic3A_351 = vector.broadcast %shift_right_arithmetic3A : i32 to vector<16xi32>
    %shift_right_arithmetic3A_352 = arith.shrsi %get3A_350, %shift_right_arithmetic3A_351 : vector<16xi32>
    %swap3A = arith.constant 0 : i32
    %swap3A_353 = arith.constant 0 : i32
    %swap3A_354 = tpu.memref_slice %arg10[%swap3A, %swap3A_353] : memref<2x128xi32, #tpu.memory_space<vmem>> -> memref<1x128xi32, #tpu.memory_space<vmem>>
    %swap3A_355 = tpu.memref_squeeze %swap3A_354 : memref<1x128xi32, #tpu.memory_space<vmem>> -> memref<128xi32, #tpu.memory_space<vmem>>
    %swap3A_356 = arith.constant 0 : index
    %swap3A_357 = tpu.vector_load %swap3A_355[%swap3A_356] {strides = array<i32>} : memref<128xi32, #tpu.memory_space<vmem>>, vector<16xi32>,
    tpu.vector_store %swap3A_355[%swap3A_356], %shift_right_arithmetic3A_352 {strides = array<i32>} : memref<128xi32, #tpu.memory_space<vmem>>, vector<16xi32>,
    %get3A_358 = arith.constant 0 : i32
    %get3A_359 = arith.index_cast %get3A_358 : i32 to index
    %get3A_360 = arith.constant 16 : index
    %get3A_361 = tpu.vector_load %arg7[%get3A_359, %get3A_360] {strides = array<i32>} : memref<50x128xi32, #tpu.memory_space<vmem>>, vector<16xi32>,
    %shift_right_arithmetic3A_362 = arith.constant 4 : i32
    %shift_right_arithmetic3A_363 = vector.broadcast %shift_right_arithmetic3A_362 : i32 to vector<16xi32>
    %shift_right_arithmetic3A_364 = arith.shrsi %get3A_361, %shift_right_arithmetic3A_363 : vector<16xi32>
    %swap3A_365 = arith.constant 0 : i32
    %swap3A_366 = arith.constant 0 : i32
    %swap3A_367 = tpu.memref_slice %arg10[%swap3A_365, %swap3A_366] : memref<2x128xi32, #tpu.memory_space<vmem>> -> memref<1x128xi32, #tpu.memory_space<vmem>>
    %swap3A_368 = tpu.memref_squeeze %swap3A_367 : memref<1x128xi32, #tpu.memory_space<vmem>> -> memref<128xi32, #tpu.memory_space<vmem>>
    %swap3A_369 = arith.constant 16 : index
    %swap3A_370 = tpu.vector_load %swap3A_368[%swap3A_369] {strides = array<i32>} : memref<128xi32, #tpu.memory_space<vmem>>, vector<16xi32>,
    tpu.vector_store %swap3A_368[%swap3A_369], %shift_right_arithmetic3A_364 {strides = array<i32>} : memref<128xi32, #tpu.memory_space<vmem>>, vector<16xi32>,
    %get3A_371 = arith.constant 0 : i32
    %get3A_372 = arith.index_cast %get3A_371 : i32 to index
    %get3A_373 = arith.constant 32 : index
    %get3A_374 = tpu.vector_load %arg7[%get3A_372, %get3A_373] {strides = array<i32>} : memref<50x128xi32, #tpu.memory_space<vmem>>, vector<16xi32>,
    %shift_right_arithmetic3A_375 = arith.constant 4 : i32
    %shift_right_arithmetic3A_376 = vector.broadcast %shift_right_arithmetic3A_375 : i32 to vector<16xi32>
    %shift_right_arithmetic3A_377 = arith.shrsi %get3A_374, %shift_right_arithmetic3A_376 : vector<16xi32>
    %swap3A_378 = arith.constant 0 : i32
    %swap3A_379 = arith.constant 0 : i32
    %swap3A_380 = tpu.memref_slice %arg10[%swap3A_378, %swap3A_379] : memref<2x128xi32, #tpu.memory_space<vmem>> -> memref<1x128xi32, #tpu.memory_space<vmem>>
    %swap3A_381 = tpu.memref_squeeze %swap3A_380 : memref<1x128xi32, #tpu.memory_space<vmem>> -> memref<128xi32, #tpu.memory_space<vmem>>
    %swap3A_382 = arith.constant 32 : index
    %swap3A_383 = tpu.vector_load %swap3A_381[%swap3A_382] {strides = array<i32>} : memref<128xi32, #tpu.memory_space<vmem>>, vector<16xi32>,
    tpu.vector_store %swap3A_381[%swap3A_382], %shift_right_arithmetic3A_377 {strides = array<i32>} : memref<128xi32, #tpu.memory_space<vmem>>, vector<16xi32>,
    %get3A_384 = arith.constant 0 : i32
    %get3A_385 = arith.index_cast %get3A_384 : i32 to index
    %get3A_386 = arith.constant 48 : index
    %get3A_387 = tpu.vector_load %arg7[%get3A_385, %get3A_386] {strides = array<i32>} : memref<50x128xi32, #tpu.memory_space<vmem>>, vector<16xi32>,
    %shift_right_arithmetic3A_388 = arith.constant 4 : i32
    %shift_right_arithmetic3A_389 = vector.broadcast %shift_right_arithmetic3A_388 : i32 to vector<16xi32>
    %shift_right_arithmetic3A_390 = arith.shrsi %get3A_387, %shift_right_arithmetic3A_389 : vector<16xi32>
    %swap3A_391 = arith.constant 0 : i32
    %swap3A_392 = arith.constant 0 : i32
    %swap3A_393 = tpu.memref_slice %arg10[%swap3A_391, %swap3A_392] : memref<2x128xi32, #tpu.memory_space<vmem>> -> memref<1x128xi32, #tpu.memory_space<vmem>>
    %swap3A_394 = tpu.memref_squeeze %swap3A_393 : memref<1x128xi32, #tpu.memory_space<vmem>> -> memref<128xi32, #tpu.memory_space<vmem>>
    %swap3A_395 = arith.constant 48 : index
    %swap3A_396 = tpu.vector_load %swap3A_394[%swap3A_395] {strides = array<i32>} : memref<128xi32, #tpu.memory_space<vmem>>, vector<16xi32>,
    tpu.vector_store %swap3A_394[%swap3A_395], %shift_right_arithmetic3A_390 {strides = array<i32>} : memref<128xi32, #tpu.memory_space<vmem>>, vector<16xi32>,
    %get3A_397 = arith.constant 0 : i32
    %get3A_398 = arith.index_cast %get3A_397 : i32 to index
    %get3A_399 = arith.constant 64 : index
    %get3A_400 = tpu.vector_load %arg7[%get3A_398, %get3A_399] {strides = array<i32>} : memref<50x128xi32, #tpu.memory_space<vmem>>, vector<16xi32>,
    %shift_right_arithmetic3A_401 = arith.constant 4 : i32
    %shift_right_arithmetic3A_402 = vector.broadcast %shift_right_arithmetic3A_401 : i32 to vector<16xi32>
    %shift_right_arithmetic3A_403 = arith.shrsi %get3A_400, %shift_right_arithmetic3A_402 : vector<16xi32>
    %swap3A_404 = arith.constant 0 : i32
    %swap3A_405 = arith.constant 0 : i32
    %swap3A_406 = tpu.memref_slice %arg10[%swap3A_404, %swap3A_405] : memref<2x128xi32, #tpu.memory_space<vmem>> -> memref<1x128xi32, #tpu.memory_space<vmem>>
    %swap3A_407 = tpu.memref_squeeze %swap3A_406 : memref<1x128xi32, #tpu.memory_space<vmem>> -> memref<128xi32, #tpu.memory_space<vmem>>
    %swap3A_408 = arith.constant 64 : index
    %swap3A_409 = tpu.vector_load %swap3A_407[%swap3A_408] {strides = array<i32>} : memref<128xi32, #tpu.memory_space<vmem>>, vector<16xi32>,
    tpu.vector_store %swap3A_407[%swap3A_408], %shift_right_arithmetic3A_403 {strides = array<i32>} : memref<128xi32, #tpu.memory_space<vmem>>, vector<16xi32>,
    %get3A_410 = arith.constant 0 : i32
    %get3A_411 = arith.index_cast %get3A_410 : i32 to index
    %get3A_412 = arith.constant 80 : index
    %get3A_413 = tpu.vector_load %arg7[%get3A_411, %get3A_412] {strides = array<i32>} : memref<50x128xi32, #tpu.memory_space<vmem>>, vector<16xi32>,
    %shift_right_arithmetic3A_414 = arith.constant 4 : i32
    %shift_right_arithmetic3A_415 = vector.broadcast %shift_right_arithmetic3A_414 : i32 to vector<16xi32>
    %shift_right_arithmetic3A_416 = arith.shrsi %get3A_413, %shift_right_arithmetic3A_415 : vector<16xi32>
    %swap3A_417 = arith.constant 0 : i32
    %swap3A_418 = arith.constant 0 : i32
    %swap3A_419 = tpu.memref_slice %arg10[%swap3A_417, %swap3A_418] : memref<2x128xi32, #tpu.memory_space<vmem>> -> memref<1x128xi32, #tpu.memory_space<vmem>>
    %swap3A_420 = tpu.memref_squeeze %swap3A_419 : memref<1x128xi32, #tpu.memory_space<vmem>> -> memref<128xi32, #tpu.memory_space<vmem>>
    %swap3A_421 = arith.constant 80 : index
    %swap3A_422 = tpu.vector_load %swap3A_420[%swap3A_421] {strides = array<i32>} : memref<128xi32, #tpu.memory_space<vmem>>, vector<16xi32>,
    tpu.vector_store %swap3A_420[%swap3A_421], %shift_right_arithmetic3A_416 {strides = array<i32>} : memref<128xi32, #tpu.memory_space<vmem>>, vector<16xi32>,
    %get3A_423 = arith.constant 0 : i32
    %get3A_424 = arith.index_cast %get3A_423 : i32 to index
    %get3A_425 = arith.constant 96 : index
    %get3A_426 = tpu.vector_load %arg7[%get3A_424, %get3A_425] {strides = array<i32>} : memref<50x128xi32, #tpu.memory_space<vmem>>, vector<16xi32>,
    %shift_right_arithmetic3A_427 = arith.constant 4 : i32
    %shift_right_arithmetic3A_428 = vector.broadcast %shift_right_arithmetic3A_427 : i32 to vector<16xi32>
    %shift_right_arithmetic3A_429 = arith.shrsi %get3A_426, %shift_right_arithmetic3A_428 : vector<16xi32>
    %swap3A_430 = arith.constant 0 : i32
    %swap3A_431 = arith.constant 0 : i32
    %swap3A_432 = tpu.memref_slice %arg10[%swap3A_430, %swap3A_431] : memref<2x128xi32, #tpu.memory_space<vmem>> -> memref<1x128xi32, #tpu.memory_space<vmem>>
    %swap3A_433 = tpu.memref_squeeze %swap3A_432 : memref<1x128xi32, #tpu.memory_space<vmem>> -> memref<128xi32, #tpu.memory_space<vmem>>
    %swap3A_434 = arith.constant 96 : index
    %swap3A_435 = tpu.vector_load %swap3A_433[%swap3A_434] {strides = array<i32>} : memref<128xi32, #tpu.memory_space<vmem>>, vector<16xi32>,
    tpu.vector_store %swap3A_433[%swap3A_434], %shift_right_arithmetic3A_429 {strides = array<i32>} : memref<128xi32, #tpu.memory_space<vmem>>, vector<16xi32>,
    %get3A_436 = arith.constant 0 : i32
    %get3A_437 = arith.index_cast %get3A_436 : i32 to index
    %get3A_438 = arith.constant 112 : index
    %get3A_439 = tpu.vector_load %arg7[%get3A_437, %get3A_438] {strides = array<i32>} : memref<50x128xi32, #tpu.memory_space<vmem>>, vector<16xi32>,
    %shift_right_arithmetic3A_440 = arith.constant 4 : i32
    %shift_right_arithmetic3A_441 = vector.broadcast %shift_right_arithmetic3A_440 : i32 to vector<16xi32>
    %shift_right_arithmetic3A_442 = arith.shrsi %get3A_439, %shift_right_arithmetic3A_441 : vector<16xi32>
    %swap3A_443 = arith.constant 0 : i32
    %swap3A_444 = arith.constant 0 : i32
    %swap3A_445 = tpu.memref_slice %arg10[%swap3A_443, %swap3A_444] : memref<2x128xi32, #tpu.memory_space<vmem>> -> memref<1x128xi32, #tpu.memory_space<vmem>>
    %swap3A_446 = tpu.memref_squeeze %swap3A_445 : memref<1x128xi32, #tpu.memory_space<vmem>> -> memref<128xi32, #tpu.memory_space<vmem>>
    %swap3A_447 = arith.constant 112 : index
    %swap3A_448 = tpu.vector_load %swap3A_446[%swap3A_447] {strides = array<i32>} : memref<128xi32, #tpu.memory_space<vmem>>, vector<16xi32>,
    tpu.vector_store %swap3A_446[%swap3A_447], %shift_right_arithmetic3A_442 {strides = array<i32>} : memref<128xi32, #tpu.memory_space<vmem>>, vector<16xi32>,
    %dma_start3A = arith.constant 0 : i32
    %dma_start3A_449 = arith.constant 0 : i32
    %dma_start3A_450 = arith.constant 0 : i32
    %dma_start3A_451 = arith.constant 0 : i32
    %dma_start3A_452 = tpu.memref_slice %arg8[%dma_start3A_449, %dma_start3A_450, %dma_start3A_451] : memref<2x128x64xf32, #tpu.memory_space<vmem>> -> memref<1x128x64xf32, #tpu.memory_space<vmem>>
    %dma_start3A_453 = tpu.memref_squeeze %dma_start3A_452 : memref<1x128x64xf32, #tpu.memory_space<vmem>> -> memref<128x64xf32, #tpu.memory_space<vmem>>
    %dma_start3A_454 = arith.constant 0 : i32
    %dma_start3A_455 = tpu.memref_slice %arg7[%dma_start3A, %dma_start3A_454] : memref<50x128xi32, #tpu.memory_space<vmem>> -> memref<1x128xi32, #tpu.memory_space<vmem>>
    %dma_start3A_456 = tpu.memref_squeeze %dma_start3A_455 : memref<1x128xi32, #tpu.memory_space<vmem>> -> memref<128xi32, #tpu.memory_space<vmem>>
    %dma_start3A_457 = arith.constant 0 : i32
    %dma_start3A_458 = arith.constant 0 : i32
    %dma_start3A_459 = tpu.memref_slice %arg3[%dma_start3A_457, %dma_start3A_458] : memref<1000000x64xf32, #tpu.memory_space<hbm>> -> memref<1000000x64xf32, #tpu.memory_space<hbm>>
    tpu.enqueue_indirect_dma source(%dma_start3A_459 : memref<1000000x64xf32, #tpu.memory_space<hbm>>) target(%dma_start3A_453 : memref<128x64xf32, #tpu.memory_space<vmem>>) offsets(%dma_start3A_456 : memref<128xi32, #tpu.memory_space<vmem>>) semaphore(%arg13 : memref<!tpu.dma_semaphore, #tpu.memory_space<semaphore_mem>>)
    %dma_start3A_460 = arith.constant 0 : i32
    %dma_start3A_461 = arith.constant 0 : i32
    %dma_start3A_462 = arith.constant 0 : i32
    %dma_start3A_463 = arith.constant 0 : i32
    %dma_start3A_464 = tpu.memref_slice %arg9[%dma_start3A_461, %dma_start3A_462, %dma_start3A_463] : memref<2x128x128xf32, #tpu.memory_space<vmem>> -> memref<1x128x128xf32, #tpu.memory_space<vmem>>
    %dma_start3A_465 = tpu.memref_squeeze %dma_start3A_464 : memref<1x128x128xf32, #tpu.memory_space<vmem>> -> memref<128x128xf32, #tpu.memory_space<vmem>>
    %dma_start3A_466 = arith.constant 0 : i32
    %dma_start3A_467 = tpu.memref_slice %arg10[%dma_start3A_460, %dma_start3A_466] : memref<2x128xi32, #tpu.memory_space<vmem>> -> memref<1x128xi32, #tpu.memory_space<vmem>>
    %dma_start3A_468 = tpu.memref_squeeze %dma_start3A_467 : memref<1x128xi32, #tpu.memory_space<vmem>> -> memref<128xi32, #tpu.memory_space<vmem>>
    %dma_start3A_469 = arith.constant 0 : i32
    %dma_start3A_470 = arith.constant 0 : i32
    %dma_start3A_471 = tpu.memref_slice %arg4[%dma_start3A_469, %dma_start3A_470] : memref<62500x128xf32, #tpu.memory_space<hbm>> -> memref<62500x128xf32, #tpu.memory_space<hbm>>
    tpu.enqueue_indirect_dma source(%dma_start3A_471 : memref<62500x128xf32, #tpu.memory_space<hbm>>) target(%dma_start3A_465 : memref<128x128xf32, #tpu.memory_space<vmem>>) offsets(%dma_start3A_468 : memref<128xi32, #tpu.memory_space<vmem>>) semaphore(%arg13 : memref<!tpu.dma_semaphore, #tpu.memory_space<semaphore_mem>>)
    %scan3A = arith.constant 0 : i32
    %scan3A_472 = arith.constant 1 : i32
    %scan3A_473 = arith.constant 1 : i32
    %scan3A_474 = arith.constant 1 : i32
    %scan3A_475 = arith.constant 0 : i32
    %scan3A_476 = arith.constant 0 : i32
    %scan3A_477 = arith.constant 0 : i32
    %scan3A_478 = arith.constant 0 : i32
    %scan3A_479 = arith.constant 1 : i32
    %scan3A_480 = arith.constant 0 : i32
    %scan3A_481 = arith.constant 25 : i32
    %scan3A_482 = arith.addi %scan3A_480, %scan3A_481 : i32
    %scan3A_483 = arith.constant 1 : i32
    scf.for %scan3A_544 = %scan3A_480 to %scan3A_482 step %scan3A_483  : i32 {
      %mul3A_545 = arith.constant 2 : i32
      %mul3A_546 = arith.muli %scan3A_544, %mul3A_545 : i32
      %add3A_547 = arith.constant 0 : i32
      %add3A_548 = arith.addi %mul3A_546, %add3A_547 : i32
      %add3A_549 = arith.constant 1 : i32
      %add3A_550 = arith.addi %add3A_548, %add3A_549 : i32
      %lt3A_551 = arith.constant 50 : i32
      %lt3A_552 = arith.cmpi slt, %add3A_550, %lt3A_551 : i32
      %convert_element_type3A = arith.extui %lt3A_552 : i1 to i32
      %cond3A = arith.constant 0 : i32
      %cond3A_553 = arith.cmpi ne, %convert_element_type3A, %cond3A : i32
      scf.if %cond3A_553 {
        %add3A_859 = arith.constant 1 : i32
        %add3A_860 = arith.addi %add3A_548, %add3A_859 : i32
        %get3A_861 = arith.index_cast %add3A_860 : i32 to index
        %get3A_862 = arith.constant 0 : index
        %get3A_863 = tpu.vector_load %arg7[%get3A_861, %get3A_862] {strides = array<i32>} : memref<50x128xi32, #tpu.memory_space<vmem>>, vector<16xi32>,
        %shift_right_arithmetic3A_864 = arith.constant 4 : i32
        %shift_right_arithmetic3A_865 = vector.broadcast %shift_right_arithmetic3A_864 : i32 to vector<16xi32>
        %shift_right_arithmetic3A_866 = arith.shrsi %get3A_863, %shift_right_arithmetic3A_865 : vector<16xi32>
        %swap3A_867 = arith.constant 0 : i32
        %swap3A_868 = tpu.memref_slice %arg10[%scan3A_472, %swap3A_867] : memref<2x128xi32, #tpu.memory_space<vmem>> -> memref<1x128xi32, #tpu.memory_space<vmem>>
        %swap3A_869 = tpu.memref_squeeze %swap3A_868 : memref<1x128xi32, #tpu.memory_space<vmem>> -> memref<128xi32, #tpu.memory_space<vmem>>
        %swap3A_870 = arith.constant 0 : index
        %swap3A_871 = tpu.vector_load %swap3A_869[%swap3A_870] {strides = array<i32>} : memref<128xi32, #tpu.memory_space<vmem>>, vector<16xi32>,
        tpu.vector_store %swap3A_869[%swap3A_870], %shift_right_arithmetic3A_866 {strides = array<i32>} : memref<128xi32, #tpu.memory_space<vmem>>, vector<16xi32>,
        %get3A_872 = arith.index_cast %add3A_860 : i32 to index
        %get3A_873 = arith.constant 16 : index
        %get3A_874 = tpu.vector_load %arg7[%get3A_872, %get3A_873] {strides = array<i32>} : memref<50x128xi32, #tpu.memory_space<vmem>>, vector<16xi32>,
        %shift_right_arithmetic3A_875 = arith.constant 4 : i32
        %shift_right_arithmetic3A_876 = vector.broadcast %shift_right_arithmetic3A_875 : i32 to vector<16xi32>
        %shift_right_arithmetic3A_877 = arith.shrsi %get3A_874, %shift_right_arithmetic3A_876 : vector<16xi32>
        %swap3A_878 = arith.constant 0 : i32
        %swap3A_879 = tpu.memref_slice %arg10[%scan3A_472, %swap3A_878] : memref<2x128xi32, #tpu.memory_space<vmem>> -> memref<1x128xi32, #tpu.memory_space<vmem>>
        %swap3A_880 = tpu.memref_squeeze %swap3A_879 : memref<1x128xi32, #tpu.memory_space<vmem>> -> memref<128xi32, #tpu.memory_space<vmem>>
        %swap3A_881 = arith.constant 16 : index
        %swap3A_882 = tpu.vector_load %swap3A_880[%swap3A_881] {strides = array<i32>} : memref<128xi32, #tpu.memory_space<vmem>>, vector<16xi32>,
        tpu.vector_store %swap3A_880[%swap3A_881], %shift_right_arithmetic3A_877 {strides = array<i32>} : memref<128xi32, #tpu.memory_space<vmem>>, vector<16xi32>,
        %get3A_883 = arith.index_cast %add3A_860 : i32 to index
        %get3A_884 = arith.constant 32 : index
        %get3A_885 = tpu.vector_load %arg7[%get3A_883, %get3A_884] {strides = array<i32>} : memref<50x128xi32, #tpu.memory_space<vmem>>, vector<16xi32>,
        %shift_right_arithmetic3A_886 = arith.constant 4 : i32
        %shift_right_arithmetic3A_887 = vector.broadcast %shift_right_arithmetic3A_886 : i32 to vector<16xi32>
        %shift_right_arithmetic3A_888 = arith.shrsi %get3A_885, %shift_right_arithmetic3A_887 : vector<16xi32>
        %swap3A_889 = arith.constant 0 : i32
        %swap3A_890 = tpu.memref_slice %arg10[%scan3A_472, %swap3A_889] : memref<2x128xi32, #tpu.memory_space<vmem>> -> memref<1x128xi32, #tpu.memory_space<vmem>>
        %swap3A_891 = tpu.memref_squeeze %swap3A_890 : memref<1x128xi32, #tpu.memory_space<vmem>> -> memref<128xi32, #tpu.memory_space<vmem>>
        %swap3A_892 = arith.constant 32 : index
        %swap3A_893 = tpu.vector_load %swap3A_891[%swap3A_892] {strides = array<i32>} : memref<128xi32, #tpu.memory_space<vmem>>, vector<16xi32>,
        tpu.vector_store %swap3A_891[%swap3A_892], %shift_right_arithmetic3A_888 {strides = array<i32>} : memref<128xi32, #tpu.memory_space<vmem>>, vector<16xi32>,
        %get3A_894 = arith.index_cast %add3A_860 : i32 to index
        %get3A_895 = arith.constant 48 : index
        %get3A_896 = tpu.vector_load %arg7[%get3A_894, %get3A_895] {strides = array<i32>} : memref<50x128xi32, #tpu.memory_space<vmem>>, vector<16xi32>,
        %shift_right_arithmetic3A_897 = arith.constant 4 : i32
        %shift_right_arithmetic3A_898 = vector.broadcast %shift_right_arithmetic3A_897 : i32 to vector<16xi32>
        %shift_right_arithmetic3A_899 = arith.shrsi %get3A_896, %shift_right_arithmetic3A_898 : vector<16xi32>
        %swap3A_900 = arith.constant 0 : i32
        %swap3A_901 = tpu.memref_slice %arg10[%scan3A_472, %swap3A_900] : memref<2x128xi32, #tpu.memory_space<vmem>> -> memref<1x128xi32, #tpu.memory_space<vmem>>
        %swap3A_902 = tpu.memref_squeeze %swap3A_901 : memref<1x128xi32, #tpu.memory_space<vmem>> -> memref<128xi32, #tpu.memory_space<vmem>>
        %swap3A_903 = arith.constant 48 : index
        %swap3A_904 = tpu.vector_load %swap3A_902[%swap3A_903] {strides = array<i32>} : memref<128xi32, #tpu.memory_space<vmem>>, vector<16xi32>,
        tpu.vector_store %swap3A_902[%swap3A_903], %shift_right_arithmetic3A_899 {strides = array<i32>} : memref<128xi32, #tpu.memory_space<vmem>>, vector<16xi32>,
        %get3A_905 = arith.index_cast %add3A_860 : i32 to index
        %get3A_906 = arith.constant 64 : index
        %get3A_907 = tpu.vector_load %arg7[%get3A_905, %get3A_906] {strides = array<i32>} : memref<50x128xi32, #tpu.memory_space<vmem>>, vector<16xi32>,
        %shift_right_arithmetic3A_908 = arith.constant 4 : i32
        %shift_right_arithmetic3A_909 = vector.broadcast %shift_right_arithmetic3A_908 : i32 to vector<16xi32>
        %shift_right_arithmetic3A_910 = arith.shrsi %get3A_907, %shift_right_arithmetic3A_909 : vector<16xi32>
        %swap3A_911 = arith.constant 0 : i32
        %swap3A_912 = tpu.memref_slice %arg10[%scan3A_472, %swap3A_911] : memref<2x128xi32, #tpu.memory_space<vmem>> -> memref<1x128xi32, #tpu.memory_space<vmem>>
        %swap3A_913 = tpu.memref_squeeze %swap3A_912 : memref<1x128xi32, #tpu.memory_space<vmem>> -> memref<128xi32, #tpu.memory_space<vmem>>
        %swap3A_914 = arith.constant 64 : index
        %swap3A_915 = tpu.vector_load %swap3A_913[%swap3A_914] {strides = array<i32>} : memref<128xi32, #tpu.memory_space<vmem>>, vector<16xi32>,
        tpu.vector_store %swap3A_913[%swap3A_914], %shift_right_arithmetic3A_910 {strides = array<i32>} : memref<128xi32, #tpu.memory_space<vmem>>, vector<16xi32>,
        %get3A_916 = arith.index_cast %add3A_860 : i32 to index
        %get3A_917 = arith.constant 80 : index
        %get3A_918 = tpu.vector_load %arg7[%get3A_916, %get3A_917] {strides = array<i32>} : memref<50x128xi32, #tpu.memory_space<vmem>>, vector<16xi32>,
        %shift_right_arithmetic3A_919 = arith.constant 4 : i32
        %shift_right_arithmetic3A_920 = vector.broadcast %shift_right_arithmetic3A_919 : i32 to vector<16xi32>
        %shift_right_arithmetic3A_921 = arith.shrsi %get3A_918, %shift_right_arithmetic3A_920 : vector<16xi32>
        %swap3A_922 = arith.constant 0 : i32
        %swap3A_923 = tpu.memref_slice %arg10[%scan3A_472, %swap3A_922] : memref<2x128xi32, #tpu.memory_space<vmem>> -> memref<1x128xi32, #tpu.memory_space<vmem>>
        %swap3A_924 = tpu.memref_squeeze %swap3A_923 : memref<1x128xi32, #tpu.memory_space<vmem>> -> memref<128xi32, #tpu.memory_space<vmem>>
        %swap3A_925 = arith.constant 80 : index
        %swap3A_926 = tpu.vector_load %swap3A_924[%swap3A_925] {strides = array<i32>} : memref<128xi32, #tpu.memory_space<vmem>>, vector<16xi32>,
        tpu.vector_store %swap3A_924[%swap3A_925], %shift_right_arithmetic3A_921 {strides = array<i32>} : memref<128xi32, #tpu.memory_space<vmem>>, vector<16xi32>,
        %get3A_927 = arith.index_cast %add3A_860 : i32 to index
        %get3A_928 = arith.constant 96 : index
        %get3A_929 = tpu.vector_load %arg7[%get3A_927, %get3A_928] {strides = array<i32>} : memref<50x128xi32, #tpu.memory_space<vmem>>, vector<16xi32>,
        %shift_right_arithmetic3A_930 = arith.constant 4 : i32
        %shift_right_arithmetic3A_931 = vector.broadcast %shift_right_arithmetic3A_930 : i32 to vector<16xi32>
        %shift_right_arithmetic3A_932 = arith.shrsi %get3A_929, %shift_right_arithmetic3A_931 : vector<16xi32>
        %swap3A_933 = arith.constant 0 : i32
        %swap3A_934 = tpu.memref_slice %arg10[%scan3A_472, %swap3A_933] : memref<2x128xi32, #tpu.memory_space<vmem>> -> memref<1x128xi32, #tpu.memory_space<vmem>>
        %swap3A_935 = tpu.memref_squeeze %swap3A_934 : memref<1x128xi32, #tpu.memory_space<vmem>> -> memref<128xi32, #tpu.memory_space<vmem>>
        %swap3A_936 = arith.constant 96 : index
        %swap3A_937 = tpu.vector_load %swap3A_935[%swap3A_936] {strides = array<i32>} : memref<128xi32, #tpu.memory_space<vmem>>, vector<16xi32>,
        tpu.vector_store %swap3A_935[%swap3A_936], %shift_right_arithmetic3A_932 {strides = array<i32>} : memref<128xi32, #tpu.memory_space<vmem>>, vector<16xi32>,
        %get3A_938 = arith.index_cast %add3A_860 : i32 to index
        %get3A_939 = arith.constant 112 : index
        %get3A_940 = tpu.vector_load %arg7[%get3A_938, %get3A_939] {strides = array<i32>} : memref<50x128xi32, #tpu.memory_space<vmem>>, vector<16xi32>,
        %shift_right_arithmetic3A_941 = arith.constant 4 : i32
        %shift_right_arithmetic3A_942 = vector.broadcast %shift_right_arithmetic3A_941 : i32 to vector<16xi32>
        %shift_right_arithmetic3A_943 = arith.shrsi %get3A_940, %shift_right_arithmetic3A_942 : vector<16xi32>
        %swap3A_944 = arith.constant 0 : i32
        %swap3A_945 = tpu.memref_slice %arg10[%scan3A_472, %swap3A_944] : memref<2x128xi32, #tpu.memory_space<vmem>> -> memref<1x128xi32, #tpu.memory_space<vmem>>
        %swap3A_946 = tpu.memref_squeeze %swap3A_945 : memref<1x128xi32, #tpu.memory_space<vmem>> -> memref<128xi32, #tpu.memory_space<vmem>>
        %swap3A_947 = arith.constant 112 : index
        %swap3A_948 = tpu.vector_load %swap3A_946[%swap3A_947] {strides = array<i32>} : memref<128xi32, #tpu.memory_space<vmem>>, vector<16xi32>,
        tpu.vector_store %swap3A_946[%swap3A_947], %shift_right_arithmetic3A_943 {strides = array<i32>} : memref<128xi32, #tpu.memory_space<vmem>>, vector<16xi32>,
        %dma_start3A_949 = arith.constant 0 : i32
        %dma_start3A_950 = arith.constant 0 : i32
        %dma_start3A_951 = tpu.memref_slice %arg8[%scan3A_473, %dma_start3A_949, %dma_start3A_950] : memref<2x128x64xf32, #tpu.memory_space<vmem>> -> memref<1x128x64xf32, #tpu.memory_space<vmem>>
        %dma_start3A_952 = tpu.memref_squeeze %dma_start3A_951 : memref<1x128x64xf32, #tpu.memory_space<vmem>> -> memref<128x64xf32, #tpu.memory_space<vmem>>
        %dma_start3A_953 = arith.constant 0 : i32
        %dma_start3A_954 = tpu.memref_slice %arg7[%add3A_860, %dma_start3A_953] : memref<50x128xi32, #tpu.memory_space<vmem>> -> memref<1x128xi32, #tpu.memory_space<vmem>>
        %dma_start3A_955 = tpu.memref_squeeze %dma_start3A_954 : memref<1x128xi32, #tpu.memory_space<vmem>> -> memref<128xi32, #tpu.memory_space<vmem>>
        %dma_start3A_956 = arith.constant 0 : i32
        %dma_start3A_957 = arith.constant 0 : i32
        %dma_start3A_958 = tpu.memref_slice %arg3[%dma_start3A_956, %dma_start3A_957] : memref<1000000x64xf32, #tpu.memory_space<hbm>> -> memref<1000000x64xf32, #tpu.memory_space<hbm>>
        tpu.enqueue_indirect_dma source(%dma_start3A_958 : memref<1000000x64xf32, #tpu.memory_space<hbm>>) target(%dma_start3A_952 : memref<128x64xf32, #tpu.memory_space<vmem>>) offsets(%dma_start3A_955 : memref<128xi32, #tpu.memory_space<vmem>>) semaphore(%arg14 : memref<!tpu.dma_semaphore, #tpu.memory_space<semaphore_mem>>)
        %dma_start3A_959 = arith.constant 0 : i32
        %dma_start3A_960 = arith.constant 0 : i32
        %dma_start3A_961 = tpu.memref_slice %arg9[%scan3A_474, %dma_start3A_959, %dma_start3A_960] : memref<2x128x128xf32, #tpu.memory_space<vmem>> -> memref<1x128x128xf32, #tpu.memory_space<vmem>>
        %dma_start3A_962 = tpu.memref_squeeze %dma_start3A_961 : memref<1x128x128xf32, #tpu.memory_space<vmem>> -> memref<128x128xf32, #tpu.memory_space<vmem>>
        %dma_start3A_963 = arith.constant 0 : i32
        %dma_start3A_964 = tpu.memref_slice %arg10[%scan3A_472, %dma_start3A_963] : memref<2x128xi32, #tpu.memory_space<vmem>> -> memref<1x128xi32, #tpu.memory_space<vmem>>
        %dma_start3A_965 = tpu.memref_squeeze %dma_start3A_964 : memref<1x128xi32, #tpu.memory_space<vmem>> -> memref<128xi32, #tpu.memory_space<vmem>>
        %dma_start3A_966 = arith.constant 0 : i32
        %dma_start3A_967 = arith.constant 0 : i32
        %dma_start3A_968 = tpu.memref_slice %arg4[%dma_start3A_966, %dma_start3A_967] : memref<62500x128xf32, #tpu.memory_space<hbm>> -> memref<62500x128xf32, #tpu.memory_space<hbm>>
        tpu.enqueue_indirect_dma source(%dma_start3A_968 : memref<62500x128xf32, #tpu.memory_space<hbm>>) target(%dma_start3A_962 : memref<128x128xf32, #tpu.memory_space<vmem>>) offsets(%dma_start3A_965 : memref<128xi32, #tpu.memory_space<vmem>>) semaphore(%arg14 : memref<!tpu.dma_semaphore, #tpu.memory_space<semaphore_mem>>)
      } else {
      }
      %get3A_554 = arith.index_cast %add3A_548 : i32 to index
      %get3A_555 = arith.constant 0 : index
      %get3A_556 = tpu.vector_load %arg7[%get3A_554, %get3A_555] {strides = array<i32>} : memref<50x128xi32, #tpu.memory_space<vmem>>, vector<16xi32>,
      %shift_right_arithmetic3A_557 = arith.constant 4 : i32
      %shift_right_arithmetic3A_558 = vector.broadcast %shift_right_arithmetic3A_557 : i32 to vector<16xi32>
      %shift_right_arithmetic3A_559 = arith.shrsi %get3A_556, %shift_right_arithmetic3A_558 : vector<16xi32>
      %swap3A_560 = arith.constant 0 : i32
      %swap3A_561 = tpu.memref_slice %arg10[%scan3A_475, %swap3A_560] : memref<2x128xi32, #tpu.memory_space<vmem>> -> memref<1x128xi32, #tpu.memory_space<vmem>>
      %swap3A_562 = tpu.memref_squeeze %swap3A_561 : memref<1x128xi32, #tpu.memory_space<vmem>> -> memref<128xi32, #tpu.memory_space<vmem>>
      %swap3A_563 = arith.constant 0 : index
      %swap3A_564 = tpu.vector_load %swap3A_562[%swap3A_563] {strides = array<i32>} : memref<128xi32, #tpu.memory_space<vmem>>, vector<16xi32>,
      tpu.vector_store %swap3A_562[%swap3A_563], %shift_right_arithmetic3A_559 {strides = array<i32>} : memref<128xi32, #tpu.memory_space<vmem>>, vector<16xi32>,
      %get3A_565 = arith.index_cast %add3A_548 : i32 to index
      %get3A_566 = arith.constant 16 : index
      %get3A_567 = tpu.vector_load %arg7[%get3A_565, %get3A_566] {strides = array<i32>} : memref<50x128xi32, #tpu.memory_space<vmem>>, vector<16xi32>,
      %shift_right_arithmetic3A_568 = arith.constant 4 : i32
      %shift_right_arithmetic3A_569 = vector.broadcast %shift_right_arithmetic3A_568 : i32 to vector<16xi32>
      %shift_right_arithmetic3A_570 = arith.shrsi %get3A_567, %shift_right_arithmetic3A_569 : vector<16xi32>
      %swap3A_571 = arith.constant 0 : i32
      %swap3A_572 = tpu.memref_slice %arg10[%scan3A_475, %swap3A_571] : memref<2x128xi32, #tpu.memory_space<vmem>> -> memref<1x128xi32, #tpu.memory_space<vmem>>
      %swap3A_573 = tpu.memref_squeeze %swap3A_572 : memref<1x128xi32, #tpu.memory_space<vmem>> -> memref<128xi32, #tpu.memory_space<vmem>>
      %swap3A_574 = arith.constant 16 : index
      %swap3A_575 = tpu.vector_load %swap3A_573[%swap3A_574] {strides = array<i32>} : memref<128xi32, #tpu.memory_space<vmem>>, vector<16xi32>,
      tpu.vector_store %swap3A_573[%swap3A_574], %shift_right_arithmetic3A_570 {strides = array<i32>} : memref<128xi32, #tpu.memory_space<vmem>>, vector<16xi32>,
      %get3A_576 = arith.index_cast %add3A_548 : i32 to index
      %get3A_577 = arith.constant 32 : index
      %get3A_578 = tpu.vector_load %arg7[%get3A_576, %get3A_577] {strides = array<i32>} : memref<50x128xi32, #tpu.memory_space<vmem>>, vector<16xi32>,
      %shift_right_arithmetic3A_579 = arith.constant 4 : i32
      %shift_right_arithmetic3A_580 = vector.broadcast %shift_right_arithmetic3A_579 : i32 to vector<16xi32>
      %shift_right_arithmetic3A_581 = arith.shrsi %get3A_578, %shift_right_arithmetic3A_580 : vector<16xi32>
      %swap3A_582 = arith.constant 0 : i32
      %swap3A_583 = tpu.memref_slice %arg10[%scan3A_475, %swap3A_582] : memref<2x128xi32, #tpu.memory_space<vmem>> -> memref<1x128xi32, #tpu.memory_space<vmem>>
      %swap3A_584 = tpu.memref_squeeze %swap3A_583 : memref<1x128xi32, #tpu.memory_space<vmem>> -> memref<128xi32, #tpu.memory_space<vmem>>
      %swap3A_585 = arith.constant 32 : index
      %swap3A_586 = tpu.vector_load %swap3A_584[%swap3A_585] {strides = array<i32>} : memref<128xi32, #tpu.memory_space<vmem>>, vector<16xi32>,
      tpu.vector_store %swap3A_584[%swap3A_585], %shift_right_arithmetic3A_581 {strides = array<i32>} : memref<128xi32, #tpu.memory_space<vmem>>, vector<16xi32>,
      %get3A_587 = arith.index_cast %add3A_548 : i32 to index
      %get3A_588 = arith.constant 48 : index
      %get3A_589 = tpu.vector_load %arg7[%get3A_587, %get3A_588] {strides = array<i32>} : memref<50x128xi32, #tpu.memory_space<vmem>>, vector<16xi32>,
      %shift_right_arithmetic3A_590 = arith.constant 4 : i32
      %shift_right_arithmetic3A_591 = vector.broadcast %shift_right_arithmetic3A_590 : i32 to vector<16xi32>
      %shift_right_arithmetic3A_592 = arith.shrsi %get3A_589, %shift_right_arithmetic3A_591 : vector<16xi32>
      %swap3A_593 = arith.constant 0 : i32
      %swap3A_594 = tpu.memref_slice %arg10[%scan3A_475, %swap3A_593] : memref<2x128xi32, #tpu.memory_space<vmem>> -> memref<1x128xi32, #tpu.memory_space<vmem>>
      %swap3A_595 = tpu.memref_squeeze %swap3A_594 : memref<1x128xi32, #tpu.memory_space<vmem>> -> memref<128xi32, #tpu.memory_space<vmem>>
      %swap3A_596 = arith.constant 48 : index
      %swap3A_597 = tpu.vector_load %swap3A_595[%swap3A_596] {strides = array<i32>} : memref<128xi32, #tpu.memory_space<vmem>>, vector<16xi32>,
      tpu.vector_store %swap3A_595[%swap3A_596], %shift_right_arithmetic3A_592 {strides = array<i32>} : memref<128xi32, #tpu.memory_space<vmem>>, vector<16xi32>,
      %get3A_598 = arith.index_cast %add3A_548 : i32 to index
      %get3A_599 = arith.constant 64 : index
      %get3A_600 = tpu.vector_load %arg7[%get3A_598, %get3A_599] {strides = array<i32>} : memref<50x128xi32, #tpu.memory_space<vmem>>, vector<16xi32>,
      %shift_right_arithmetic3A_601 = arith.constant 4 : i32
      %shift_right_arithmetic3A_602 = vector.broadcast %shift_right_arithmetic3A_601 : i32 to vector<16xi32>
      %shift_right_arithmetic3A_603 = arith.shrsi %get3A_600, %shift_right_arithmetic3A_602 : vector<16xi32>
      %swap3A_604 = arith.constant 0 : i32
      %swap3A_605 = tpu.memref_slice %arg10[%scan3A_475, %swap3A_604] : memref<2x128xi32, #tpu.memory_space<vmem>> -> memref<1x128xi32, #tpu.memory_space<vmem>>
      %swap3A_606 = tpu.memref_squeeze %swap3A_605 : memref<1x128xi32, #tpu.memory_space<vmem>> -> memref<128xi32, #tpu.memory_space<vmem>>
      %swap3A_607 = arith.constant 64 : index
      %swap3A_608 = tpu.vector_load %swap3A_606[%swap3A_607] {strides = array<i32>} : memref<128xi32, #tpu.memory_space<vmem>>, vector<16xi32>,
      tpu.vector_store %swap3A_606[%swap3A_607], %shift_right_arithmetic3A_603 {strides = array<i32>} : memref<128xi32, #tpu.memory_space<vmem>>, vector<16xi32>,
      %get3A_609 = arith.index_cast %add3A_548 : i32 to index
      %get3A_610 = arith.constant 80 : index
      %get3A_611 = tpu.vector_load %arg7[%get3A_609, %get3A_610] {strides = array<i32>} : memref<50x128xi32, #tpu.memory_space<vmem>>, vector<16xi32>,
      %shift_right_arithmetic3A_612 = arith.constant 4 : i32
      %shift_right_arithmetic3A_613 = vector.broadcast %shift_right_arithmetic3A_612 : i32 to vector<16xi32>
      %shift_right_arithmetic3A_614 = arith.shrsi %get3A_611, %shift_right_arithmetic3A_613 : vector<16xi32>
      %swap3A_615 = arith.constant 0 : i32
      %swap3A_616 = tpu.memref_slice %arg10[%scan3A_475, %swap3A_615] : memref<2x128xi32, #tpu.memory_space<vmem>> -> memref<1x128xi32, #tpu.memory_space<vmem>>
      %swap3A_617 = tpu.memref_squeeze %swap3A_616 : memref<1x128xi32, #tpu.memory_space<vmem>> -> memref<128xi32, #tpu.memory_space<vmem>>
      %swap3A_618 = arith.constant 80 : index
      %swap3A_619 = tpu.vector_load %swap3A_617[%swap3A_618] {strides = array<i32>} : memref<128xi32, #tpu.memory_space<vmem>>, vector<16xi32>,
      tpu.vector_store %swap3A_617[%swap3A_618], %shift_right_arithmetic3A_614 {strides = array<i32>} : memref<128xi32, #tpu.memory_space<vmem>>, vector<16xi32>,
      %get3A_620 = arith.index_cast %add3A_548 : i32 to index
      %get3A_621 = arith.constant 96 : index
      %get3A_622 = tpu.vector_load %arg7[%get3A_620, %get3A_621] {strides = array<i32>} : memref<50x128xi32, #tpu.memory_space<vmem>>, vector<16xi32>,
      %shift_right_arithmetic3A_623 = arith.constant 4 : i32
      %shift_right_arithmetic3A_624 = vector.broadcast %shift_right_arithmetic3A_623 : i32 to vector<16xi32>
      %shift_right_arithmetic3A_625 = arith.shrsi %get3A_622, %shift_right_arithmetic3A_624 : vector<16xi32>
      %swap3A_626 = arith.constant 0 : i32
      %swap3A_627 = tpu.memref_slice %arg10[%scan3A_475, %swap3A_626] : memref<2x128xi32, #tpu.memory_space<vmem>> -> memref<1x128xi32, #tpu.memory_space<vmem>>
      %swap3A_628 = tpu.memref_squeeze %swap3A_627 : memref<1x128xi32, #tpu.memory_space<vmem>> -> memref<128xi32, #tpu.memory_space<vmem>>
      %swap3A_629 = arith.constant 96 : index
      %swap3A_630 = tpu.vector_load %swap3A_628[%swap3A_629] {strides = array<i32>} : memref<128xi32, #tpu.memory_space<vmem>>, vector<16xi32>,
      tpu.vector_store %swap3A_628[%swap3A_629], %shift_right_arithmetic3A_625 {strides = array<i32>} : memref<128xi32, #tpu.memory_space<vmem>>, vector<16xi32>,
      %get3A_631 = arith.index_cast %add3A_548 : i32 to index
      %get3A_632 = arith.constant 112 : index
      %get3A_633 = tpu.vector_load %arg7[%get3A_631, %get3A_632] {strides = array<i32>} : memref<50x128xi32, #tpu.memory_space<vmem>>, vector<16xi32>,
      %shift_right_arithmetic3A_634 = arith.constant 4 : i32
      %shift_right_arithmetic3A_635 = vector.broadcast %shift_right_arithmetic3A_634 : i32 to vector<16xi32>
      %shift_right_arithmetic3A_636 = arith.shrsi %get3A_633, %shift_right_arithmetic3A_635 : vector<16xi32>
      %swap3A_637 = arith.constant 0 : i32
      %swap3A_638 = tpu.memref_slice %arg10[%scan3A_475, %swap3A_637] : memref<2x128xi32, #tpu.memory_space<vmem>> -> memref<1x128xi32, #tpu.memory_space<vmem>>
      %swap3A_639 = tpu.memref_squeeze %swap3A_638 : memref<1x128xi32, #tpu.memory_space<vmem>> -> memref<128xi32, #tpu.memory_space<vmem>>
      %swap3A_640 = arith.constant 112 : index
      %swap3A_641 = tpu.vector_load %swap3A_639[%swap3A_640] {strides = array<i32>} : memref<128xi32, #tpu.memory_space<vmem>>, vector<16xi32>,
      tpu.vector_store %swap3A_639[%swap3A_640], %shift_right_arithmetic3A_636 {strides = array<i32>} : memref<128xi32, #tpu.memory_space<vmem>>, vector<16xi32>,
      %dma_wait3A_642 = arith.constant 0 : i32
      %dma_wait3A_643 = arith.constant 0 : i32
      %dma_wait3A_644 = tpu.memref_slice %arg8[%scan3A_476, %dma_wait3A_642, %dma_wait3A_643] : memref<2x128x64xf32, #tpu.memory_space<vmem>> -> memref<1x128x64xf32, #tpu.memory_space<vmem>>
      %dma_wait3A_645 = tpu.memref_squeeze %dma_wait3A_644 : memref<1x128x64xf32, #tpu.memory_space<vmem>> -> memref<128x64xf32, #tpu.memory_space<vmem>>
      %dma_wait3A_646 = arith.constant 0 : i32
      %dma_wait3A_647 = tpu.memref_slice %arg7[%add3A_548, %dma_wait3A_646] : memref<50x128xi32, #tpu.memory_space<vmem>> -> memref<1x128xi32, #tpu.memory_space<vmem>>
      %dma_wait3A_648 = tpu.memref_squeeze %dma_wait3A_647 : memref<1x128xi32, #tpu.memory_space<vmem>> -> memref<128xi32, #tpu.memory_space<vmem>>
      %dma_wait3A_649 = arith.constant 0 : i32
      %dma_wait3A_650 = arith.constant 0 : i32
      %dma_wait3A_651 = tpu.memref_slice %arg3[%dma_wait3A_649, %dma_wait3A_650] : memref<1000000x64xf32, #tpu.memory_space<hbm>> -> memref<1000000x64xf32, #tpu.memory_space<hbm>>
      tpu.wait_indirect_dma semaphore(%arg13 : memref<!tpu.dma_semaphore, #tpu.memory_space<semaphore_mem>>) src(%dma_wait3A_651 : memref<1000000x64xf32, #tpu.memory_space<hbm>>) dst(%dma_wait3A_645 : memref<128x64xf32, #tpu.memory_space<vmem>>)
      %dma_wait3A_652 = arith.constant 0 : i32
      %dma_wait3A_653 = arith.constant 0 : i32
      %dma_wait3A_654 = tpu.memref_slice %arg9[%scan3A_477, %dma_wait3A_652, %dma_wait3A_653] : memref<2x128x128xf32, #tpu.memory_space<vmem>> -> memref<1x128x128xf32, #tpu.memory_space<vmem>>
      %dma_wait3A_655 = tpu.memref_squeeze %dma_wait3A_654 : memref<1x128x128xf32, #tpu.memory_space<vmem>> -> memref<128x128xf32, #tpu.memory_space<vmem>>
      %dma_wait3A_656 = arith.constant 0 : i32
      %dma_wait3A_657 = tpu.memref_slice %arg10[%scan3A_475, %dma_wait3A_656] : memref<2x128xi32, #tpu.memory_space<vmem>> -> memref<1x128xi32, #tpu.memory_space<vmem>>
      %dma_wait3A_658 = tpu.memref_squeeze %dma_wait3A_657 : memref<1x128xi32, #tpu.memory_space<vmem>> -> memref<128xi32, #tpu.memory_space<vmem>>
      %dma_wait3A_659 = arith.constant 0 : i32
      %dma_wait3A_660 = arith.constant 0 : i32
      %dma_wait3A_661 = tpu.memref_slice %arg4[%dma_wait3A_659, %dma_wait3A_660] : memref<62500x128xf32, #tpu.memory_space<hbm>> -> memref<62500x128xf32, #tpu.memory_space<hbm>>
      tpu.wait_indirect_dma semaphore(%arg13 : memref<!tpu.dma_semaphore, #tpu.memory_space<semaphore_mem>>) src(%dma_wait3A_661 : memref<62500x128xf32, #tpu.memory_space<hbm>>) dst(%dma_wait3A_655 : memref<128x128xf32, #tpu.memory_space<vmem>>)
      %ge3A = arith.constant 2 : i32
      %ge3A_662 = arith.cmpi sge, %add3A_548, %ge3A : i32
      %convert_element_type3A_663 = arith.extui %ge3A_662 : i1 to i32
      %cond3A_664 = arith.constant 0 : i32
      %cond3A_665 = arith.cmpi ne, %convert_element_type3A_663, %cond3A_664 : i32
      scf.if %cond3A_665 {
        %sub3A_859 = arith.constant 2 : i32
        %sub3A_860 = arith.subi %add3A_548, %sub3A_859 : i32
        %dma_wait3A_861 = arith.constant 0 : i32
        %dma_wait3A_862 = arith.constant 0 : i32
        %dma_wait3A_863 = arith.constant 0 : i32
        %dma_wait3A_864 = tpu.memref_slice %arg11[%scan3A_478, %dma_wait3A_861, %dma_wait3A_862, %dma_wait3A_863] : memref<2x8x8x129xf32, #tpu.memory_space<vmem>> -> memref<1x8x8x129xf32, #tpu.memory_space<vmem>>
        %dma_wait3A_865 = tpu.memref_squeeze %dma_wait3A_864 : memref<1x8x8x129xf32, #tpu.memory_space<vmem>> -> memref<8x8x129xf32, #tpu.memory_space<vmem>>
        %dma_wait3A_866 = arith.constant 0 : i32
        %dma_wait3A_867 = arith.constant 0 : i32
        %dma_wait3A_868 = arith.constant 0 : i32
        %dma_wait3A_869 = tpu.memref_slice %dma_wait3A_865[%dma_wait3A_866, %dma_wait3A_867, %dma_wait3A_868] : memref<8x8x129xf32, #tpu.memory_space<vmem>> -> memref<8x8x128xf32, #tpu.memory_space<vmem>>
        %dma_wait3A_870 = arith.constant 0 : i32
        %dma_wait3A_871 = arith.constant 0 : i32
        %dma_wait3A_872 = arith.constant 0 : i32
        %dma_wait3A_873 = tpu.memref_slice %arg6[%sub3A_860, %dma_wait3A_870, %add3A, %dma_wait3A_871, %dma_wait3A_872] : memref<50x8x32x8x128xf32, #tpu.memory_space<hbm>> -> memref<1x8x1x8x128xf32, #tpu.memory_space<hbm>>
        %dma_wait3A_874 = tpu.memref_squeeze %dma_wait3A_873 : memref<1x8x1x8x128xf32, #tpu.memory_space<hbm>> -> memref<8x8x128xf32, #tpu.memory_space<hbm>>
        %dma_wait3A_875 = arith.constant 0 : i32
        %dma_wait3A_876 = arith.constant 0 : i32
        %dma_wait3A_877 = arith.constant 0 : i32
        %dma_wait3A_878 = tpu.memref_slice %arg6[%sub3A_860, %dma_wait3A_875, %add3A, %dma_wait3A_876, %dma_wait3A_877] : memref<50x8x32x8x128xf32, #tpu.memory_space<hbm>> -> memref<1x8x1x8x128xf32, #tpu.memory_space<hbm>>
        %dma_wait3A_879 = tpu.memref_squeeze %dma_wait3A_878 : memref<1x8x1x8x128xf32, #tpu.memory_space<hbm>> -> memref<8x8x128xf32, #tpu.memory_space<hbm>>
        %dma_wait3A_880 = arith.constant 0 : i32
        %dma_wait3A_881 = arith.constant 0 : i32
        %dma_wait3A_882 = arith.constant 0 : i32
        %dma_wait3A_883 = tpu.memref_slice %arg11[%scan3A_478, %dma_wait3A_880, %dma_wait3A_881, %dma_wait3A_882] : memref<2x8x8x129xf32, #tpu.memory_space<vmem>> -> memref<1x8x8x129xf32, #tpu.memory_space<vmem>>
        %dma_wait3A_884 = tpu.memref_squeeze %dma_wait3A_883 : memref<1x8x8x129xf32, #tpu.memory_space<vmem>> -> memref<8x8x129xf32, #tpu.memory_space<vmem>>
        %dma_wait3A_885 = arith.constant 0 : i32
        %dma_wait3A_886 = arith.constant 0 : i32
        %dma_wait3A_887 = arith.constant 0 : i32
        %dma_wait3A_888 = tpu.memref_slice %dma_wait3A_884[%dma_wait3A_885, %dma_wait3A_886, %dma_wait3A_887] : memref<8x8x129xf32, #tpu.memory_space<vmem>> -> memref<8x8x128xf32, #tpu.memory_space<vmem>>
        tpu.wait_dma2 semaphore(%arg15 : memref<!tpu.dma_semaphore, #tpu.memory_space<semaphore_mem>>) src(%dma_wait3A_888 : memref<8x8x128xf32, #tpu.memory_space<vmem>>) dst(%dma_wait3A_879 : memref<8x8x128xf32, #tpu.memory_space<hbm>>)
      } else {
      }
      %broadcast_in_dim3A = vector.broadcast %add3A_548 : i32 to vector<16xi32>
      %scan3A_666 = arith.constant 0 : i32
      %scan3A_667 = arith.constant 0 : i32
      %scan3A_668 = arith.constant 128 : i32
      %scan3A_669 = arith.addi %scan3A_667, %scan3A_668 : i32
      %scan3A_670 = arith.constant 1 : i32
      scf.for %scan3A_859 = %scan3A_667 to %scan3A_669 step %scan3A_670  : i32 {
        %broadcast_in_dim3A_860 = vector.broadcast %scan3A_859 : i32 to vector<16xi32>
        %gather3A = tpu.vector_load_idx %arg7[%broadcast_in_dim3A, %broadcast_in_dim3A_860] : memref<50x128xi32, #tpu.memory_space<vmem>>[vector<16xi32>, vector<16xi32>], vector<16xi32>,
        %and3A_861 = arith.constant 15 : i32
        %and3A_862 = vector.broadcast %and3A_861 : i32 to vector<16xi32>
        %and3A_863 = arith.andi %gather3A, %and3A_862 : vector<16xi32>
        %mul3A_864 = arith.constant 8 : i32
        %mul3A_865 = vector.broadcast %mul3A_864 : i32 to vector<16xi32>
        %mul3A_866 = arith.muli %and3A_863, %mul3A_865 : vector<16xi32>
        %add3A_867 = arith.constant 0 : i32
        %add3A_868 = vector.broadcast %add3A_867 : i32 to vector<16xi32>
        %add3A_869 = arith.addi %mul3A_866, %add3A_868 : vector<16xi32>
        %gather3A_870 = arith.constant 0 : i32
        %gather3A_871 = arith.constant 0 : i32
        %gather3A_872 = tpu.memref_slice %arg9[%scan3A_477, %gather3A_870, %gather3A_871] : memref<2x128x128xf32, #tpu.memory_space<vmem>> -> memref<1x128x128xf32, #tpu.memory_space<vmem>>
        %gather3A_873 = tpu.memref_squeeze %gather3A_872 : memref<1x128x128xf32, #tpu.memory_space<vmem>> -> memref<128x128xf32, #tpu.memory_space<vmem>>
        %gather3A_874 = tpu.vector_load_idx %gather3A_873[%broadcast_in_dim3A_860, %add3A_869] : memref<128x128xf32, #tpu.memory_space<vmem>>[vector<16xi32>, vector<16xi32>], vector<16xf32>,
        %add3A_875 = arith.constant 1 : i32
        %add3A_876 = vector.broadcast %add3A_875 : i32 to vector<16xi32>
        %add3A_877 = arith.addi %mul3A_866, %add3A_876 : vector<16xi32>
        %gather3A_878 = arith.constant 0 : i32
        %gather3A_879 = arith.constant 0 : i32
        %gather3A_880 = tpu.memref_slice %arg9[%scan3A_477, %gather3A_878, %gather3A_879] : memref<2x128x128xf32, #tpu.memory_space<vmem>> -> memref<1x128x128xf32, #tpu.memory_space<vmem>>
        %gather3A_881 = tpu.memref_squeeze %gather3A_880 : memref<1x128x128xf32, #tpu.memory_space<vmem>> -> memref<128x128xf32, #tpu.memory_space<vmem>>
        %gather3A_882 = tpu.vector_load_idx %gather3A_881[%broadcast_in_dim3A_860, %add3A_877] : memref<128x128xf32, #tpu.memory_space<vmem>>[vector<16xi32>, vector<16xi32>], vector<16xf32>,
        %add3A_883 = arith.constant 2 : i32
        %add3A_884 = vector.broadcast %add3A_883 : i32 to vector<16xi32>
        %add3A_885 = arith.addi %mul3A_866, %add3A_884 : vector<16xi32>
        %gather3A_886 = arith.constant 0 : i32
        %gather3A_887 = arith.constant 0 : i32
        %gather3A_888 = tpu.memref_slice %arg9[%scan3A_477, %gather3A_886, %gather3A_887] : memref<2x128x128xf32, #tpu.memory_space<vmem>> -> memref<1x128x128xf32, #tpu.memory_space<vmem>>
        %gather3A_889 = tpu.memref_squeeze %gather3A_888 : memref<1x128x128xf32, #tpu.memory_space<vmem>> -> memref<128x128xf32, #tpu.memory_space<vmem>>
        %gather3A_890 = tpu.vector_load_idx %gather3A_889[%broadcast_in_dim3A_860, %add3A_885] : memref<128x128xf32, #tpu.memory_space<vmem>>[vector<16xi32>, vector<16xi32>], vector<16xf32>,
        %add3A_891 = arith.constant 3 : i32
        %add3A_892 = vector.broadcast %add3A_891 : i32 to vector<16xi32>
        %add3A_893 = arith.addi %mul3A_866, %add3A_892 : vector<16xi32>
        %gather3A_894 = arith.constant 0 : i32
        %gather3A_895 = arith.constant 0 : i32
        %gather3A_896 = tpu.memref_slice %arg9[%scan3A_477, %gather3A_894, %gather3A_895] : memref<2x128x128xf32, #tpu.memory_space<vmem>> -> memref<1x128x128xf32, #tpu.memory_space<vmem>>
        %gather3A_897 = tpu.memref_squeeze %gather3A_896 : memref<1x128x128xf32, #tpu.memory_space<vmem>> -> memref<128x128xf32, #tpu.memory_space<vmem>>
        %gather3A_898 = tpu.vector_load_idx %gather3A_897[%broadcast_in_dim3A_860, %add3A_893] : memref<128x128xf32, #tpu.memory_space<vmem>>[vector<16xi32>, vector<16xi32>], vector<16xf32>,
        %add3A_899 = arith.constant 4 : i32
        %add3A_900 = vector.broadcast %add3A_899 : i32 to vector<16xi32>
        %add3A_901 = arith.addi %mul3A_866, %add3A_900 : vector<16xi32>
        %gather3A_902 = arith.constant 0 : i32
        %gather3A_903 = arith.constant 0 : i32
        %gather3A_904 = tpu.memref_slice %arg9[%scan3A_477, %gather3A_902, %gather3A_903] : memref<2x128x128xf32, #tpu.memory_space<vmem>> -> memref<1x128x128xf32, #tpu.memory_space<vmem>>
        %gather3A_905 = tpu.memref_squeeze %gather3A_904 : memref<1x128x128xf32, #tpu.memory_space<vmem>> -> memref<128x128xf32, #tpu.memory_space<vmem>>
        %gather3A_906 = tpu.vector_load_idx %gather3A_905[%broadcast_in_dim3A_860, %add3A_901] : memref<128x128xf32, #tpu.memory_space<vmem>>[vector<16xi32>, vector<16xi32>], vector<16xf32>,
        %add3A_907 = arith.constant 5 : i32
        %add3A_908 = vector.broadcast %add3A_907 : i32 to vector<16xi32>
        %add3A_909 = arith.addi %mul3A_866, %add3A_908 : vector<16xi32>
        %gather3A_910 = arith.constant 0 : i32
        %gather3A_911 = arith.constant 0 : i32
        %gather3A_912 = tpu.memref_slice %arg9[%scan3A_477, %gather3A_910, %gather3A_911] : memref<2x128x128xf32, #tpu.memory_space<vmem>> -> memref<1x128x128xf32, #tpu.memory_space<vmem>>
        %gather3A_913 = tpu.memref_squeeze %gather3A_912 : memref<1x128x128xf32, #tpu.memory_space<vmem>> -> memref<128x128xf32, #tpu.memory_space<vmem>>
        %gather3A_914 = tpu.vector_load_idx %gather3A_913[%broadcast_in_dim3A_860, %add3A_909] : memref<128x128xf32, #tpu.memory_space<vmem>>[vector<16xi32>, vector<16xi32>], vector<16xf32>,
        %add3A_915 = arith.constant 6 : i32
        %add3A_916 = vector.broadcast %add3A_915 : i32 to vector<16xi32>
        %add3A_917 = arith.addi %mul3A_866, %add3A_916 : vector<16xi32>
        %gather3A_918 = arith.constant 0 : i32
        %gather3A_919 = arith.constant 0 : i32
        %gather3A_920 = tpu.memref_slice %arg9[%scan3A_477, %gather3A_918, %gather3A_919] : memref<2x128x128xf32, #tpu.memory_space<vmem>> -> memref<1x128x128xf32, #tpu.memory_space<vmem>>
        %gather3A_921 = tpu.memref_squeeze %gather3A_920 : memref<1x128x128xf32, #tpu.memory_space<vmem>> -> memref<128x128xf32, #tpu.memory_space<vmem>>
        %gather3A_922 = tpu.vector_load_idx %gather3A_921[%broadcast_in_dim3A_860, %add3A_917] : memref<128x128xf32, #tpu.memory_space<vmem>>[vector<16xi32>, vector<16xi32>], vector<16xf32>,
        %add3A_923 = arith.constant 7 : i32
        %add3A_924 = vector.broadcast %add3A_923 : i32 to vector<16xi32>
        %add3A_925 = arith.addi %mul3A_866, %add3A_924 : vector<16xi32>
        %gather3A_926 = arith.constant 0 : i32
        %gather3A_927 = arith.constant 0 : i32
        %gather3A_928 = tpu.memref_slice %arg9[%scan3A_477, %gather3A_926, %gather3A_927] : memref<2x128x128xf32, #tpu.memory_space<vmem>> -> memref<1x128x128xf32, #tpu.memory_space<vmem>>
        %gather3A_929 = tpu.memref_squeeze %gather3A_928 : memref<1x128x128xf32, #tpu.memory_space<vmem>> -> memref<128x128xf32, #tpu.memory_space<vmem>>
        %gather3A_930 = tpu.vector_load_idx %gather3A_929[%broadcast_in_dim3A_860, %add3A_925] : memref<128x128xf32, #tpu.memory_space<vmem>>[vector<16xi32>, vector<16xi32>], vector<16xf32>,
        %get3A_931 = arith.constant 0 : i32
        %get3A_932 = arith.constant 0 : i32
        %get3A_933 = tpu.memref_slice %arg8[%scan3A_476, %get3A_931, %get3A_932] : memref<2x128x64xf32, #tpu.memory_space<vmem>> -> memref<1x128x64xf32, #tpu.memory_space<vmem>>
        %get3A_934 = tpu.memref_squeeze %get3A_933 : memref<1x128x64xf32, #tpu.memory_space<vmem>> -> memref<128x64xf32, #tpu.memory_space<vmem>>
        %get3A_935 = arith.index_cast %scan3A_859 : i32 to index
        %get3A_936 = arith.constant 0 : index
        %get3A_937 = tpu.vector_load %get3A_934[%get3A_935, %get3A_936] {strides = array<i32>} : memref<128x64xf32, #tpu.memory_space<vmem>>, vector<16xf32>,
        %mul3A_938 = arith.mulf %gather3A_874, %get3A_5 : vector<16xf32>
        %add3A_939 = arith.addf %get3A_937, %mul3A_938 : vector<16xf32>
        %mul3A_940 = arith.mulf %gather3A_882, %get3A_21 : vector<16xf32>
        %add3A_941 = arith.addf %add3A_939, %mul3A_940 : vector<16xf32>
        %mul3A_942 = arith.mulf %gather3A_890, %get3A_37 : vector<16xf32>
        %add3A_943 = arith.addf %add3A_941, %mul3A_942 : vector<16xf32>
        %mul3A_944 = arith.mulf %gather3A_898, %get3A_53 : vector<16xf32>
        %add3A_945 = arith.addf %add3A_943, %mul3A_944 : vector<16xf32>
        %mul3A_946 = arith.mulf %gather3A_906, %get3A_69 : vector<16xf32>
        %add3A_947 = arith.addf %add3A_945, %mul3A_946 : vector<16xf32>
        %mul3A_948 = arith.mulf %gather3A_914, %get3A_85 : vector<16xf32>
        %add3A_949 = arith.addf %add3A_947, %mul3A_948 : vector<16xf32>
        %mul3A_950 = arith.mulf %gather3A_922, %get3A_101 : vector<16xf32>
        %add3A_951 = arith.addf %add3A_949, %mul3A_950 : vector<16xf32>
        %mul3A_952 = arith.mulf %gather3A_930, %get3A_117 : vector<16xf32>
        %add3A_953 = arith.addf %add3A_951, %mul3A_952 : vector<16xf32>
        %scatter3A = arith.constant 0 : i32
        %scatter3A_954 = arith.constant 0 : i32
        %scatter3A_955 = arith.constant 0 : i32
        %scatter3A_956 = tpu.memref_slice %arg11[%scan3A_478, %scatter3A, %scatter3A_954, %scatter3A_955] : memref<2x8x8x129xf32, #tpu.memory_space<vmem>> -> memref<1x8x8x129xf32, #tpu.memory_space<vmem>>
        %scatter3A_957 = tpu.memref_squeeze %scatter3A_956 : memref<1x8x8x129xf32, #tpu.memory_space<vmem>> -> memref<8x8x129xf32, #tpu.memory_space<vmem>>
        tpu.vector_store_idx %scatter3A_957[%select_n3A, %select_n3A_280, %broadcast_in_dim3A_860], %add3A_953 : memref<8x8x129xf32, #tpu.memory_space<vmem>>[vector<16xi32>, vector<16xi32>, vector<16xi32>], vector<16xf32>,
        %get3A_958 = arith.constant 0 : i32
        %get3A_959 = arith.constant 0 : i32
        %get3A_960 = tpu.memref_slice %arg8[%scan3A_476, %get3A_958, %get3A_959] : memref<2x128x64xf32, #tpu.memory_space<vmem>> -> memref<1x128x64xf32, #tpu.memory_space<vmem>>
        %get3A_961 = tpu.memref_squeeze %get3A_960 : memref<1x128x64xf32, #tpu.memory_space<vmem>> -> memref<128x64xf32, #tpu.memory_space<vmem>>
        %get3A_962 = arith.index_cast %scan3A_859 : i32 to index
        %get3A_963 = arith.constant 16 : index
        %get3A_964 = tpu.vector_load %get3A_961[%get3A_962, %get3A_963] {strides = array<i32>} : memref<128x64xf32, #tpu.memory_space<vmem>>, vector<16xf32>,
        %mul3A_965 = arith.mulf %gather3A_874, %get3A_9 : vector<16xf32>
        %add3A_966 = arith.addf %get3A_964, %mul3A_965 : vector<16xf32>
        %mul3A_967 = arith.mulf %gather3A_882, %get3A_25 : vector<16xf32>
        %add3A_968 = arith.addf %add3A_966, %mul3A_967 : vector<16xf32>
        %mul3A_969 = arith.mulf %gather3A_890, %get3A_41 : vector<16xf32>
        %add3A_970 = arith.addf %add3A_968, %mul3A_969 : vector<16xf32>
        %mul3A_971 = arith.mulf %gather3A_898, %get3A_57 : vector<16xf32>
        %add3A_972 = arith.addf %add3A_970, %mul3A_971 : vector<16xf32>
        %mul3A_973 = arith.mulf %gather3A_906, %get3A_73 : vector<16xf32>
        %add3A_974 = arith.addf %add3A_972, %mul3A_973 : vector<16xf32>
        %mul3A_975 = arith.mulf %gather3A_914, %get3A_89 : vector<16xf32>
        %add3A_976 = arith.addf %add3A_974, %mul3A_975 : vector<16xf32>
        %mul3A_977 = arith.mulf %gather3A_922, %get3A_105 : vector<16xf32>
        %add3A_978 = arith.addf %add3A_976, %mul3A_977 : vector<16xf32>
        %mul3A_979 = arith.mulf %gather3A_930, %get3A_121 : vector<16xf32>
        %add3A_980 = arith.addf %add3A_978, %mul3A_979 : vector<16xf32>
        %scatter3A_981 = arith.constant 0 : i32
        %scatter3A_982 = arith.constant 0 : i32
        %scatter3A_983 = arith.constant 0 : i32
        %scatter3A_984 = tpu.memref_slice %arg11[%scan3A_478, %scatter3A_981, %scatter3A_982, %scatter3A_983] : memref<2x8x8x129xf32, #tpu.memory_space<vmem>> -> memref<1x8x8x129xf32, #tpu.memory_space<vmem>>
        %scatter3A_985 = tpu.memref_squeeze %scatter3A_984 : memref<1x8x8x129xf32, #tpu.memory_space<vmem>> -> memref<8x8x129xf32, #tpu.memory_space<vmem>>
        tpu.vector_store_idx %scatter3A_985[%select_n3A_198, %select_n3A_302, %broadcast_in_dim3A_860], %add3A_980 : memref<8x8x129xf32, #tpu.memory_space<vmem>>[vector<16xi32>, vector<16xi32>, vector<16xi32>], vector<16xf32>,
        %get3A_986 = arith.constant 0 : i32
        %get3A_987 = arith.constant 0 : i32
        %get3A_988 = tpu.memref_slice %arg8[%scan3A_476, %get3A_986, %get3A_987] : memref<2x128x64xf32, #tpu.memory_space<vmem>> -> memref<1x128x64xf32, #tpu.memory_space<vmem>>
        %get3A_989 = tpu.memref_squeeze %get3A_988 : memref<1x128x64xf32, #tpu.memory_space<vmem>> -> memref<128x64xf32, #tpu.memory_space<vmem>>
        %get3A_990 = arith.index_cast %scan3A_859 : i32 to index
        %get3A_991 = arith.constant 32 : index
        %get3A_992 = tpu.vector_load %get3A_989[%get3A_990, %get3A_991] {strides = array<i32>} : memref<128x64xf32, #tpu.memory_space<vmem>>, vector<16xf32>,
        %mul3A_993 = arith.mulf %gather3A_874, %get3A_13 : vector<16xf32>
        %add3A_994 = arith.addf %get3A_992, %mul3A_993 : vector<16xf32>
        %mul3A_995 = arith.mulf %gather3A_882, %get3A_29 : vector<16xf32>
        %add3A_996 = arith.addf %add3A_994, %mul3A_995 : vector<16xf32>
        %mul3A_997 = arith.mulf %gather3A_890, %get3A_45 : vector<16xf32>
        %add3A_998 = arith.addf %add3A_996, %mul3A_997 : vector<16xf32>
        %mul3A_999 = arith.mulf %gather3A_898, %get3A_61 : vector<16xf32>
        %add3A_1000 = arith.addf %add3A_998, %mul3A_999 : vector<16xf32>
        %mul3A_1001 = arith.mulf %gather3A_906, %get3A_77 : vector<16xf32>
        %add3A_1002 = arith.addf %add3A_1000, %mul3A_1001 : vector<16xf32>
        %mul3A_1003 = arith.mulf %gather3A_914, %get3A_93 : vector<16xf32>
        %add3A_1004 = arith.addf %add3A_1002, %mul3A_1003 : vector<16xf32>
        %mul3A_1005 = arith.mulf %gather3A_922, %get3A_109 : vector<16xf32>
        %add3A_1006 = arith.addf %add3A_1004, %mul3A_1005 : vector<16xf32>
        %mul3A_1007 = arith.mulf %gather3A_930, %get3A_125 : vector<16xf32>
        %add3A_1008 = arith.addf %add3A_1006, %mul3A_1007 : vector<16xf32>
        %scatter3A_1009 = arith.constant 0 : i32
        %scatter3A_1010 = arith.constant 0 : i32
        %scatter3A_1011 = arith.constant 0 : i32
        %scatter3A_1012 = tpu.memref_slice %arg11[%scan3A_478, %scatter3A_1009, %scatter3A_1010, %scatter3A_1011] : memref<2x8x8x129xf32, #tpu.memory_space<vmem>> -> memref<1x8x8x129xf32, #tpu.memory_space<vmem>>
        %scatter3A_1013 = tpu.memref_squeeze %scatter3A_1012 : memref<1x8x8x129xf32, #tpu.memory_space<vmem>> -> memref<8x8x129xf32, #tpu.memory_space<vmem>>
        tpu.vector_store_idx %scatter3A_1013[%select_n3A_229, %select_n3A_324, %broadcast_in_dim3A_860], %add3A_1008 : memref<8x8x129xf32, #tpu.memory_space<vmem>>[vector<16xi32>, vector<16xi32>, vector<16xi32>], vector<16xf32>,
        %get3A_1014 = arith.constant 0 : i32
        %get3A_1015 = arith.constant 0 : i32
        %get3A_1016 = tpu.memref_slice %arg8[%scan3A_476, %get3A_1014, %get3A_1015] : memref<2x128x64xf32, #tpu.memory_space<vmem>> -> memref<1x128x64xf32, #tpu.memory_space<vmem>>
        %get3A_1017 = tpu.memref_squeeze %get3A_1016 : memref<1x128x64xf32, #tpu.memory_space<vmem>> -> memref<128x64xf32, #tpu.memory_space<vmem>>
        %get3A_1018 = arith.index_cast %scan3A_859 : i32 to index
        %get3A_1019 = arith.constant 48 : index
        %get3A_1020 = tpu.vector_load %get3A_1017[%get3A_1018, %get3A_1019] {strides = array<i32>} : memref<128x64xf32, #tpu.memory_space<vmem>>, vector<16xf32>,
        %mul3A_1021 = arith.mulf %gather3A_874, %get3A_17 : vector<16xf32>
        %add3A_1022 = arith.addf %get3A_1020, %mul3A_1021 : vector<16xf32>
        %mul3A_1023 = arith.mulf %gather3A_882, %get3A_33 : vector<16xf32>
        %add3A_1024 = arith.addf %add3A_1022, %mul3A_1023 : vector<16xf32>
        %mul3A_1025 = arith.mulf %gather3A_890, %get3A_49 : vector<16xf32>
        %add3A_1026 = arith.addf %add3A_1024, %mul3A_1025 : vector<16xf32>
        %mul3A_1027 = arith.mulf %gather3A_898, %get3A_65 : vector<16xf32>
        %add3A_1028 = arith.addf %add3A_1026, %mul3A_1027 : vector<16xf32>
        %mul3A_1029 = arith.mulf %gather3A_906, %get3A_81 : vector<16xf32>
        %add3A_1030 = arith.addf %add3A_1028, %mul3A_1029 : vector<16xf32>
        %mul3A_1031 = arith.mulf %gather3A_914, %get3A_97 : vector<16xf32>
        %add3A_1032 = arith.addf %add3A_1030, %mul3A_1031 : vector<16xf32>
        %mul3A_1033 = arith.mulf %gather3A_922, %get3A_113 : vector<16xf32>
        %add3A_1034 = arith.addf %add3A_1032, %mul3A_1033 : vector<16xf32>
        %mul3A_1035 = arith.mulf %gather3A_930, %get3A_129 : vector<16xf32>
        %add3A_1036 = arith.addf %add3A_1034, %mul3A_1035 : vector<16xf32>
        %scatter3A_1037 = arith.constant 0 : i32
        %scatter3A_1038 = arith.constant 0 : i32
        %scatter3A_1039 = arith.constant 0 : i32
        %scatter3A_1040 = tpu.memref_slice %arg11[%scan3A_478, %scatter3A_1037, %scatter3A_1038, %scatter3A_1039] : memref<2x8x8x129xf32, #tpu.memory_space<vmem>> -> memref<1x8x8x129xf32, #tpu.memory_space<vmem>>
        %scatter3A_1041 = tpu.memref_squeeze %scatter3A_1040 : memref<1x8x8x129xf32, #tpu.memory_space<vmem>> -> memref<8x8x129xf32, #tpu.memory_space<vmem>>
        tpu.vector_store_idx %scatter3A_1041[%select_n3A_260, %select_n3A_346, %broadcast_in_dim3A_860], %add3A_1036 : memref<8x8x129xf32, #tpu.memory_space<vmem>>[vector<16xi32>, vector<16xi32>, vector<16xi32>], vector<16xf32>,
      }
      %scan3A_671 = arith.constant 128 : i32
      %dma_start3A_672 = arith.constant 0 : i32
      %dma_start3A_673 = arith.constant 0 : i32
      %dma_start3A_674 = arith.constant 0 : i32
      %dma_start3A_675 = tpu.memref_slice %arg11[%scan3A_478, %dma_start3A_672, %dma_start3A_673, %dma_start3A_674] : memref<2x8x8x129xf32, #tpu.memory_space<vmem>> -> memref<1x8x8x129xf32, #tpu.memory_space<vmem>>
      %dma_start3A_676 = tpu.memref_squeeze %dma_start3A_675 : memref<1x8x8x129xf32, #tpu.memory_space<vmem>> -> memref<8x8x129xf32, #tpu.memory_space<vmem>>
      %dma_start3A_677 = arith.constant 0 : i32
      %dma_start3A_678 = arith.constant 0 : i32
      %dma_start3A_679 = arith.constant 0 : i32
      %dma_start3A_680 = tpu.memref_slice %dma_start3A_676[%dma_start3A_677, %dma_start3A_678, %dma_start3A_679] : memref<8x8x129xf32, #tpu.memory_space<vmem>> -> memref<8x8x128xf32, #tpu.memory_space<vmem>>
      %dma_start3A_681 = arith.constant 0 : i32
      %dma_start3A_682 = arith.constant 0 : i32
      %dma_start3A_683 = arith.constant 0 : i32
      %dma_start3A_684 = tpu.memref_slice %arg6[%add3A_548, %dma_start3A_681, %add3A, %dma_start3A_682, %dma_start3A_683] : memref<50x8x32x8x128xf32, #tpu.memory_space<hbm>> -> memref<1x8x1x8x128xf32, #tpu.memory_space<hbm>>
      %dma_start3A_685 = tpu.memref_squeeze %dma_start3A_684 : memref<1x8x1x8x128xf32, #tpu.memory_space<hbm>> -> memref<8x8x128xf32, #tpu.memory_space<hbm>>
      %dma_start3A_686 = arith.constant 0 : i32
      %dma_start3A_687 = arith.constant 0 : i32
      %dma_start3A_688 = arith.constant 0 : i32
      %dma_start3A_689 = tpu.memref_slice %arg6[%add3A_548, %dma_start3A_686, %add3A, %dma_start3A_687, %dma_start3A_688] : memref<50x8x32x8x128xf32, #tpu.memory_space<hbm>> -> memref<1x8x1x8x128xf32, #tpu.memory_space<hbm>>
      %dma_start3A_690 = tpu.memref_squeeze %dma_start3A_689 : memref<1x8x1x8x128xf32, #tpu.memory_space<hbm>> -> memref<8x8x128xf32, #tpu.memory_space<hbm>>
      %dma_start3A_691 = arith.constant 0 : i32
      %dma_start3A_692 = arith.constant 0 : i32
      %dma_start3A_693 = arith.constant 0 : i32
      %dma_start3A_694 = tpu.memref_slice %arg11[%scan3A_478, %dma_start3A_691, %dma_start3A_692, %dma_start3A_693] : memref<2x8x8x129xf32, #tpu.memory_space<vmem>> -> memref<1x8x8x129xf32, #tpu.memory_space<vmem>>
      %dma_start3A_695 = tpu.memref_squeeze %dma_start3A_694 : memref<1x8x8x129xf32, #tpu.memory_space<vmem>> -> memref<8x8x129xf32, #tpu.memory_space<vmem>>
      %dma_start3A_696 = arith.constant 0 : i32
      %dma_start3A_697 = arith.constant 0 : i32
      %dma_start3A_698 = arith.constant 0 : i32
      %dma_start3A_699 = tpu.memref_slice %dma_start3A_695[%dma_start3A_696, %dma_start3A_697, %dma_start3A_698] : memref<8x8x129xf32, #tpu.memory_space<vmem>> -> memref<8x8x128xf32, #tpu.memory_space<vmem>>
      tpu.enqueue_dma source(%dma_start3A_699 : memref<8x8x128xf32, #tpu.memory_space<vmem>>) target(%dma_start3A_690 : memref<8x8x128xf32, #tpu.memory_space<hbm>>) target_semaphore(%arg15 : memref<!tpu.dma_semaphore, #tpu.memory_space<semaphore_mem>>)
      %mul3A_700 = arith.constant 2 : i32
      %mul3A_701 = arith.muli %scan3A_544, %mul3A_700 : i32
      %add3A_702 = arith.constant 1 : i32
      %add3A_703 = arith.addi %mul3A_701, %add3A_702 : i32
      %add3A_704 = arith.constant 1 : i32
      %add3A_705 = arith.addi %add3A_703, %add3A_704 : i32
      %lt3A_706 = arith.constant 50 : i32
      %lt3A_707 = arith.cmpi slt, %add3A_705, %lt3A_706 : i32
      %convert_element_type3A_708 = arith.extui %lt3A_707 : i1 to i32
      %cond3A_709 = arith.constant 0 : i32
      %cond3A_710 = arith.cmpi ne, %convert_element_type3A_708, %cond3A_709 : i32
      scf.if %cond3A_710 {
        %add3A_859 = arith.constant 1 : i32
        %add3A_860 = arith.addi %add3A_703, %add3A_859 : i32
        %get3A_861 = arith.index_cast %add3A_860 : i32 to index
        %get3A_862 = arith.constant 0 : index
        %get3A_863 = tpu.vector_load %arg7[%get3A_861, %get3A_862] {strides = array<i32>} : memref<50x128xi32, #tpu.memory_space<vmem>>, vector<16xi32>,
        %shift_right_arithmetic3A_864 = arith.constant 4 : i32
        %shift_right_arithmetic3A_865 = vector.broadcast %shift_right_arithmetic3A_864 : i32 to vector<16xi32>
        %shift_right_arithmetic3A_866 = arith.shrsi %get3A_863, %shift_right_arithmetic3A_865 : vector<16xi32>
        %swap3A_867 = arith.constant 0 : i32
        %swap3A_868 = tpu.memref_slice %arg10[%scan3A_475, %swap3A_867] : memref<2x128xi32, #tpu.memory_space<vmem>> -> memref<1x128xi32, #tpu.memory_space<vmem>>
        %swap3A_869 = tpu.memref_squeeze %swap3A_868 : memref<1x128xi32, #tpu.memory_space<vmem>> -> memref<128xi32, #tpu.memory_space<vmem>>
        %swap3A_870 = arith.constant 0 : index
        %swap3A_871 = tpu.vector_load %swap3A_869[%swap3A_870] {strides = array<i32>} : memref<128xi32, #tpu.memory_space<vmem>>, vector<16xi32>,
        tpu.vector_store %swap3A_869[%swap3A_870], %shift_right_arithmetic3A_866 {strides = array<i32>} : memref<128xi32, #tpu.memory_space<vmem>>, vector<16xi32>,
        %get3A_872 = arith.index_cast %add3A_860 : i32 to index
        %get3A_873 = arith.constant 16 : index
        %get3A_874 = tpu.vector_load %arg7[%get3A_872, %get3A_873] {strides = array<i32>} : memref<50x128xi32, #tpu.memory_space<vmem>>, vector<16xi32>,
        %shift_right_arithmetic3A_875 = arith.constant 4 : i32
        %shift_right_arithmetic3A_876 = vector.broadcast %shift_right_arithmetic3A_875 : i32 to vector<16xi32>
        %shift_right_arithmetic3A_877 = arith.shrsi %get3A_874, %shift_right_arithmetic3A_876 : vector<16xi32>
        %swap3A_878 = arith.constant 0 : i32
        %swap3A_879 = tpu.memref_slice %arg10[%scan3A_475, %swap3A_878] : memref<2x128xi32, #tpu.memory_space<vmem>> -> memref<1x128xi32, #tpu.memory_space<vmem>>
        %swap3A_880 = tpu.memref_squeeze %swap3A_879 : memref<1x128xi32, #tpu.memory_space<vmem>> -> memref<128xi32, #tpu.memory_space<vmem>>
        %swap3A_881 = arith.constant 16 : index
        %swap3A_882 = tpu.vector_load %swap3A_880[%swap3A_881] {strides = array<i32>} : memref<128xi32, #tpu.memory_space<vmem>>, vector<16xi32>,
        tpu.vector_store %swap3A_880[%swap3A_881], %shift_right_arithmetic3A_877 {strides = array<i32>} : memref<128xi32, #tpu.memory_space<vmem>>, vector<16xi32>,
        %get3A_883 = arith.index_cast %add3A_860 : i32 to index
        %get3A_884 = arith.constant 32 : index
        %get3A_885 = tpu.vector_load %arg7[%get3A_883, %get3A_884] {strides = array<i32>} : memref<50x128xi32, #tpu.memory_space<vmem>>, vector<16xi32>,
        %shift_right_arithmetic3A_886 = arith.constant 4 : i32
        %shift_right_arithmetic3A_887 = vector.broadcast %shift_right_arithmetic3A_886 : i32 to vector<16xi32>
        %shift_right_arithmetic3A_888 = arith.shrsi %get3A_885, %shift_right_arithmetic3A_887 : vector<16xi32>
        %swap3A_889 = arith.constant 0 : i32
        %swap3A_890 = tpu.memref_slice %arg10[%scan3A_475, %swap3A_889] : memref<2x128xi32, #tpu.memory_space<vmem>> -> memref<1x128xi32, #tpu.memory_space<vmem>>
        %swap3A_891 = tpu.memref_squeeze %swap3A_890 : memref<1x128xi32, #tpu.memory_space<vmem>> -> memref<128xi32, #tpu.memory_space<vmem>>
        %swap3A_892 = arith.constant 32 : index
        %swap3A_893 = tpu.vector_load %swap3A_891[%swap3A_892] {strides = array<i32>} : memref<128xi32, #tpu.memory_space<vmem>>, vector<16xi32>,
        tpu.vector_store %swap3A_891[%swap3A_892], %shift_right_arithmetic3A_888 {strides = array<i32>} : memref<128xi32, #tpu.memory_space<vmem>>, vector<16xi32>,
        %get3A_894 = arith.index_cast %add3A_860 : i32 to index
        %get3A_895 = arith.constant 48 : index
        %get3A_896 = tpu.vector_load %arg7[%get3A_894, %get3A_895] {strides = array<i32>} : memref<50x128xi32, #tpu.memory_space<vmem>>, vector<16xi32>,
        %shift_right_arithmetic3A_897 = arith.constant 4 : i32
        %shift_right_arithmetic3A_898 = vector.broadcast %shift_right_arithmetic3A_897 : i32 to vector<16xi32>
        %shift_right_arithmetic3A_899 = arith.shrsi %get3A_896, %shift_right_arithmetic3A_898 : vector<16xi32>
        %swap3A_900 = arith.constant 0 : i32
        %swap3A_901 = tpu.memref_slice %arg10[%scan3A_475, %swap3A_900] : memref<2x128xi32, #tpu.memory_space<vmem>> -> memref<1x128xi32, #tpu.memory_space<vmem>>
        %swap3A_902 = tpu.memref_squeeze %swap3A_901 : memref<1x128xi32, #tpu.memory_space<vmem>> -> memref<128xi32, #tpu.memory_space<vmem>>
        %swap3A_903 = arith.constant 48 : index
        %swap3A_904 = tpu.vector_load %swap3A_902[%swap3A_903] {strides = array<i32>} : memref<128xi32, #tpu.memory_space<vmem>>, vector<16xi32>,
        tpu.vector_store %swap3A_902[%swap3A_903], %shift_right_arithmetic3A_899 {strides = array<i32>} : memref<128xi32, #tpu.memory_space<vmem>>, vector<16xi32>,
        %get3A_905 = arith.index_cast %add3A_860 : i32 to index
        %get3A_906 = arith.constant 64 : index
        %get3A_907 = tpu.vector_load %arg7[%get3A_905, %get3A_906] {strides = array<i32>} : memref<50x128xi32, #tpu.memory_space<vmem>>, vector<16xi32>,
        %shift_right_arithmetic3A_908 = arith.constant 4 : i32
        %shift_right_arithmetic3A_909 = vector.broadcast %shift_right_arithmetic3A_908 : i32 to vector<16xi32>
        %shift_right_arithmetic3A_910 = arith.shrsi %get3A_907, %shift_right_arithmetic3A_909 : vector<16xi32>
        %swap3A_911 = arith.constant 0 : i32
        %swap3A_912 = tpu.memref_slice %arg10[%scan3A_475, %swap3A_911] : memref<2x128xi32, #tpu.memory_space<vmem>> -> memref<1x128xi32, #tpu.memory_space<vmem>>
        %swap3A_913 = tpu.memref_squeeze %swap3A_912 : memref<1x128xi32, #tpu.memory_space<vmem>> -> memref<128xi32, #tpu.memory_space<vmem>>
        %swap3A_914 = arith.constant 64 : index
        %swap3A_915 = tpu.vector_load %swap3A_913[%swap3A_914] {strides = array<i32>} : memref<128xi32, #tpu.memory_space<vmem>>, vector<16xi32>,
        tpu.vector_store %swap3A_913[%swap3A_914], %shift_right_arithmetic3A_910 {strides = array<i32>} : memref<128xi32, #tpu.memory_space<vmem>>, vector<16xi32>,
        %get3A_916 = arith.index_cast %add3A_860 : i32 to index
        %get3A_917 = arith.constant 80 : index
        %get3A_918 = tpu.vector_load %arg7[%get3A_916, %get3A_917] {strides = array<i32>} : memref<50x128xi32, #tpu.memory_space<vmem>>, vector<16xi32>,
        %shift_right_arithmetic3A_919 = arith.constant 4 : i32
        %shift_right_arithmetic3A_920 = vector.broadcast %shift_right_arithmetic3A_919 : i32 to vector<16xi32>
        %shift_right_arithmetic3A_921 = arith.shrsi %get3A_918, %shift_right_arithmetic3A_920 : vector<16xi32>
        %swap3A_922 = arith.constant 0 : i32
        %swap3A_923 = tpu.memref_slice %arg10[%scan3A_475, %swap3A_922] : memref<2x128xi32, #tpu.memory_space<vmem>> -> memref<1x128xi32, #tpu.memory_space<vmem>>
        %swap3A_924 = tpu.memref_squeeze %swap3A_923 : memref<1x128xi32, #tpu.memory_space<vmem>> -> memref<128xi32, #tpu.memory_space<vmem>>
        %swap3A_925 = arith.constant 80 : index
        %swap3A_926 = tpu.vector_load %swap3A_924[%swap3A_925] {strides = array<i32>} : memref<128xi32, #tpu.memory_space<vmem>>, vector<16xi32>,
        tpu.vector_store %swap3A_924[%swap3A_925], %shift_right_arithmetic3A_921 {strides = array<i32>} : memref<128xi32, #tpu.memory_space<vmem>>, vector<16xi32>,
        %get3A_927 = arith.index_cast %add3A_860 : i32 to index
        %get3A_928 = arith.constant 96 : index
        %get3A_929 = tpu.vector_load %arg7[%get3A_927, %get3A_928] {strides = array<i32>} : memref<50x128xi32, #tpu.memory_space<vmem>>, vector<16xi32>,
        %shift_right_arithmetic3A_930 = arith.constant 4 : i32
        %shift_right_arithmetic3A_931 = vector.broadcast %shift_right_arithmetic3A_930 : i32 to vector<16xi32>
        %shift_right_arithmetic3A_932 = arith.shrsi %get3A_929, %shift_right_arithmetic3A_931 : vector<16xi32>
        %swap3A_933 = arith.constant 0 : i32
        %swap3A_934 = tpu.memref_slice %arg10[%scan3A_475, %swap3A_933] : memref<2x128xi32, #tpu.memory_space<vmem>> -> memref<1x128xi32, #tpu.memory_space<vmem>>
        %swap3A_935 = tpu.memref_squeeze %swap3A_934 : memref<1x128xi32, #tpu.memory_space<vmem>> -> memref<128xi32, #tpu.memory_space<vmem>>
        %swap3A_936 = arith.constant 96 : index
        %swap3A_937 = tpu.vector_load %swap3A_935[%swap3A_936] {strides = array<i32>} : memref<128xi32, #tpu.memory_space<vmem>>, vector<16xi32>,
        tpu.vector_store %swap3A_935[%swap3A_936], %shift_right_arithmetic3A_932 {strides = array<i32>} : memref<128xi32, #tpu.memory_space<vmem>>, vector<16xi32>,
        %get3A_938 = arith.index_cast %add3A_860 : i32 to index
        %get3A_939 = arith.constant 112 : index
        %get3A_940 = tpu.vector_load %arg7[%get3A_938, %get3A_939] {strides = array<i32>} : memref<50x128xi32, #tpu.memory_space<vmem>>, vector<16xi32>,
        %shift_right_arithmetic3A_941 = arith.constant 4 : i32
        %shift_right_arithmetic3A_942 = vector.broadcast %shift_right_arithmetic3A_941 : i32 to vector<16xi32>
        %shift_right_arithmetic3A_943 = arith.shrsi %get3A_940, %shift_right_arithmetic3A_942 : vector<16xi32>
        %swap3A_944 = arith.constant 0 : i32
        %swap3A_945 = tpu.memref_slice %arg10[%scan3A_475, %swap3A_944] : memref<2x128xi32, #tpu.memory_space<vmem>> -> memref<1x128xi32, #tpu.memory_space<vmem>>
        %swap3A_946 = tpu.memref_squeeze %swap3A_945 : memref<1x128xi32, #tpu.memory_space<vmem>> -> memref<128xi32, #tpu.memory_space<vmem>>
        %swap3A_947 = arith.constant 112 : index
        %swap3A_948 = tpu.vector_load %swap3A_946[%swap3A_947] {strides = array<i32>} : memref<128xi32, #tpu.memory_space<vmem>>, vector<16xi32>,
        tpu.vector_store %swap3A_946[%swap3A_947], %shift_right_arithmetic3A_943 {strides = array<i32>} : memref<128xi32, #tpu.memory_space<vmem>>, vector<16xi32>,
        %dma_start3A_949 = arith.constant 0 : i32
        %dma_start3A_950 = arith.constant 0 : i32
        %dma_start3A_951 = tpu.memref_slice %arg8[%scan3A_476, %dma_start3A_949, %dma_start3A_950] : memref<2x128x64xf32, #tpu.memory_space<vmem>> -> memref<1x128x64xf32, #tpu.memory_space<vmem>>
        %dma_start3A_952 = tpu.memref_squeeze %dma_start3A_951 : memref<1x128x64xf32, #tpu.memory_space<vmem>> -> memref<128x64xf32, #tpu.memory_space<vmem>>
        %dma_start3A_953 = arith.constant 0 : i32
        %dma_start3A_954 = tpu.memref_slice %arg7[%add3A_860, %dma_start3A_953] : memref<50x128xi32, #tpu.memory_space<vmem>> -> memref<1x128xi32, #tpu.memory_space<vmem>>
        %dma_start3A_955 = tpu.memref_squeeze %dma_start3A_954 : memref<1x128xi32, #tpu.memory_space<vmem>> -> memref<128xi32, #tpu.memory_space<vmem>>
        %dma_start3A_956 = arith.constant 0 : i32
        %dma_start3A_957 = arith.constant 0 : i32
        %dma_start3A_958 = tpu.memref_slice %arg3[%dma_start3A_956, %dma_start3A_957] : memref<1000000x64xf32, #tpu.memory_space<hbm>> -> memref<1000000x64xf32, #tpu.memory_space<hbm>>
        tpu.enqueue_indirect_dma source(%dma_start3A_958 : memref<1000000x64xf32, #tpu.memory_space<hbm>>) target(%dma_start3A_952 : memref<128x64xf32, #tpu.memory_space<vmem>>) offsets(%dma_start3A_955 : memref<128xi32, #tpu.memory_space<vmem>>) semaphore(%arg13 : memref<!tpu.dma_semaphore, #tpu.memory_space<semaphore_mem>>)
        %dma_start3A_959 = arith.constant 0 : i32
        %dma_start3A_960 = arith.constant 0 : i32
        %dma_start3A_961 = tpu.memref_slice %arg9[%scan3A_477, %dma_start3A_959, %dma_start3A_960] : memref<2x128x128xf32, #tpu.memory_space<vmem>> -> memref<1x128x128xf32, #tpu.memory_space<vmem>>
        %dma_start3A_962 = tpu.memref_squeeze %dma_start3A_961 : memref<1x128x128xf32, #tpu.memory_space<vmem>> -> memref<128x128xf32, #tpu.memory_space<vmem>>
        %dma_start3A_963 = arith.constant 0 : i32
        %dma_start3A_964 = tpu.memref_slice %arg10[%scan3A_475, %dma_start3A_963] : memref<2x128xi32, #tpu.memory_space<vmem>> -> memref<1x128xi32, #tpu.memory_space<vmem>>
        %dma_start3A_965 = tpu.memref_squeeze %dma_start3A_964 : memref<1x128xi32, #tpu.memory_space<vmem>> -> memref<128xi32, #tpu.memory_space<vmem>>
        %dma_start3A_966 = arith.constant 0 : i32
        %dma_start3A_967 = arith.constant 0 : i32
        %dma_start3A_968 = tpu.memref_slice %arg4[%dma_start3A_966, %dma_start3A_967] : memref<62500x128xf32, #tpu.memory_space<hbm>> -> memref<62500x128xf32, #tpu.memory_space<hbm>>
        tpu.enqueue_indirect_dma source(%dma_start3A_968 : memref<62500x128xf32, #tpu.memory_space<hbm>>) target(%dma_start3A_962 : memref<128x128xf32, #tpu.memory_space<vmem>>) offsets(%dma_start3A_965 : memref<128xi32, #tpu.memory_space<vmem>>) semaphore(%arg13 : memref<!tpu.dma_semaphore, #tpu.memory_space<semaphore_mem>>)
      } else {
      }
      %get3A_711 = arith.index_cast %add3A_703 : i32 to index
      %get3A_712 = arith.constant 0 : index
      %get3A_713 = tpu.vector_load %arg7[%get3A_711, %get3A_712] {strides = array<i32>} : memref<50x128xi32, #tpu.memory_space<vmem>>, vector<16xi32>,
      %shift_right_arithmetic3A_714 = arith.constant 4 : i32
      %shift_right_arithmetic3A_715 = vector.broadcast %shift_right_arithmetic3A_714 : i32 to vector<16xi32>
      %shift_right_arithmetic3A_716 = arith.shrsi %get3A_713, %shift_right_arithmetic3A_715 : vector<16xi32>
      %swap3A_717 = arith.constant 0 : i32
      %swap3A_718 = tpu.memref_slice %arg10[%scan3A_472, %swap3A_717] : memref<2x128xi32, #tpu.memory_space<vmem>> -> memref<1x128xi32, #tpu.memory_space<vmem>>
      %swap3A_719 = tpu.memref_squeeze %swap3A_718 : memref<1x128xi32, #tpu.memory_space<vmem>> -> memref<128xi32, #tpu.memory_space<vmem>>
      %swap3A_720 = arith.constant 0 : index
      %swap3A_721 = tpu.vector_load %swap3A_719[%swap3A_720] {strides = array<i32>} : memref<128xi32, #tpu.memory_space<vmem>>, vector<16xi32>,
      tpu.vector_store %swap3A_719[%swap3A_720], %shift_right_arithmetic3A_716 {strides = array<i32>} : memref<128xi32, #tpu.memory_space<vmem>>, vector<16xi32>,
      %get3A_722 = arith.index_cast %add3A_703 : i32 to index
      %get3A_723 = arith.constant 16 : index
      %get3A_724 = tpu.vector_load %arg7[%get3A_722, %get3A_723] {strides = array<i32>} : memref<50x128xi32, #tpu.memory_space<vmem>>, vector<16xi32>,
      %shift_right_arithmetic3A_725 = arith.constant 4 : i32
      %shift_right_arithmetic3A_726 = vector.broadcast %shift_right_arithmetic3A_725 : i32 to vector<16xi32>
      %shift_right_arithmetic3A_727 = arith.shrsi %get3A_724, %shift_right_arithmetic3A_726 : vector<16xi32>
      %swap3A_728 = arith.constant 0 : i32
      %swap3A_729 = tpu.memref_slice %arg10[%scan3A_472, %swap3A_728] : memref<2x128xi32, #tpu.memory_space<vmem>> -> memref<1x128xi32, #tpu.memory_space<vmem>>
      %swap3A_730 = tpu.memref_squeeze %swap3A_729 : memref<1x128xi32, #tpu.memory_space<vmem>> -> memref<128xi32, #tpu.memory_space<vmem>>
      %swap3A_731 = arith.constant 16 : index
      %swap3A_732 = tpu.vector_load %swap3A_730[%swap3A_731] {strides = array<i32>} : memref<128xi32, #tpu.memory_space<vmem>>, vector<16xi32>,
      tpu.vector_store %swap3A_730[%swap3A_731], %shift_right_arithmetic3A_727 {strides = array<i32>} : memref<128xi32, #tpu.memory_space<vmem>>, vector<16xi32>,
      %get3A_733 = arith.index_cast %add3A_703 : i32 to index
      %get3A_734 = arith.constant 32 : index
      %get3A_735 = tpu.vector_load %arg7[%get3A_733, %get3A_734] {strides = array<i32>} : memref<50x128xi32, #tpu.memory_space<vmem>>, vector<16xi32>,
      %shift_right_arithmetic3A_736 = arith.constant 4 : i32
      %shift_right_arithmetic3A_737 = vector.broadcast %shift_right_arithmetic3A_736 : i32 to vector<16xi32>
      %shift_right_arithmetic3A_738 = arith.shrsi %get3A_735, %shift_right_arithmetic3A_737 : vector<16xi32>
      %swap3A_739 = arith.constant 0 : i32
      %swap3A_740 = tpu.memref_slice %arg10[%scan3A_472, %swap3A_739] : memref<2x128xi32, #tpu.memory_space<vmem>> -> memref<1x128xi32, #tpu.memory_space<vmem>>
      %swap3A_741 = tpu.memref_squeeze %swap3A_740 : memref<1x128xi32, #tpu.memory_space<vmem>> -> memref<128xi32, #tpu.memory_space<vmem>>
      %swap3A_742 = arith.constant 32 : index
      %swap3A_743 = tpu.vector_load %swap3A_741[%swap3A_742] {strides = array<i32>} : memref<128xi32, #tpu.memory_space<vmem>>, vector<16xi32>,
      tpu.vector_store %swap3A_741[%swap3A_742], %shift_right_arithmetic3A_738 {strides = array<i32>} : memref<128xi32, #tpu.memory_space<vmem>>, vector<16xi32>,
      %get3A_744 = arith.index_cast %add3A_703 : i32 to index
      %get3A_745 = arith.constant 48 : index
      %get3A_746 = tpu.vector_load %arg7[%get3A_744, %get3A_745] {strides = array<i32>} : memref<50x128xi32, #tpu.memory_space<vmem>>, vector<16xi32>,
      %shift_right_arithmetic3A_747 = arith.constant 4 : i32
      %shift_right_arithmetic3A_748 = vector.broadcast %shift_right_arithmetic3A_747 : i32 to vector<16xi32>
      %shift_right_arithmetic3A_749 = arith.shrsi %get3A_746, %shift_right_arithmetic3A_748 : vector<16xi32>
      %swap3A_750 = arith.constant 0 : i32
      %swap3A_751 = tpu.memref_slice %arg10[%scan3A_472, %swap3A_750] : memref<2x128xi32, #tpu.memory_space<vmem>> -> memref<1x128xi32, #tpu.memory_space<vmem>>
      %swap3A_752 = tpu.memref_squeeze %swap3A_751 : memref<1x128xi32, #tpu.memory_space<vmem>> -> memref<128xi32, #tpu.memory_space<vmem>>
      %swap3A_753 = arith.constant 48 : index
      %swap3A_754 = tpu.vector_load %swap3A_752[%swap3A_753] {strides = array<i32>} : memref<128xi32, #tpu.memory_space<vmem>>, vector<16xi32>,
      tpu.vector_store %swap3A_752[%swap3A_753], %shift_right_arithmetic3A_749 {strides = array<i32>} : memref<128xi32, #tpu.memory_space<vmem>>, vector<16xi32>,
      %get3A_755 = arith.index_cast %add3A_703 : i32 to index
      %get3A_756 = arith.constant 64 : index
      %get3A_757 = tpu.vector_load %arg7[%get3A_755, %get3A_756] {strides = array<i32>} : memref<50x128xi32, #tpu.memory_space<vmem>>, vector<16xi32>,
      %shift_right_arithmetic3A_758 = arith.constant 4 : i32
      %shift_right_arithmetic3A_759 = vector.broadcast %shift_right_arithmetic3A_758 : i32 to vector<16xi32>
      %shift_right_arithmetic3A_760 = arith.shrsi %get3A_757, %shift_right_arithmetic3A_759 : vector<16xi32>
      %swap3A_761 = arith.constant 0 : i32
      %swap3A_762 = tpu.memref_slice %arg10[%scan3A_472, %swap3A_761] : memref<2x128xi32, #tpu.memory_space<vmem>> -> memref<1x128xi32, #tpu.memory_space<vmem>>
      %swap3A_763 = tpu.memref_squeeze %swap3A_762 : memref<1x128xi32, #tpu.memory_space<vmem>> -> memref<128xi32, #tpu.memory_space<vmem>>
      %swap3A_764 = arith.constant 64 : index
      %swap3A_765 = tpu.vector_load %swap3A_763[%swap3A_764] {strides = array<i32>} : memref<128xi32, #tpu.memory_space<vmem>>, vector<16xi32>,
      tpu.vector_store %swap3A_763[%swap3A_764], %shift_right_arithmetic3A_760 {strides = array<i32>} : memref<128xi32, #tpu.memory_space<vmem>>, vector<16xi32>,
      %get3A_766 = arith.index_cast %add3A_703 : i32 to index
      %get3A_767 = arith.constant 80 : index
      %get3A_768 = tpu.vector_load %arg7[%get3A_766, %get3A_767] {strides = array<i32>} : memref<50x128xi32, #tpu.memory_space<vmem>>, vector<16xi32>,
      %shift_right_arithmetic3A_769 = arith.constant 4 : i32
      %shift_right_arithmetic3A_770 = vector.broadcast %shift_right_arithmetic3A_769 : i32 to vector<16xi32>
      %shift_right_arithmetic3A_771 = arith.shrsi %get3A_768, %shift_right_arithmetic3A_770 : vector<16xi32>
      %swap3A_772 = arith.constant 0 : i32
      %swap3A_773 = tpu.memref_slice %arg10[%scan3A_472, %swap3A_772] : memref<2x128xi32, #tpu.memory_space<vmem>> -> memref<1x128xi32, #tpu.memory_space<vmem>>
      %swap3A_774 = tpu.memref_squeeze %swap3A_773 : memref<1x128xi32, #tpu.memory_space<vmem>> -> memref<128xi32, #tpu.memory_space<vmem>>
      %swap3A_775 = arith.constant 80 : index
      %swap3A_776 = tpu.vector_load %swap3A_774[%swap3A_775] {strides = array<i32>} : memref<128xi32, #tpu.memory_space<vmem>>, vector<16xi32>,
      tpu.vector_store %swap3A_774[%swap3A_775], %shift_right_arithmetic3A_771 {strides = array<i32>} : memref<128xi32, #tpu.memory_space<vmem>>, vector<16xi32>,
      %get3A_777 = arith.index_cast %add3A_703 : i32 to index
      %get3A_778 = arith.constant 96 : index
      %get3A_779 = tpu.vector_load %arg7[%get3A_777, %get3A_778] {strides = array<i32>} : memref<50x128xi32, #tpu.memory_space<vmem>>, vector<16xi32>,
      %shift_right_arithmetic3A_780 = arith.constant 4 : i32
      %shift_right_arithmetic3A_781 = vector.broadcast %shift_right_arithmetic3A_780 : i32 to vector<16xi32>
      %shift_right_arithmetic3A_782 = arith.shrsi %get3A_779, %shift_right_arithmetic3A_781 : vector<16xi32>
      %swap3A_783 = arith.constant 0 : i32
      %swap3A_784 = tpu.memref_slice %arg10[%scan3A_472, %swap3A_783] : memref<2x128xi32, #tpu.memory_space<vmem>> -> memref<1x128xi32, #tpu.memory_space<vmem>>
      %swap3A_785 = tpu.memref_squeeze %swap3A_784 : memref<1x128xi32, #tpu.memory_space<vmem>> -> memref<128xi32, #tpu.memory_space<vmem>>
      %swap3A_786 = arith.constant 96 : index
      %swap3A_787 = tpu.vector_load %swap3A_785[%swap3A_786] {strides = array<i32>} : memref<128xi32, #tpu.memory_space<vmem>>, vector<16xi32>,
      tpu.vector_store %swap3A_785[%swap3A_786], %shift_right_arithmetic3A_782 {strides = array<i32>} : memref<128xi32, #tpu.memory_space<vmem>>, vector<16xi32>,
      %get3A_788 = arith.index_cast %add3A_703 : i32 to index
      %get3A_789 = arith.constant 112 : index
      %get3A_790 = tpu.vector_load %arg7[%get3A_788, %get3A_789] {strides = array<i32>} : memref<50x128xi32, #tpu.memory_space<vmem>>, vector<16xi32>,
      %shift_right_arithmetic3A_791 = arith.constant 4 : i32
      %shift_right_arithmetic3A_792 = vector.broadcast %shift_right_arithmetic3A_791 : i32 to vector<16xi32>
      %shift_right_arithmetic3A_793 = arith.shrsi %get3A_790, %shift_right_arithmetic3A_792 : vector<16xi32>
      %swap3A_794 = arith.constant 0 : i32
      %swap3A_795 = tpu.memref_slice %arg10[%scan3A_472, %swap3A_794] : memref<2x128xi32, #tpu.memory_space<vmem>> -> memref<1x128xi32, #tpu.memory_space<vmem>>
      %swap3A_796 = tpu.memref_squeeze %swap3A_795 : memref<1x128xi32, #tpu.memory_space<vmem>> -> memref<128xi32, #tpu.memory_space<vmem>>
      %swap3A_797 = arith.constant 112 : index
      %swap3A_798 = tpu.vector_load %swap3A_796[%swap3A_797] {strides = array<i32>} : memref<128xi32, #tpu.memory_space<vmem>>, vector<16xi32>,
      tpu.vector_store %swap3A_796[%swap3A_797], %shift_right_arithmetic3A_793 {strides = array<i32>} : memref<128xi32, #tpu.memory_space<vmem>>, vector<16xi32>,
      %dma_wait3A_799 = arith.constant 0 : i32
      %dma_wait3A_800 = arith.constant 0 : i32
      %dma_wait3A_801 = tpu.memref_slice %arg8[%scan3A_473, %dma_wait3A_799, %dma_wait3A_800] : memref<2x128x64xf32, #tpu.memory_space<vmem>> -> memref<1x128x64xf32, #tpu.memory_space<vmem>>
      %dma_wait3A_802 = tpu.memref_squeeze %dma_wait3A_801 : memref<1x128x64xf32, #tpu.memory_space<vmem>> -> memref<128x64xf32, #tpu.memory_space<vmem>>
      %dma_wait3A_803 = arith.constant 0 : i32
      %dma_wait3A_804 = tpu.memref_slice %arg7[%add3A_703, %dma_wait3A_803] : memref<50x128xi32, #tpu.memory_space<vmem>> -> memref<1x128xi32, #tpu.memory_space<vmem>>
      %dma_wait3A_805 = tpu.memref_squeeze %dma_wait3A_804 : memref<1x128xi32, #tpu.memory_space<vmem>> -> memref<128xi32, #tpu.memory_space<vmem>>
      %dma_wait3A_806 = arith.constant 0 : i32
      %dma_wait3A_807 = arith.constant 0 : i32
      %dma_wait3A_808 = tpu.memref_slice %arg3[%dma_wait3A_806, %dma_wait3A_807] : memref<1000000x64xf32, #tpu.memory_space<hbm>> -> memref<1000000x64xf32, #tpu.memory_space<hbm>>
      tpu.wait_indirect_dma semaphore(%arg14 : memref<!tpu.dma_semaphore, #tpu.memory_space<semaphore_mem>>) src(%dma_wait3A_808 : memref<1000000x64xf32, #tpu.memory_space<hbm>>) dst(%dma_wait3A_802 : memref<128x64xf32, #tpu.memory_space<vmem>>)
      %dma_wait3A_809 = arith.constant 0 : i32
      %dma_wait3A_810 = arith.constant 0 : i32
      %dma_wait3A_811 = tpu.memref_slice %arg9[%scan3A_474, %dma_wait3A_809, %dma_wait3A_810] : memref<2x128x128xf32, #tpu.memory_space<vmem>> -> memref<1x128x128xf32, #tpu.memory_space<vmem>>
      %dma_wait3A_812 = tpu.memref_squeeze %dma_wait3A_811 : memref<1x128x128xf32, #tpu.memory_space<vmem>> -> memref<128x128xf32, #tpu.memory_space<vmem>>
      %dma_wait3A_813 = arith.constant 0 : i32
      %dma_wait3A_814 = tpu.memref_slice %arg10[%scan3A_472, %dma_wait3A_813] : memref<2x128xi32, #tpu.memory_space<vmem>> -> memref<1x128xi32, #tpu.memory_space<vmem>>
      %dma_wait3A_815 = tpu.memref_squeeze %dma_wait3A_814 : memref<1x128xi32, #tpu.memory_space<vmem>> -> memref<128xi32, #tpu.memory_space<vmem>>
      %dma_wait3A_816 = arith.constant 0 : i32
      %dma_wait3A_817 = arith.constant 0 : i32
      %dma_wait3A_818 = tpu.memref_slice %arg4[%dma_wait3A_816, %dma_wait3A_817] : memref<62500x128xf32, #tpu.memory_space<hbm>> -> memref<62500x128xf32, #tpu.memory_space<hbm>>
      tpu.wait_indirect_dma semaphore(%arg14 : memref<!tpu.dma_semaphore, #tpu.memory_space<semaphore_mem>>) src(%dma_wait3A_818 : memref<62500x128xf32, #tpu.memory_space<hbm>>) dst(%dma_wait3A_812 : memref<128x128xf32, #tpu.memory_space<vmem>>)
      %ge3A_819 = arith.constant 2 : i32
      %ge3A_820 = arith.cmpi sge, %add3A_703, %ge3A_819 : i32
      %convert_element_type3A_821 = arith.extui %ge3A_820 : i1 to i32
      %cond3A_822 = arith.constant 0 : i32
      %cond3A_823 = arith.cmpi ne, %convert_element_type3A_821, %cond3A_822 : i32
      scf.if %cond3A_823 {
        %sub3A_859 = arith.constant 2 : i32
        %sub3A_860 = arith.subi %add3A_703, %sub3A_859 : i32
        %dma_wait3A_861 = arith.constant 0 : i32
        %dma_wait3A_862 = arith.constant 0 : i32
        %dma_wait3A_863 = arith.constant 0 : i32
        %dma_wait3A_864 = tpu.memref_slice %arg11[%scan3A_479, %dma_wait3A_861, %dma_wait3A_862, %dma_wait3A_863] : memref<2x8x8x129xf32, #tpu.memory_space<vmem>> -> memref<1x8x8x129xf32, #tpu.memory_space<vmem>>
        %dma_wait3A_865 = tpu.memref_squeeze %dma_wait3A_864 : memref<1x8x8x129xf32, #tpu.memory_space<vmem>> -> memref<8x8x129xf32, #tpu.memory_space<vmem>>
        %dma_wait3A_866 = arith.constant 0 : i32
        %dma_wait3A_867 = arith.constant 0 : i32
        %dma_wait3A_868 = arith.constant 0 : i32
        %dma_wait3A_869 = tpu.memref_slice %dma_wait3A_865[%dma_wait3A_866, %dma_wait3A_867, %dma_wait3A_868] : memref<8x8x129xf32, #tpu.memory_space<vmem>> -> memref<8x8x128xf32, #tpu.memory_space<vmem>>
        %dma_wait3A_870 = arith.constant 0 : i32
        %dma_wait3A_871 = arith.constant 0 : i32
        %dma_wait3A_872 = arith.constant 0 : i32
        %dma_wait3A_873 = tpu.memref_slice %arg6[%sub3A_860, %dma_wait3A_870, %add3A, %dma_wait3A_871, %dma_wait3A_872] : memref<50x8x32x8x128xf32, #tpu.memory_space<hbm>> -> memref<1x8x1x8x128xf32, #tpu.memory_space<hbm>>
        %dma_wait3A_874 = tpu.memref_squeeze %dma_wait3A_873 : memref<1x8x1x8x128xf32, #tpu.memory_space<hbm>> -> memref<8x8x128xf32, #tpu.memory_space<hbm>>
        %dma_wait3A_875 = arith.constant 0 : i32
        %dma_wait3A_876 = arith.constant 0 : i32
        %dma_wait3A_877 = arith.constant 0 : i32
        %dma_wait3A_878 = tpu.memref_slice %arg6[%sub3A_860, %dma_wait3A_875, %add3A, %dma_wait3A_876, %dma_wait3A_877] : memref<50x8x32x8x128xf32, #tpu.memory_space<hbm>> -> memref<1x8x1x8x128xf32, #tpu.memory_space<hbm>>
        %dma_wait3A_879 = tpu.memref_squeeze %dma_wait3A_878 : memref<1x8x1x8x128xf32, #tpu.memory_space<hbm>> -> memref<8x8x128xf32, #tpu.memory_space<hbm>>
        %dma_wait3A_880 = arith.constant 0 : i32
        %dma_wait3A_881 = arith.constant 0 : i32
        %dma_wait3A_882 = arith.constant 0 : i32
        %dma_wait3A_883 = tpu.memref_slice %arg11[%scan3A_479, %dma_wait3A_880, %dma_wait3A_881, %dma_wait3A_882] : memref<2x8x8x129xf32, #tpu.memory_space<vmem>> -> memref<1x8x8x129xf32, #tpu.memory_space<vmem>>
        %dma_wait3A_884 = tpu.memref_squeeze %dma_wait3A_883 : memref<1x8x8x129xf32, #tpu.memory_space<vmem>> -> memref<8x8x129xf32, #tpu.memory_space<vmem>>
        %dma_wait3A_885 = arith.constant 0 : i32
        %dma_wait3A_886 = arith.constant 0 : i32
        %dma_wait3A_887 = arith.constant 0 : i32
        %dma_wait3A_888 = tpu.memref_slice %dma_wait3A_884[%dma_wait3A_885, %dma_wait3A_886, %dma_wait3A_887] : memref<8x8x129xf32, #tpu.memory_space<vmem>> -> memref<8x8x128xf32, #tpu.memory_space<vmem>>
        tpu.wait_dma2 semaphore(%arg16 : memref<!tpu.dma_semaphore, #tpu.memory_space<semaphore_mem>>) src(%dma_wait3A_888 : memref<8x8x128xf32, #tpu.memory_space<vmem>>) dst(%dma_wait3A_879 : memref<8x8x128xf32, #tpu.memory_space<hbm>>)
      } else {
      }
      %broadcast_in_dim3A_824 = vector.broadcast %add3A_703 : i32 to vector<16xi32>
      %scan3A_825 = arith.constant 0 : i32
      %scan3A_826 = arith.constant 0 : i32
      %scan3A_827 = arith.constant 128 : i32
      %scan3A_828 = arith.addi %scan3A_826, %scan3A_827 : i32
      %scan3A_829 = arith.constant 1 : i32
      scf.for %scan3A_859 = %scan3A_826 to %scan3A_828 step %scan3A_829  : i32 {
        %broadcast_in_dim3A_860 = vector.broadcast %scan3A_859 : i32 to vector<16xi32>
        %gather3A = tpu.vector_load_idx %arg7[%broadcast_in_dim3A_824, %broadcast_in_dim3A_860] : memref<50x128xi32, #tpu.memory_space<vmem>>[vector<16xi32>, vector<16xi32>], vector<16xi32>,
        %and3A_861 = arith.constant 15 : i32
        %and3A_862 = vector.broadcast %and3A_861 : i32 to vector<16xi32>
        %and3A_863 = arith.andi %gather3A, %and3A_862 : vector<16xi32>
        %mul3A_864 = arith.constant 8 : i32
        %mul3A_865 = vector.broadcast %mul3A_864 : i32 to vector<16xi32>
        %mul3A_866 = arith.muli %and3A_863, %mul3A_865 : vector<16xi32>
        %add3A_867 = arith.constant 0 : i32
        %add3A_868 = vector.broadcast %add3A_867 : i32 to vector<16xi32>
        %add3A_869 = arith.addi %mul3A_866, %add3A_868 : vector<16xi32>
        %gather3A_870 = arith.constant 0 : i32
        %gather3A_871 = arith.constant 0 : i32
        %gather3A_872 = tpu.memref_slice %arg9[%scan3A_474, %gather3A_870, %gather3A_871] : memref<2x128x128xf32, #tpu.memory_space<vmem>> -> memref<1x128x128xf32, #tpu.memory_space<vmem>>
        %gather3A_873 = tpu.memref_squeeze %gather3A_872 : memref<1x128x128xf32, #tpu.memory_space<vmem>> -> memref<128x128xf32, #tpu.memory_space<vmem>>
        %gather3A_874 = tpu.vector_load_idx %gather3A_873[%broadcast_in_dim3A_860, %add3A_869] : memref<128x128xf32, #tpu.memory_space<vmem>>[vector<16xi32>, vector<16xi32>], vector<16xf32>,
        %add3A_875 = arith.constant 1 : i32
        %add3A_876 = vector.broadcast %add3A_875 : i32 to vector<16xi32>
        %add3A_877 = arith.addi %mul3A_866, %add3A_876 : vector<16xi32>
        %gather3A_878 = arith.constant 0 : i32
        %gather3A_879 = arith.constant 0 : i32
        %gather3A_880 = tpu.memref_slice %arg9[%scan3A_474, %gather3A_878, %gather3A_879] : memref<2x128x128xf32, #tpu.memory_space<vmem>> -> memref<1x128x128xf32, #tpu.memory_space<vmem>>
        %gather3A_881 = tpu.memref_squeeze %gather3A_880 : memref<1x128x128xf32, #tpu.memory_space<vmem>> -> memref<128x128xf32, #tpu.memory_space<vmem>>
        %gather3A_882 = tpu.vector_load_idx %gather3A_881[%broadcast_in_dim3A_860, %add3A_877] : memref<128x128xf32, #tpu.memory_space<vmem>>[vector<16xi32>, vector<16xi32>], vector<16xf32>,
        %add3A_883 = arith.constant 2 : i32
        %add3A_884 = vector.broadcast %add3A_883 : i32 to vector<16xi32>
        %add3A_885 = arith.addi %mul3A_866, %add3A_884 : vector<16xi32>
        %gather3A_886 = arith.constant 0 : i32
        %gather3A_887 = arith.constant 0 : i32
        %gather3A_888 = tpu.memref_slice %arg9[%scan3A_474, %gather3A_886, %gather3A_887] : memref<2x128x128xf32, #tpu.memory_space<vmem>> -> memref<1x128x128xf32, #tpu.memory_space<vmem>>
        %gather3A_889 = tpu.memref_squeeze %gather3A_888 : memref<1x128x128xf32, #tpu.memory_space<vmem>> -> memref<128x128xf32, #tpu.memory_space<vmem>>
        %gather3A_890 = tpu.vector_load_idx %gather3A_889[%broadcast_in_dim3A_860, %add3A_885] : memref<128x128xf32, #tpu.memory_space<vmem>>[vector<16xi32>, vector<16xi32>], vector<16xf32>,
        %add3A_891 = arith.constant 3 : i32
        %add3A_892 = vector.broadcast %add3A_891 : i32 to vector<16xi32>
        %add3A_893 = arith.addi %mul3A_866, %add3A_892 : vector<16xi32>
        %gather3A_894 = arith.constant 0 : i32
        %gather3A_895 = arith.constant 0 : i32
        %gather3A_896 = tpu.memref_slice %arg9[%scan3A_474, %gather3A_894, %gather3A_895] : memref<2x128x128xf32, #tpu.memory_space<vmem>> -> memref<1x128x128xf32, #tpu.memory_space<vmem>>
        %gather3A_897 = tpu.memref_squeeze %gather3A_896 : memref<1x128x128xf32, #tpu.memory_space<vmem>> -> memref<128x128xf32, #tpu.memory_space<vmem>>
        %gather3A_898 = tpu.vector_load_idx %gather3A_897[%broadcast_in_dim3A_860, %add3A_893] : memref<128x128xf32, #tpu.memory_space<vmem>>[vector<16xi32>, vector<16xi32>], vector<16xf32>,
        %add3A_899 = arith.constant 4 : i32
        %add3A_900 = vector.broadcast %add3A_899 : i32 to vector<16xi32>
        %add3A_901 = arith.addi %mul3A_866, %add3A_900 : vector<16xi32>
        %gather3A_902 = arith.constant 0 : i32
        %gather3A_903 = arith.constant 0 : i32
        %gather3A_904 = tpu.memref_slice %arg9[%scan3A_474, %gather3A_902, %gather3A_903] : memref<2x128x128xf32, #tpu.memory_space<vmem>> -> memref<1x128x128xf32, #tpu.memory_space<vmem>>
        %gather3A_905 = tpu.memref_squeeze %gather3A_904 : memref<1x128x128xf32, #tpu.memory_space<vmem>> -> memref<128x128xf32, #tpu.memory_space<vmem>>
        %gather3A_906 = tpu.vector_load_idx %gather3A_905[%broadcast_in_dim3A_860, %add3A_901] : memref<128x128xf32, #tpu.memory_space<vmem>>[vector<16xi32>, vector<16xi32>], vector<16xf32>,
        %add3A_907 = arith.constant 5 : i32
        %add3A_908 = vector.broadcast %add3A_907 : i32 to vector<16xi32>
        %add3A_909 = arith.addi %mul3A_866, %add3A_908 : vector<16xi32>
        %gather3A_910 = arith.constant 0 : i32
        %gather3A_911 = arith.constant 0 : i32
        %gather3A_912 = tpu.memref_slice %arg9[%scan3A_474, %gather3A_910, %gather3A_911] : memref<2x128x128xf32, #tpu.memory_space<vmem>> -> memref<1x128x128xf32, #tpu.memory_space<vmem>>
        %gather3A_913 = tpu.memref_squeeze %gather3A_912 : memref<1x128x128xf32, #tpu.memory_space<vmem>> -> memref<128x128xf32, #tpu.memory_space<vmem>>
        %gather3A_914 = tpu.vector_load_idx %gather3A_913[%broadcast_in_dim3A_860, %add3A_909] : memref<128x128xf32, #tpu.memory_space<vmem>>[vector<16xi32>, vector<16xi32>], vector<16xf32>,
        %add3A_915 = arith.constant 6 : i32
        %add3A_916 = vector.broadcast %add3A_915 : i32 to vector<16xi32>
        %add3A_917 = arith.addi %mul3A_866, %add3A_916 : vector<16xi32>
        %gather3A_918 = arith.constant 0 : i32
        %gather3A_919 = arith.constant 0 : i32
        %gather3A_920 = tpu.memref_slice %arg9[%scan3A_474, %gather3A_918, %gather3A_919] : memref<2x128x128xf32, #tpu.memory_space<vmem>> -> memref<1x128x128xf32, #tpu.memory_space<vmem>>
        %gather3A_921 = tpu.memref_squeeze %gather3A_920 : memref<1x128x128xf32, #tpu.memory_space<vmem>> -> memref<128x128xf32, #tpu.memory_space<vmem>>
        %gather3A_922 = tpu.vector_load_idx %gather3A_921[%broadcast_in_dim3A_860, %add3A_917] : memref<128x128xf32, #tpu.memory_space<vmem>>[vector<16xi32>, vector<16xi32>], vector<16xf32>,
        %add3A_923 = arith.constant 7 : i32
        %add3A_924 = vector.broadcast %add3A_923 : i32 to vector<16xi32>
        %add3A_925 = arith.addi %mul3A_866, %add3A_924 : vector<16xi32>
        %gather3A_926 = arith.constant 0 : i32
        %gather3A_927 = arith.constant 0 : i32
        %gather3A_928 = tpu.memref_slice %arg9[%scan3A_474, %gather3A_926, %gather3A_927] : memref<2x128x128xf32, #tpu.memory_space<vmem>> -> memref<1x128x128xf32, #tpu.memory_space<vmem>>
        %gather3A_929 = tpu.memref_squeeze %gather3A_928 : memref<1x128x128xf32, #tpu.memory_space<vmem>> -> memref<128x128xf32, #tpu.memory_space<vmem>>
        %gather3A_930 = tpu.vector_load_idx %gather3A_929[%broadcast_in_dim3A_860, %add3A_925] : memref<128x128xf32, #tpu.memory_space<vmem>>[vector<16xi32>, vector<16xi32>], vector<16xf32>,
        %get3A_931 = arith.constant 0 : i32
        %get3A_932 = arith.constant 0 : i32
        %get3A_933 = tpu.memref_slice %arg8[%scan3A_473, %get3A_931, %get3A_932] : memref<2x128x64xf32, #tpu.memory_space<vmem>> -> memref<1x128x64xf32, #tpu.memory_space<vmem>>
        %get3A_934 = tpu.memref_squeeze %get3A_933 : memref<1x128x64xf32, #tpu.memory_space<vmem>> -> memref<128x64xf32, #tpu.memory_space<vmem>>
        %get3A_935 = arith.index_cast %scan3A_859 : i32 to index
        %get3A_936 = arith.constant 0 : index
        %get3A_937 = tpu.vector_load %get3A_934[%get3A_935, %get3A_936] {strides = array<i32>} : memref<128x64xf32, #tpu.memory_space<vmem>>, vector<16xf32>,
        %mul3A_938 = arith.mulf %gather3A_874, %get3A_5 : vector<16xf32>
        %add3A_939 = arith.addf %get3A_937, %mul3A_938 : vector<16xf32>
        %mul3A_940 = arith.mulf %gather3A_882, %get3A_21 : vector<16xf32>
        %add3A_941 = arith.addf %add3A_939, %mul3A_940 : vector<16xf32>
        %mul3A_942 = arith.mulf %gather3A_890, %get3A_37 : vector<16xf32>
        %add3A_943 = arith.addf %add3A_941, %mul3A_942 : vector<16xf32>
        %mul3A_944 = arith.mulf %gather3A_898, %get3A_53 : vector<16xf32>
        %add3A_945 = arith.addf %add3A_943, %mul3A_944 : vector<16xf32>
        %mul3A_946 = arith.mulf %gather3A_906, %get3A_69 : vector<16xf32>
        %add3A_947 = arith.addf %add3A_945, %mul3A_946 : vector<16xf32>
        %mul3A_948 = arith.mulf %gather3A_914, %get3A_85 : vector<16xf32>
        %add3A_949 = arith.addf %add3A_947, %mul3A_948 : vector<16xf32>
        %mul3A_950 = arith.mulf %gather3A_922, %get3A_101 : vector<16xf32>
        %add3A_951 = arith.addf %add3A_949, %mul3A_950 : vector<16xf32>
        %mul3A_952 = arith.mulf %gather3A_930, %get3A_117 : vector<16xf32>
        %add3A_953 = arith.addf %add3A_951, %mul3A_952 : vector<16xf32>
        %scatter3A = arith.constant 0 : i32
        %scatter3A_954 = arith.constant 0 : i32
        %scatter3A_955 = arith.constant 0 : i32
        %scatter3A_956 = tpu.memref_slice %arg11[%scan3A_479, %scatter3A, %scatter3A_954, %scatter3A_955] : memref<2x8x8x129xf32, #tpu.memory_space<vmem>> -> memref<1x8x8x129xf32, #tpu.memory_space<vmem>>
        %scatter3A_957 = tpu.memref_squeeze %scatter3A_956 : memref<1x8x8x129xf32, #tpu.memory_space<vmem>> -> memref<8x8x129xf32, #tpu.memory_space<vmem>>
        tpu.vector_store_idx %scatter3A_957[%select_n3A, %select_n3A_280, %broadcast_in_dim3A_860], %add3A_953 : memref<8x8x129xf32, #tpu.memory_space<vmem>>[vector<16xi32>, vector<16xi32>, vector<16xi32>], vector<16xf32>,
        %get3A_958 = arith.constant 0 : i32
        %get3A_959 = arith.constant 0 : i32
        %get3A_960 = tpu.memref_slice %arg8[%scan3A_473, %get3A_958, %get3A_959] : memref<2x128x64xf32, #tpu.memory_space<vmem>> -> memref<1x128x64xf32, #tpu.memory_space<vmem>>
        %get3A_961 = tpu.memref_squeeze %get3A_960 : memref<1x128x64xf32, #tpu.memory_space<vmem>> -> memref<128x64xf32, #tpu.memory_space<vmem>>
        %get3A_962 = arith.index_cast %scan3A_859 : i32 to index
        %get3A_963 = arith.constant 16 : index
        %get3A_964 = tpu.vector_load %get3A_961[%get3A_962, %get3A_963] {strides = array<i32>} : memref<128x64xf32, #tpu.memory_space<vmem>>, vector<16xf32>,
        %mul3A_965 = arith.mulf %gather3A_874, %get3A_9 : vector<16xf32>
        %add3A_966 = arith.addf %get3A_964, %mul3A_965 : vector<16xf32>
        %mul3A_967 = arith.mulf %gather3A_882, %get3A_25 : vector<16xf32>
        %add3A_968 = arith.addf %add3A_966, %mul3A_967 : vector<16xf32>
        %mul3A_969 = arith.mulf %gather3A_890, %get3A_41 : vector<16xf32>
        %add3A_970 = arith.addf %add3A_968, %mul3A_969 : vector<16xf32>
        %mul3A_971 = arith.mulf %gather3A_898, %get3A_57 : vector<16xf32>
        %add3A_972 = arith.addf %add3A_970, %mul3A_971 : vector<16xf32>
        %mul3A_973 = arith.mulf %gather3A_906, %get3A_73 : vector<16xf32>
        %add3A_974 = arith.addf %add3A_972, %mul3A_973 : vector<16xf32>
        %mul3A_975 = arith.mulf %gather3A_914, %get3A_89 : vector<16xf32>
        %add3A_976 = arith.addf %add3A_974, %mul3A_975 : vector<16xf32>
        %mul3A_977 = arith.mulf %gather3A_922, %get3A_105 : vector<16xf32>
        %add3A_978 = arith.addf %add3A_976, %mul3A_977 : vector<16xf32>
        %mul3A_979 = arith.mulf %gather3A_930, %get3A_121 : vector<16xf32>
        %add3A_980 = arith.addf %add3A_978, %mul3A_979 : vector<16xf32>
        %scatter3A_981 = arith.constant 0 : i32
        %scatter3A_982 = arith.constant 0 : i32
        %scatter3A_983 = arith.constant 0 : i32
        %scatter3A_984 = tpu.memref_slice %arg11[%scan3A_479, %scatter3A_981, %scatter3A_982, %scatter3A_983] : memref<2x8x8x129xf32, #tpu.memory_space<vmem>> -> memref<1x8x8x129xf32, #tpu.memory_space<vmem>>
        %scatter3A_985 = tpu.memref_squeeze %scatter3A_984 : memref<1x8x8x129xf32, #tpu.memory_space<vmem>> -> memref<8x8x129xf32, #tpu.memory_space<vmem>>
        tpu.vector_store_idx %scatter3A_985[%select_n3A_198, %select_n3A_302, %broadcast_in_dim3A_860], %add3A_980 : memref<8x8x129xf32, #tpu.memory_space<vmem>>[vector<16xi32>, vector<16xi32>, vector<16xi32>], vector<16xf32>,
        %get3A_986 = arith.constant 0 : i32
        %get3A_987 = arith.constant 0 : i32
        %get3A_988 = tpu.memref_slice %arg8[%scan3A_473, %get3A_986, %get3A_987] : memref<2x128x64xf32, #tpu.memory_space<vmem>> -> memref<1x128x64xf32, #tpu.memory_space<vmem>>
        %get3A_989 = tpu.memref_squeeze %get3A_988 : memref<1x128x64xf32, #tpu.memory_space<vmem>> -> memref<128x64xf32, #tpu.memory_space<vmem>>
        %get3A_990 = arith.index_cast %scan3A_859 : i32 to index
        %get3A_991 = arith.constant 32 : index
        %get3A_992 = tpu.vector_load %get3A_989[%get3A_990, %get3A_991] {strides = array<i32>} : memref<128x64xf32, #tpu.memory_space<vmem>>, vector<16xf32>,
        %mul3A_993 = arith.mulf %gather3A_874, %get3A_13 : vector<16xf32>
        %add3A_994 = arith.addf %get3A_992, %mul3A_993 : vector<16xf32>
        %mul3A_995 = arith.mulf %gather3A_882, %get3A_29 : vector<16xf32>
        %add3A_996 = arith.addf %add3A_994, %mul3A_995 : vector<16xf32>
        %mul3A_997 = arith.mulf %gather3A_890, %get3A_45 : vector<16xf32>
        %add3A_998 = arith.addf %add3A_996, %mul3A_997 : vector<16xf32>
        %mul3A_999 = arith.mulf %gather3A_898, %get3A_61 : vector<16xf32>
        %add3A_1000 = arith.addf %add3A_998, %mul3A_999 : vector<16xf32>
        %mul3A_1001 = arith.mulf %gather3A_906, %get3A_77 : vector<16xf32>
        %add3A_1002 = arith.addf %add3A_1000, %mul3A_1001 : vector<16xf32>
        %mul3A_1003 = arith.mulf %gather3A_914, %get3A_93 : vector<16xf32>
        %add3A_1004 = arith.addf %add3A_1002, %mul3A_1003 : vector<16xf32>
        %mul3A_1005 = arith.mulf %gather3A_922, %get3A_109 : vector<16xf32>
        %add3A_1006 = arith.addf %add3A_1004, %mul3A_1005 : vector<16xf32>
        %mul3A_1007 = arith.mulf %gather3A_930, %get3A_125 : vector<16xf32>
        %add3A_1008 = arith.addf %add3A_1006, %mul3A_1007 : vector<16xf32>
        %scatter3A_1009 = arith.constant 0 : i32
        %scatter3A_1010 = arith.constant 0 : i32
        %scatter3A_1011 = arith.constant 0 : i32
        %scatter3A_1012 = tpu.memref_slice %arg11[%scan3A_479, %scatter3A_1009, %scatter3A_1010, %scatter3A_1011] : memref<2x8x8x129xf32, #tpu.memory_space<vmem>> -> memref<1x8x8x129xf32, #tpu.memory_space<vmem>>
        %scatter3A_1013 = tpu.memref_squeeze %scatter3A_1012 : memref<1x8x8x129xf32, #tpu.memory_space<vmem>> -> memref<8x8x129xf32, #tpu.memory_space<vmem>>
        tpu.vector_store_idx %scatter3A_1013[%select_n3A_229, %select_n3A_324, %broadcast_in_dim3A_860], %add3A_1008 : memref<8x8x129xf32, #tpu.memory_space<vmem>>[vector<16xi32>, vector<16xi32>, vector<16xi32>], vector<16xf32>,
        %get3A_1014 = arith.constant 0 : i32
        %get3A_1015 = arith.constant 0 : i32
        %get3A_1016 = tpu.memref_slice %arg8[%scan3A_473, %get3A_1014, %get3A_1015] : memref<2x128x64xf32, #tpu.memory_space<vmem>> -> memref<1x128x64xf32, #tpu.memory_space<vmem>>
        %get3A_1017 = tpu.memref_squeeze %get3A_1016 : memref<1x128x64xf32, #tpu.memory_space<vmem>> -> memref<128x64xf32, #tpu.memory_space<vmem>>
        %get3A_1018 = arith.index_cast %scan3A_859 : i32 to index
        %get3A_1019 = arith.constant 48 : index
        %get3A_1020 = tpu.vector_load %get3A_1017[%get3A_1018, %get3A_1019] {strides = array<i32>} : memref<128x64xf32, #tpu.memory_space<vmem>>, vector<16xf32>,
        %mul3A_1021 = arith.mulf %gather3A_874, %get3A_17 : vector<16xf32>
        %add3A_1022 = arith.addf %get3A_1020, %mul3A_1021 : vector<16xf32>
        %mul3A_1023 = arith.mulf %gather3A_882, %get3A_33 : vector<16xf32>
        %add3A_1024 = arith.addf %add3A_1022, %mul3A_1023 : vector<16xf32>
        %mul3A_1025 = arith.mulf %gather3A_890, %get3A_49 : vector<16xf32>
        %add3A_1026 = arith.addf %add3A_1024, %mul3A_1025 : vector<16xf32>
        %mul3A_1027 = arith.mulf %gather3A_898, %get3A_65 : vector<16xf32>
        %add3A_1028 = arith.addf %add3A_1026, %mul3A_1027 : vector<16xf32>
        %mul3A_1029 = arith.mulf %gather3A_906, %get3A_81 : vector<16xf32>
        %add3A_1030 = arith.addf %add3A_1028, %mul3A_1029 : vector<16xf32>
        %mul3A_1031 = arith.mulf %gather3A_914, %get3A_97 : vector<16xf32>
        %add3A_1032 = arith.addf %add3A_1030, %mul3A_1031 : vector<16xf32>
        %mul3A_1033 = arith.mulf %gather3A_922, %get3A_113 : vector<16xf32>
        %add3A_1034 = arith.addf %add3A_1032, %mul3A_1033 : vector<16xf32>
        %mul3A_1035 = arith.mulf %gather3A_930, %get3A_129 : vector<16xf32>
        %add3A_1036 = arith.addf %add3A_1034, %mul3A_1035 : vector<16xf32>
        %scatter3A_1037 = arith.constant 0 : i32
        %scatter3A_1038 = arith.constant 0 : i32
        %scatter3A_1039 = arith.constant 0 : i32
        %scatter3A_1040 = tpu.memref_slice %arg11[%scan3A_479, %scatter3A_1037, %scatter3A_1038, %scatter3A_1039] : memref<2x8x8x129xf32, #tpu.memory_space<vmem>> -> memref<1x8x8x129xf32, #tpu.memory_space<vmem>>
        %scatter3A_1041 = tpu.memref_squeeze %scatter3A_1040 : memref<1x8x8x129xf32, #tpu.memory_space<vmem>> -> memref<8x8x129xf32, #tpu.memory_space<vmem>>
        tpu.vector_store_idx %scatter3A_1041[%select_n3A_260, %select_n3A_346, %broadcast_in_dim3A_860], %add3A_1036 : memref<8x8x129xf32, #tpu.memory_space<vmem>>[vector<16xi32>, vector<16xi32>, vector<16xi32>], vector<16xf32>,
      }
      %scan3A_830 = arith.constant 128 : i32
      %dma_start3A_831 = arith.constant 0 : i32
      %dma_start3A_832 = arith.constant 0 : i32
      %dma_start3A_833 = arith.constant 0 : i32
      %dma_start3A_834 = tpu.memref_slice %arg11[%scan3A_479, %dma_start3A_831, %dma_start3A_832, %dma_start3A_833] : memref<2x8x8x129xf32, #tpu.memory_space<vmem>> -> memref<1x8x8x129xf32, #tpu.memory_space<vmem>>
      %dma_start3A_835 = tpu.memref_squeeze %dma_start3A_834 : memref<1x8x8x129xf32, #tpu.memory_space<vmem>> -> memref<8x8x129xf32, #tpu.memory_space<vmem>>
      %dma_start3A_836 = arith.constant 0 : i32
      %dma_start3A_837 = arith.constant 0 : i32
      %dma_start3A_838 = arith.constant 0 : i32
      %dma_start3A_839 = tpu.memref_slice %dma_start3A_835[%dma_start3A_836, %dma_start3A_837, %dma_start3A_838] : memref<8x8x129xf32, #tpu.memory_space<vmem>> -> memref<8x8x128xf32, #tpu.memory_space<vmem>>
      %dma_start3A_840 = arith.constant 0 : i32
      %dma_start3A_841 = arith.constant 0 : i32
      %dma_start3A_842 = arith.constant 0 : i32
      %dma_start3A_843 = tpu.memref_slice %arg6[%add3A_703, %dma_start3A_840, %add3A, %dma_start3A_841, %dma_start3A_842] : memref<50x8x32x8x128xf32, #tpu.memory_space<hbm>> -> memref<1x8x1x8x128xf32, #tpu.memory_space<hbm>>
      %dma_start3A_844 = tpu.memref_squeeze %dma_start3A_843 : memref<1x8x1x8x128xf32, #tpu.memory_space<hbm>> -> memref<8x8x128xf32, #tpu.memory_space<hbm>>
      %dma_start3A_845 = arith.constant 0 : i32
      %dma_start3A_846 = arith.constant 0 : i32
      %dma_start3A_847 = arith.constant 0 : i32
      %dma_start3A_848 = tpu.memref_slice %arg6[%add3A_703, %dma_start3A_845, %add3A, %dma_start3A_846, %dma_start3A_847] : memref<50x8x32x8x128xf32, #tpu.memory_space<hbm>> -> memref<1x8x1x8x128xf32, #tpu.memory_space<hbm>>
      %dma_start3A_849 = tpu.memref_squeeze %dma_start3A_848 : memref<1x8x1x8x128xf32, #tpu.memory_space<hbm>> -> memref<8x8x128xf32, #tpu.memory_space<hbm>>
      %dma_start3A_850 = arith.constant 0 : i32
      %dma_start3A_851 = arith.constant 0 : i32
      %dma_start3A_852 = arith.constant 0 : i32
      %dma_start3A_853 = tpu.memref_slice %arg11[%scan3A_479, %dma_start3A_850, %dma_start3A_851, %dma_start3A_852] : memref<2x8x8x129xf32, #tpu.memory_space<vmem>> -> memref<1x8x8x129xf32, #tpu.memory_space<vmem>>
      %dma_start3A_854 = tpu.memref_squeeze %dma_start3A_853 : memref<1x8x8x129xf32, #tpu.memory_space<vmem>> -> memref<8x8x129xf32, #tpu.memory_space<vmem>>
      %dma_start3A_855 = arith.constant 0 : i32
      %dma_start3A_856 = arith.constant 0 : i32
      %dma_start3A_857 = arith.constant 0 : i32
      %dma_start3A_858 = tpu.memref_slice %dma_start3A_854[%dma_start3A_855, %dma_start3A_856, %dma_start3A_857] : memref<8x8x129xf32, #tpu.memory_space<vmem>> -> memref<8x8x128xf32, #tpu.memory_space<vmem>>
      tpu.enqueue_dma source(%dma_start3A_858 : memref<8x8x128xf32, #tpu.memory_space<vmem>>) target(%dma_start3A_849 : memref<8x8x128xf32, #tpu.memory_space<hbm>>) target_semaphore(%arg16 : memref<!tpu.dma_semaphore, #tpu.memory_space<semaphore_mem>>)
    }
    %scan3A_484 = arith.constant 25 : i32
    %dma_wait3A = arith.constant 0 : i32
    %dma_wait3A_485 = arith.constant 48 : i32
    %dma_wait3A_486 = arith.constant 0 : i32
    %dma_wait3A_487 = arith.constant 0 : i32
    %dma_wait3A_488 = arith.constant 0 : i32
    %dma_wait3A_489 = tpu.memref_slice %arg11[%dma_wait3A, %dma_wait3A_486, %dma_wait3A_487, %dma_wait3A_488] : memref<2x8x8x129xf32, #tpu.memory_space<vmem>> -> memref<1x8x8x129xf32, #tpu.memory_space<vmem>>
    %dma_wait3A_490 = tpu.memref_squeeze %dma_wait3A_489 : memref<1x8x8x129xf32, #tpu.memory_space<vmem>> -> memref<8x8x129xf32, #tpu.memory_space<vmem>>
    %dma_wait3A_491 = arith.constant 0 : i32
    %dma_wait3A_492 = arith.constant 0 : i32
    %dma_wait3A_493 = arith.constant 0 : i32
    %dma_wait3A_494 = tpu.memref_slice %dma_wait3A_490[%dma_wait3A_491, %dma_wait3A_492, %dma_wait3A_493] : memref<8x8x129xf32, #tpu.memory_space<vmem>> -> memref<8x8x128xf32, #tpu.memory_space<vmem>>
    %dma_wait3A_495 = arith.constant 0 : i32
    %dma_wait3A_496 = arith.constant 0 : i32
    %dma_wait3A_497 = arith.constant 0 : i32
    %dma_wait3A_498 = tpu.memref_slice %arg6[%dma_wait3A_485, %dma_wait3A_495, %add3A, %dma_wait3A_496, %dma_wait3A_497] : memref<50x8x32x8x128xf32, #tpu.memory_space<hbm>> -> memref<1x8x1x8x128xf32, #tpu.memory_space<hbm>>
    %dma_wait3A_499 = tpu.memref_squeeze %dma_wait3A_498 : memref<1x8x1x8x128xf32, #tpu.memory_space<hbm>> -> memref<8x8x128xf32, #tpu.memory_space<hbm>>
    %dma_wait3A_500 = arith.constant 0 : i32
    %dma_wait3A_501 = arith.constant 0 : i32
    %dma_wait3A_502 = arith.constant 0 : i32
    %dma_wait3A_503 = tpu.memref_slice %arg6[%dma_wait3A_485, %dma_wait3A_500, %add3A, %dma_wait3A_501, %dma_wait3A_502] : memref<50x8x32x8x128xf32, #tpu.memory_space<hbm>> -> memref<1x8x1x8x128xf32, #tpu.memory_space<hbm>>
    %dma_wait3A_504 = tpu.memref_squeeze %dma_wait3A_503 : memref<1x8x1x8x128xf32, #tpu.memory_space<hbm>> -> memref<8x8x128xf32, #tpu.memory_space<hbm>>
    %dma_wait3A_505 = arith.constant 0 : i32
    %dma_wait3A_506 = arith.constant 0 : i32
    %dma_wait3A_507 = arith.constant 0 : i32
    %dma_wait3A_508 = tpu.memref_slice %arg11[%dma_wait3A, %dma_wait3A_505, %dma_wait3A_506, %dma_wait3A_507] : memref<2x8x8x129xf32, #tpu.memory_space<vmem>> -> memref<1x8x8x129xf32, #tpu.memory_space<vmem>>
    %dma_wait3A_509 = tpu.memref_squeeze %dma_wait3A_508 : memref<1x8x8x129xf32, #tpu.memory_space<vmem>> -> memref<8x8x129xf32, #tpu.memory_space<vmem>>
    %dma_wait3A_510 = arith.constant 0 : i32
    %dma_wait3A_511 = arith.constant 0 : i32
    %dma_wait3A_512 = arith.constant 0 : i32
    %dma_wait3A_513 = tpu.memref_slice %dma_wait3A_509[%dma_wait3A_510, %dma_wait3A_511, %dma_wait3A_512] : memref<8x8x129xf32, #tpu.memory_space<vmem>> -> memref<8x8x128xf32, #tpu.memory_space<vmem>>
    tpu.wait_dma2 semaphore(%arg15 : memref<!tpu.dma_semaphore, #tpu.memory_space<semaphore_mem>>) src(%dma_wait3A_513 : memref<8x8x128xf32, #tpu.memory_space<vmem>>) dst(%dma_wait3A_504 : memref<8x8x128xf32, #tpu.memory_space<hbm>>)
    %dma_wait3A_514 = arith.constant 1 : i32
    %dma_wait3A_515 = arith.constant 49 : i32
    %dma_wait3A_516 = arith.constant 0 : i32
    %dma_wait3A_517 = arith.constant 0 : i32
    %dma_wait3A_518 = arith.constant 0 : i32
    %dma_wait3A_519 = tpu.memref_slice %arg11[%dma_wait3A_514, %dma_wait3A_516, %dma_wait3A_517, %dma_wait3A_518] : memref<2x8x8x129xf32, #tpu.memory_space<vmem>> -> memref<1x8x8x129xf32, #tpu.memory_space<vmem>>
    %dma_wait3A_520 = tpu.memref_squeeze %dma_wait3A_519 : memref<1x8x8x129xf32, #tpu.memory_space<vmem>> -> memref<8x8x129xf32, #tpu.memory_space<vmem>>
    %dma_wait3A_521 = arith.constant 0 : i32
    %dma_wait3A_522 = arith.constant 0 : i32
    %dma_wait3A_523 = arith.constant 0 : i32
    %dma_wait3A_524 = tpu.memref_slice %dma_wait3A_520[%dma_wait3A_521, %dma_wait3A_522, %dma_wait3A_523] : memref<8x8x129xf32, #tpu.memory_space<vmem>> -> memref<8x8x128xf32, #tpu.memory_space<vmem>>
    %dma_wait3A_525 = arith.constant 0 : i32
    %dma_wait3A_526 = arith.constant 0 : i32
    %dma_wait3A_527 = arith.constant 0 : i32
    %dma_wait3A_528 = tpu.memref_slice %arg6[%dma_wait3A_515, %dma_wait3A_525, %add3A, %dma_wait3A_526, %dma_wait3A_527] : memref<50x8x32x8x128xf32, #tpu.memory_space<hbm>> -> memref<1x8x1x8x128xf32, #tpu.memory_space<hbm>>
    %dma_wait3A_529 = tpu.memref_squeeze %dma_wait3A_528 : memref<1x8x1x8x128xf32, #tpu.memory_space<hbm>> -> memref<8x8x128xf32, #tpu.memory_space<hbm>>
    %dma_wait3A_530 = arith.constant 0 : i32
    %dma_wait3A_531 = arith.constant 0 : i32
    %dma_wait3A_532 = arith.constant 0 : i32
    %dma_wait3A_533 = tpu.memref_slice %arg6[%dma_wait3A_515, %dma_wait3A_530, %add3A, %dma_wait3A_531, %dma_wait3A_532] : memref<50x8x32x8x128xf32, #tpu.memory_space<hbm>> -> memref<1x8x1x8x128xf32, #tpu.memory_space<hbm>>
    %dma_wait3A_534 = tpu.memref_squeeze %dma_wait3A_533 : memref<1x8x1x8x128xf32, #tpu.memory_space<hbm>> -> memref<8x8x128xf32, #tpu.memory_space<hbm>>
    %dma_wait3A_535 = arith.constant 0 : i32
    %dma_wait3A_536 = arith.constant 0 : i32
    %dma_wait3A_537 = arith.constant 0 : i32
    %dma_wait3A_538 = tpu.memref_slice %arg11[%dma_wait3A_514, %dma_wait3A_535, %dma_wait3A_536, %dma_wait3A_537] : memref<2x8x8x129xf32, #tpu.memory_space<vmem>> -> memref<1x8x8x129xf32, #tpu.memory_space<vmem>>
    %dma_wait3A_539 = tpu.memref_squeeze %dma_wait3A_538 : memref<1x8x8x129xf32, #tpu.memory_space<vmem>> -> memref<8x8x129xf32, #tpu.memory_space<vmem>>
    %dma_wait3A_540 = arith.constant 0 : i32
    %dma_wait3A_541 = arith.constant 0 : i32
    %dma_wait3A_542 = arith.constant 0 : i32
    %dma_wait3A_543 = tpu.memref_slice %dma_wait3A_539[%dma_wait3A_540, %dma_wait3A_541, %dma_wait3A_542] : memref<8x8x129xf32, #tpu.memory_space<vmem>> -> memref<8x8x128xf32, #tpu.memory_space<vmem>>
    tpu.wait_dma2 semaphore(%arg16 : memref<!tpu.dma_semaphore, #tpu.memory_space<semaphore_mem>>) src(%dma_wait3A_543 : memref<8x8x128xf32, #tpu.memory_space<vmem>>) dst(%dma_wait3A_534 : memref<8x8x128xf32, #tpu.memory_space<hbm>>)
    return
  }
}

</mosaic_0001>

<sc_bundles>
// kernel: kernel.3.cloned.1.call-start
scs
__scs_entry_jumppad:
0x0: {  	(pc) =	sbr.rel $0x88, $3  }
0x1: {  	(tag) =	ssettag $0x0;
	lr =	simm.s32 $0x1  }
0x2: {  	[smem:$0x3F9D] =	sst lr;
	_ =	strace $0xD0000000  }
0x3: {  	_ = 	snop  }
0x4: {  	_ = 	snop  }
0x5: {  	_ = 	snop  }
0x6: {  	_ = 	snop  }
0x7: {  	_ = 	snop  }
__scs_overlays_trampoline_lowered:
0x8: {  	[smem:$0x3FAC] =	sst s0  }
0x9: {  	[smem:$0x3FAD] =	sst s1  }
0xa: {  	[smem:$0x3FAE] =	sst s2  }
0xb: {  	[smem:$0x3FAF] =	sst s3  }
0xc: {  	[smem:$0x3FB0] =	sst s4  }
0xd: {  	[smem:$0x3FB1] =	sst s5  }
0xe: {  	[smem:$0x3FB2] =	sst s6  }
0xf: {  	[smem:$0x3FB3] =	sst s7  }
0x10: {  	[smem:$0x3FB4] =	sst s8  }
0x11: {  	[smem:$0x3FB5] =	sst s9;
	s0 =	simm.s32 @!p0 $0x0  }
0x12: {  	s1 =	sld [smem:$0x3F9B];
	s0 =	simm.s32 @p0 $0x1  }
0x13: {  	[smem:$0x3FB6] =	sst s0;
	s0 =	simm.s32 @!p1 $0x0  }
0x14: {  	s2 =	sld [smem:$0x3F9A];
	s0 =	simm.s32 @p1 $0x1  }
0x15: {  	[smem:$0x3FB7] =	sst s0;
	s0 =	simm.s32 @!p2 $0x0  }
0x16: {  	s3 =	sld [smem:$0x3FDB];
	s0 =	simm.s32 @p2 $0x1  }
0x17: {  	s4 =	simm.s32 $0x1BF5;
	[smem:$0x3FB9] =	sst s0  }
0x18: {  	s0 =	sld [smem:$0x3F9C];
	_ =	swait.ge [sflag:s4], $0x0  }
0x19: {  	s7 =	sld [smem:$0x3F9D]  }
0x1a: {  	s8 =	sadd.s32 $0xFFFFE003, lr  }
0x1b: {  	s9 =	sadd.s32 $0xFFFFFEF7, lr;
	s5 =	simm.s32 $0xFFFFFFFF;
	p2 =	slt.u32 s8, $0xFFFFF086  }
0x1c: {  	p1 =	slt.u32 s9, $0xF7A;
	s5 =	simm.s32 @!p2 $0x0  }
0x1d: {  	s5 =	simm.s32 @p1 $0x1;
	p0 =	seq.s32 s7, s2  }
0x1e: {  	s7 =	smul.u32 @!p0 $0xF7A, s2;
	p2 =	seq.s32 @!p0 s5, $0x0  }
0x1f: {  	s9 =	smul.u32 $0xF7A, s1;
	s8 =	simm.s32 @!p0 $0x1BF5;
	p2 =	por !p2, p0  }
0x20: {  	[sflag:s8] =	ssyncset.s32 @!p0 $0xFFFFF086;
	s6 =	sadd.s32 @!p0 s3, s7;
	s7 =	simm.s32 @!p0 $0x108  }
0x21: {  	s3 =	sadd.s32 s3, s9;
	s6 =	sadd.s32 @!p0 $0x88, s6;
	s7 =	simm.s32 @p2 $0x1082  }
0x22: {  	[simem:s7], [sflag:s8] =	dma.local @!p0 [hbm:s6], $0xF7A  }
0x23: {  	s9 =	sor.u32 $0xD0000000, s2;
	s6 =	simm.s32 $0x108;
	_ =	swait.ge @!p0 [sflag:s8], $0x0  }
0x24: {  	s3 =	sadd.s32 $0x88, s3;
	s6 =	simm.s32 @!p1 $0x1082;
	[sflag:s4] =	ssyncset.s32 $0xFFFFF086  }
0x25: {  	[simem:s6], [sflag:s4] =	dma.local [hbm:s3], $0xF7A  }
0x26: {  	[smem:$0x3F9D] =	sst s1;
	(tag) =	ssettag s2;
	_ =	strace s9  }
0x27: {  	s1 =	sld [smem:$0x3FAD]  }
0x28: {  	s2 =	sld [smem:$0x3FAE]  }
0x29: {  	s4 =	sld [smem:$0x3FB0]  }
0x2a: {  	p0 =	seq.s32 s5, $0x0;
	s5 =	sld [smem:$0x3FB1]  }
0x2b: {  	s6 =	sld [smem:$0x3FB2]  }
0x2c: {  	s7 =	sld [smem:$0x3FB3]  }
0x2d: {  	s3 =	simm.s32 $0x108;
	s8 =	sld [smem:$0x3FB4]  }
0x2e: {  	s3 =	simm.s32 @!p0 $0x1082;
	s9 =	sld [smem:$0x3FB5]  }
0x2f: {  	lr =	sadd.s32 s0, s3;
	s0 =	sld [smem:$0x3FAC]  }
0x30: {  	s3 =	sld [smem:$0x3FAF]  }
0x31: {  	[smem:$0x3FB8] =	sst s10  }
0x32: {  	s10 =	sld [smem:$0x3FB6];
	_ =	sdelay $0x3  }
0x33: {  	p0 =	seq.s32 s10, $0x1;
	s10 =	sld [smem:$0x3FB8];
	_ =	sdelay $0x3  }
0x34: {  	[smem:$0x3FB8] =	sst s10  }
0x35: {  	s10 =	sld [smem:$0x3FB7];
	_ =	sdelay $0x3  }
0x36: {  	p1 =	seq.s32 s10, $0x1;
	s10 =	sld [smem:$0x3FB8];
	_ =	sdelay $0x3  }
0x37: {  	[smem:$0x3FB8] =	sst s10  }
0x38: {  	s10 =	sld [smem:$0x3FB9]  }
0x39: {  	_ = 	snop;
	(pc) =	sbr.ind lr, $3  }
0x3a: {  	_ = 	snop  }
0x3b: {  	_ = 	snop  }
0x3c: {  	p2 =	seq.s32 s10, $0x1;
	s10 =	sld [smem:$0x3FB8]  }
0x3d: {  	_ =	shalt  }
0x3e: {  	_ =	shalt  }
0x3f: {  	_ =	shalt  }
0x40: {  	_ =	shalt  }
0x41: {  	_ =	shalt  }
0x42: {  	_ =	shalt  }
0x43: {  	_ =	shalt  }
0x44: {  	_ =	shalt  }
0x45: {  	_ =	shalt  }
0x46: {  	_ =	shalt  }
0x47: {  	_ =	shalt  }
0x48: {  	_ =	shalt  }
0x49: {  	_ =	shalt  }
0x4a: {  	_ =	shalt  }
0x4b: {  	_ =	shalt  }
0x4c: {  	_ =	shalt  }
0x4d: {  	_ =	shalt  }
0x4e: {  	_ =	shalt  }
0x4f: {  	_ =	shalt  }
0x50: {  	_ =	shalt  }
0x51: {  	_ =	shalt  }
0x52: {  	_ =	shalt  }
0x53: {  	_ =	shalt  }
0x54: {  	_ =	shalt  }
0x55: {  	_ =	shalt  }
0x56: {  	_ =	shalt  }
0x57: {  	_ =	shalt  }
0x58: {  	_ =	shalt  }
0x59: {  	_ =	shalt  }
0x5a: {  	_ =	shalt  }
0x5b: {  	_ =	shalt  }
0x5c: {  	_ =	shalt  }
0x5d: {  	_ =	shalt  }
0x5e: {  	_ =	shalt  }
0x5f: {  	_ =	shalt  }
0x60: {  	_ =	shalt  }
0x61: {  	_ =	shalt  }
0x62: {  	_ =	shalt  }
0x63: {  	_ =	shalt  }
0x64: {  	_ =	shalt  }
0x65: {  	_ =	shalt  }
0x66: {  	_ =	shalt  }
0x67: {  	_ =	shalt  }
0x68: {  	_ =	shalt  }
0x69: {  	_ =	shalt  }
0x6a: {  	_ =	shalt  }
0x6b: {  	_ =	shalt  }
0x6c: {  	_ =	shalt  }
0x6d: {  	_ =	shalt  }
0x6e: {  	_ =	shalt  }
0x6f: {  	_ =	shalt  }
0x70: {  	_ =	shalt  }
0x71: {  	_ =	shalt  }
0x72: {  	_ =	shalt  }
0x73: {  	_ =	shalt  }
0x74: {  	_ =	shalt  }
0x75: {  	_ =	shalt  }
0x76: {  	_ =	shalt  }
0x77: {  	_ =	shalt  }
0x78: {  	_ =	shalt  }
0x79: {  	_ =	shalt  }
0x7a: {  	_ =	shalt  }
0x7b: {  	_ =	shalt  }
0x7c: {  	_ =	shalt  }
0x7d: {  	_ =	shalt  }
0x7e: {  	_ =	shalt  }
0x7f: {  	_ =	shalt  }
0x80: {  	_ =	shalt  }
0x81: {  	_ =	shalt  }
0x82: {  	_ =	shalt  }
0x83: {  	_ =	shalt  }
0x84: {  	_ =	shalt  }
0x85: {  	_ =	shalt  }
0x86: {  	_ =	shalt  }
0x87: {  	_ =	shalt  }
.Lfunc_end0:
.L_simem_size_0:
called_computation_lowered:
.L_overlay_start_0:
0x88: {  	s2 =	sld [smem:$0x3FD9]  }
0x89: {  	s3 =	sld [smem:$0x3FFE];
	_ =	sdelay $0x1  }
0x8a: {  	s1 =	srdreg.scid  }
0x8b: {  	s0 =	sand.u32 $0x1, s1  }
0x8c: {  	s17 =	sshll.u32 s0, $0xA;
	s2 =	sadd.s32 s3, s2  }
0x8d: {  	s2 =	sadd.s32 s2, s17  }
0x8e: {  	[smem:$0x3FC4] =	sst s2  }
0x8f: {  	_ = 	snop  }
0x90: {  	s2 =	sld [smem:$0x3FD0];
	(tm) =	ssettm $0x1  }
0x91: {  	s18 =	sld [smem:$0x3FFB];
	_ =	sdelay $0x3  }
0x92: {  	_ =	strace s18  }
0x93: {  	s3 =	sld [smem:$0x3FFC];
	_ =	sdelay $0x3  }
0x94: {  	_ =	strace s3  }
0x95: {  	s3 =	sld [smem:$0x3FFD];
	_ =	sdelay $0x3  }
0x96: {  	_ =	strace s3  }
0x97: {  	_ =	strace $0x8FFFFFFF  }
0x98: {  	s19 =	sld [smem:$0x3FDB];
	_ =	sdelay $0x1  }
0x99: {  	s4 =	simm.s32 $_scs_section_size  }
0x9a: {  	s5 =	simm.s32 $_size__tile_overlayer_lowered;
	s6 =	simm.s32 $_tile_overlayer_lowered  }
0x9b: {  	s22 =	simm.s32 $0x1BFF;
	s21 =	sshll.u32 s6, $0x1;
	s3 =	sadd.s32 s4, s19  }
0x9c: {  	s7 =	simm.s32 $0x0;
	s20 =	sshll.u32 s5, $0x1;
	s5 =	sadd.s32 s21, s3  }
0x9d: {  	[timem:s7], [sflag:s22] =	dma.local [hbm:s5], s20  }
0x9e: {  	_ =	swait.ge [sflag:s22], s20  }
0x9f: {  	s4 =	ssub.s32 $0x0, s20;
	[sflag:s22] =	ssyncset.done $0x0  }
0xa0: {  	[sflag:s22] =	ssyncadd.s32 s4;
	_ =	sdelay $0x1  }
0xa1: {  	s23 =	simm.s32 $0x1B8B  }
0xa2: {  	_ =	swait.ge [sflag:s23], $0x1  }
0xa3: {  	[sflag:s23] =	ssyncset.done $0x0  }
0xa4: {  	s25 =	simm.s32 $0x1B8E;
	s24 =	sld [smem:$0x3FFE];
	[sflag:s23] =	ssyncadd.s32 $0xFFFFFFFF  }
0xa5: {  	s26 =	simm.s32 $execute0_lowered;
	[smem:$0x3FD2] =	sst s25  }
0xa6: {  	s5 =	sshll.u32 s26, $0x1;
	_ =	strace $0x80000046;
	[dreg:$0x1] =	wrdreg $0xFFFFFFFF  }
0xa7: {  	s28 =	simm.s32 $_size_execute0_lowered;
	s3 =	sadd.s32 s3, s5;
	[dreg:$0x0] =	wrdreg $0x0  }
0xa8: {  	s5 =	sshll.u32 s28, $0x1;
	[dreg:$0x2] =	wrdreg s3  }
0xa9: {  	[dreg:$0x3] =	wrdreg s5  }
0xaa: {  	[dreg:$0x4] =	wrdreg $0xC0  }
0xab: {  	_ =	task [dreg:s7], $0x5FFFF  }
0xac: {  	[dreg:$0x1] =	wrdreg $0xFFFFFFFF  }
0xad: {  	[dreg:$0x0] =	wrdreg $0x60  }
0xae: {  	[dreg:$0x2] =	wrdreg s24  }
0xaf: {  	[dreg:$0x3] =	wrdreg s2  }
0xb0: {  	[dreg:$0x4] =	wrdreg $0x9  }
0xb1: {  	_ =	task.clear_ibuf [dreg:s7], $0x5FFFF;
	_ =	strace $0x90000046  }
0xb2: {  	s29 =	simm.s32 $0x9;
	_ =	strace $0x80000048  }
0xb3: {  	_ =	swait.ge [sflag:s29], $0x1  }
0xb4: {  	[sflag:s29] =	ssyncadd.s32 $0xFFFFFFFF  }
0xb5: {  	_ =	strace $0x90000048  }
0xb6: {  	_ =	sfence  }
0xb7: {  	s30 =	sld [smem:$0x0];
	_ =	sdelay $0x2  }
0xb8: {  	s31 =	sshll.u32 s1, $0xD;
	s1 =	sshrl.u32 s1, $0x2  }
0xb9: {  	s3 =	sand.u32 $0x4000, s31;
	s1 =	sadd.s32 s1, s30  }
0xba: {  	s0 =	sor.u32 s3, s0;
	s1 =	sshll.u32 s1, $0x11  }
0xbb: {  	s0 =	sor.u32 s1, s0  }
0xbc: {  	s0 =	sadd.s32 $0x8F2B, s0  }
0xbd: {  	[sflag:s0] =	ssyncadd.remote.s32 $0x1  }
0xbe: {  	_ =	sfence.sel $0xFFFF  }
0xbf: {  	[dreg:$0x0] =	wrdreg $0xFFFFFFFF;
	(pc) =	sbr.abs _section_cstart, $3  }
0xc0: {  	[dreg:$0x1] =	wrdreg $0xFFFFFFFF  }
0xc1: {  	_ =	task.clear_ibuf [dreg:s7], $0x2FFFF;
	_ =	strace $0x9FFFFFFF  }
0xc2: {  	(tm) =	ssettm $0x7FFFFFFF  }
0xc3: {  	_ =	shalt  }
tec
execute0_lowered:
.L_overlay_start_1:
0x0: {  	(tag) =	ssettag $0x1  }
0x1: {  	s0 =	rddreg [dreg:$0x0]  }
0x2: {  	s2 =	rddreg [dreg:$0x1]  }
0x3: {  	s1 =	srdreg.scid;
	s4 =	stileid.u32;
	s3 =	simm.s32 $0x0  }
0x4: {  	s10 =	simm.s32 $0x80;
	s12 =	simm.s32 $0x5;
	s16 =	simm.s32 $0x5900  }
0x5: {  	s17 =	simm.s32 $0x3900;
	s18 =	simm.s32 $0xD980;
	s19 =	simm.s32 $0x9900  }
0x6: {  	s20 =	simm.s32 $0x1;
	s21 =	simm.s32 $0xDA00;
	s22 =	simm.s32 $0x2  }
0x7: {  	s23 =	simm.s32 $0xFC00;
	s24 =	simm.s32 $0x3;
	s25 =	simm.s32 $0x4  }
0x8: {  	s26 =	simm.s32 $0x0;
	s1 =	sand.u32 $0x1, s1;
	s4 =	sshll.u32 s4, $0x1  }
0x9: {  	[smem:$0x7FF] =	sst s3;
	s8 =	sor.u32 s1, s4;
	s1 =	ssub.s32 $0x2, s1  }
0xa: {  	v0 =	vlaneseq.u32;
	s5 =	sadd.s32 $0x16E4000, s0;
	s4 =	sshll.u32 s8, $0x4;
	s31 =	sshrl.u32 s1, $0x1  }
0xb: {  	v0 =	vmul.u32 $0x88, v0;
	s7 =	sadd.s32 s4, s0;
	s4 =	sadd.s32 $0xF42E00, s0;
	s0 =	sadd.s32 $0x6E00, s0  }
0xc: {  	_ =	strace $0x80000047;
	[dreg:$0x3] =	wrdreg s0;
	s0 =	ssub.s32 s1, s31  }
0xd: {  	s8 =	sshll.u32 s8, $0xA;
	v1 =	vadd.s32 $0x880, v0;
	v2 =	vadd.s32 $0x1100, v0;
	v3 =	vadd.s32 $0x1980, v0;
	s7 =	sadd.s32 $0xA00, s7;
	s9 =	smax.u32 s0, $0x1  }
.LBB2_1:
0xe: {  	s0 =	simm.s32 $0x1000  }
0xf: {  	[tilespmem:s3], [sflag:$0x5] =	stream.strided.gather [hbm4b:s7+s10], $0x1900, s0, s10, $0x38;
	[tilespmem:$0x12000] =	vst v63  }
0x10: {  	_ =	swait.ge [sflag:s12], $0x1900  }
0x11: {  	[sflag:s12] =	ssyncset.done $0x0  }
0x12: {  	s1 =	simm.s32 $0x11E00;
	s29 =	rddreg [dreg:$0x3];
	[sflag:s12] =	ssyncadd.s32 $0xFFFFE700  }
0x13: {  	[tilespmem:s1], [sflag:$0x5] =	stream.linear.gather [hbm4b:s29+s3], $0x200, $0x38;
	[tilespmem:$0x12000] =	vst v63  }
0x14: {  	_ =	swait.ge [sflag:s12], $0x200  }
0x15: {  	[sflag:s12] =	ssyncset.done $0x0  }
0x16: {  	[sflag:s12] =	ssyncadd.s32 $0xFFFFFE00  }
0x17: {  	v4 =	vld [tilespmem:$0x11E00]  }
0x18: {  	v5 =	vld [tilespmem:$0x11E10]  }
0x19: {  	v6 =	vld [tilespmem:$0x11E20]  }
0x1a: {  	v7 =	vld [tilespmem:$0x11E30]  }
0x1b: {  	v8 =	vld [tilespmem:$0x11E40]  }
0x1c: {  	v9 =	vld [tilespmem:$0x11E50]  }
0x1d: {  	v10 =	vld [tilespmem:$0x11E60]  }
0x1e: {  	v11 =	vld [tilespmem:$0x11E70]  }
0x1f: {  	v12 =	vld [tilespmem:$0x11E80]  }
0x20: {  	v13 =	vld [tilespmem:$0x11E90]  }
0x21: {  	v14 =	vld [tilespmem:$0x11EA0]  }
0x22: {  	v15 =	vld [tilespmem:$0x11EB0]  }
0x23: {  	v16 =	vld [tilespmem:$0x11EC0]  }
0x24: {  	v17 =	vld [tilespmem:$0x11ED0]  }
0x25: {  	v18 =	vld [tilespmem:$0x11EE0]  }
0x26: {  	v19 =	vld [tilespmem:$0x11EF0]  }
0x27: {  	v20 =	vld [tilespmem:$0x11F00]  }
0x28: {  	v21 =	vld [tilespmem:$0x11F10]  }
0x29: {  	v22 =	vld [tilespmem:$0x11F20]  }
0x2a: {  	v23 =	vld [tilespmem:$0x11F30]  }
0x2b: {  	v24 =	vld [tilespmem:$0x11F40]  }
0x2c: {  	v25 =	vld [tilespmem:$0x11F50]  }
0x2d: {  	v26 =	vld [tilespmem:$0x11F60]  }
0x2e: {  	v27 =	vld [tilespmem:$0x11F70]  }
0x2f: {  	v28 =	vld [tilespmem:$0x11F80]  }
0x30: {  	v30 =	vld [tilespmem:$0x0]  }
0x31: {  	v33 =	vld [tilespmem:$0x30]  }
0x32: {  	v34 =	vld [tilespmem:$0x40]  }
0x33: {  	v35 =	vld [tilespmem:$0x50]  }
0x34: {  	v36 =	vld [tilespmem:$0x60]  }
0x35: {  	v37 =	vld [tilespmem:$0x70];
	v30 =	vshra.s32 v30, $0x4  }
0x36: {  	v31 =	vld [tilespmem:$0x10];
	v59 =	vshra.s32 v33, $0x4;
	[tilespmem:$0xD900] =	vst v30  }
0x37: {  	v32 =	vld [tilespmem:$0x20];
	v60 =	vshra.s32 v34, $0x4;
	[tilespmem:$0xD930] =	vst v59  }
0x38: {  	v29 =	vld [tilespmem:$0x11F90];
	v61 =	vshra.s32 v35, $0x4;
	[tilespmem:$0xD940] =	vst v60  }
0x39: {  	v33 =	vld [tilespmem:$0x11FD0];
	v62 =	vshra.s32 v36, $0x4;
	[tilespmem:$0xD950] =	vst v61  }
0x3a: {  	v34 =	vld [tilespmem:$0x11FE0];
	v63 =	vshra.s32 v37, $0x4;
	[tilespmem:$0xD960] =	vst v62  }
0x3b: {  	v35 =	vld [tilespmem:$0x11FF0];
	v30 =	vshra.s32 v31, $0x4;
	[tilespmem:$0xD970] =	vst v63  }
0x3c: {  	v31 =	vshra.s32 v32, $0x4;
	v32 =	vld [tilespmem:$0x11FC0];
	[tilespmem:$0xD910] =	vst v30  }
0x3d: {  	s30 =	simm.s32 $0x1900;
	v30 =	vld [tilespmem:$0x11FA0];
	[tilespmem:$0xD920] =	vst v31  }
0x3e: {  	v31 =	vld [tilespmem:$0x11FB0];
	[tilespmem:s30], [sflag:$0x1] =	stream.indirect.gather [hbm4b:s4+s10], $0x40, s3, s10, $0xb8  }
0x3f: {  	s31 =	simm.s32 $0xD900;
	s28 =	simm.s32 $0x0  }
0x40: {  	[tilespmem:s16], [sflag:$0x1] =	stream.indirect.gather [hbm4b:s5+s10], $0x80, s31, s10, $0xb8;
	[tilespmem:$0x12000] =	vst v63  }
.LBB2_2:
0x41: {  	s29 =	sshllo.u32 s28, $0x1  }
0x42: {  	s30 =	sshll.u32 s29, $0x7  }
0x43: {  	s31 =	sand.u32 $0x3FFFFF80, s30  }
0x44: {  	v36 =	vld [tilespmem:s31+$0x0];
	_ =	sdelay $0x4  }
0x45: {  	v36 =	vshra.s32 v36, $0x4  }
0x46: {  	[tilespmem:$0xD980] =	vst v36  }
0x47: {  	v36 =	vld [tilespmem:s31+$0x10];
	_ =	sdelay $0x4  }
0x48: {  	v36 =	vshra.s32 v36, $0x4  }
0x49: {  	[tilespmem:$0xD990] =	vst v36  }
0x4a: {  	v36 =	vld [tilespmem:s31+$0x20];
	_ =	sdelay $0x4  }
0x4b: {  	v36 =	vshra.s32 v36, $0x4  }
0x4c: {  	[tilespmem:$0xD9A0] =	vst v36  }
0x4d: {  	v36 =	vld [tilespmem:s31+$0x30];
	_ =	sdelay $0x4  }
0x4e: {  	v36 =	vshra.s32 v36, $0x4  }
0x4f: {  	[tilespmem:$0xD9B0] =	vst v36  }
0x50: {  	v36 =	vld [tilespmem:s31+$0x40];
	_ =	sdelay $0x4  }
0x51: {  	v36 =	vshra.s32 v36, $0x4  }
0x52: {  	[tilespmem:$0xD9C0] =	vst v36  }
0x53: {  	v36 =	vld [tilespmem:s31+$0x50];
	_ =	sdelay $0x4  }
0x54: {  	v36 =	vshra.s32 v36, $0x4  }
0x55: {  	[tilespmem:$0xD9D0] =	vst v36  }
0x56: {  	v36 =	vld [tilespmem:s31+$0x60];
	_ =	sdelay $0x4  }
0x57: {  	v36 =	vshra.s32 v36, $0x4  }
0x58: {  	[tilespmem:$0xD9E0] =	vst v36  }
0x59: {  	v36 =	vld [tilespmem:s31+$0x70];
	_ =	sdelay $0x4  }
0x5a: {  	v36 =	vshra.s32 v36, $0x4  }
0x5b: {  	s0 =	sshll.u32 s28, $0xA;
	[tilespmem:$0xD9F0] =	vst v36  }
0x5c: {  	[tilespmem:s17], [sflag:$0x2] =	stream.indirect.gather [hbm4b:s4+s10], $0x40, s31, s10, $0xb8;
	[tilespmem:$0x12000] =	vst v63  }
0x5d: {  	s0 =	sshra.s32 s0, $0x2  }
0x5e: {  	[tilespmem:s19], [sflag:$0x2] =	stream.indirect.gather [hbm4b:s5+s10], $0x80, s18, s10, $0xb8;
	[tilespmem:$0x12000] =	vst v63  }
0x5f: {  	v36 =	vld [tilespmem:s0+$0x0];
	_ =	sdelay $0x4  }
0x60: {  	v36 =	vshra.s32 v36, $0x4  }
0x61: {  	[tilespmem:$0xD900] =	vst v36  }
0x62: {  	v36 =	vld [tilespmem:s0+$0x10];
	_ =	sdelay $0x4  }
0x63: {  	v36 =	vshra.s32 v36, $0x4  }
0x64: {  	[tilespmem:$0xD910] =	vst v36  }
0x65: {  	v36 =	vld [tilespmem:s0+$0x20];
	_ =	sdelay $0x4  }
0x66: {  	v36 =	vshra.s32 v36, $0x4  }
0x67: {  	[tilespmem:$0xD920] =	vst v36  }
0x68: {  	v36 =	vld [tilespmem:s0+$0x30];
	_ =	sdelay $0x4  }
0x69: {  	v36 =	vshra.s32 v36, $0x4  }
0x6a: {  	[tilespmem:$0xD930] =	vst v36  }
0x6b: {  	v36 =	vld [tilespmem:s0+$0x40];
	_ =	sdelay $0x4  }
0x6c: {  	v36 =	vshra.s32 v36, $0x4  }
0x6d: {  	[tilespmem:$0xD940] =	vst v36  }
0x6e: {  	v36 =	vld [tilespmem:s0+$0x50];
	_ =	sdelay $0x4  }
0x6f: {  	v36 =	vshra.s32 v36, $0x4  }
0x70: {  	[tilespmem:$0xD950] =	vst v36  }
0x71: {  	v36 =	vld [tilespmem:s0+$0x60];
	_ =	sdelay $0x4  }
0x72: {  	v36 =	vshra.s32 v36, $0x4  }
0x73: {  	[tilespmem:$0xD960] =	vst v36  }
0x74: {  	v36 =	vld [tilespmem:s0+$0x70];
	_ =	sdelay $0x4  }
0x75: {  	v36 =	vshra.s32 v36, $0x4  }
0x76: {  	[tilespmem:$0xD970] =	vst v36  }
0x77: {  	_ =	swait.ge [sflag:s20], $0x2000  }
0x78: {  	s1 =	sshll.u32 s28, $0x1;
	s11 =	simm.s32 $0x0;
	[sflag:s20] =	ssyncset.done $0x0  }
0x79: {  	s1 =	sshll.u32 s1, $0x7;
	v37 =	vmov s11;
	[sflag:s20] =	ssyncadd.s32 $0xFFFFE000  }
0x7a: {  	v38 =	vand.u32 $0x7F, v37;
	v36 =	vmov s1;
	_ =	swait.ge [sflag:s20], $0x4000  }
0x7b: {  	p0 =	seq.s32 s28, $0x0;
	v39 =	vor.u32 v36, v38;
	[sflag:s20] =	ssyncset.done $0x0  }
0x7c: {  	s1 =	simm.s32 @!p0 $0x3;
	[sflag:s20] =	ssyncadd.s32 $0xFFFFC000  }
0x7d: {  	_ =	swait.ge @!p0 [sflag:s1], $0x2000  }
0x7e: {  	[sflag:s1] =	ssyncset.done @!p0 $0x0  }
0x7f: {  	[sflag:s1] =	ssyncadd.s32 @!p0 $0xFFFFE000  }
0x80: {  	v39 =	vld.idx.msk [tilespmem:v39+s3+$0x0], $0xffff;
	_ =	sdelay $0x4  }
0x81: {  	v39 =	vshll.u32 v39, $0x3  }
0x82: {  	v37 =	vshll.u32 v37, $0x7;
	v39 =	vand.u32 $0x78, v39  }
0x83: {  	v37 =	vor.u32 v37, v39;
	_ =	sdelay $0x1  }
0x84: {  	v39 =	vor.u32 $0x1, v37;
	_ =	sdelay $0x1  }
0x85: {  	v40 =	vor.u32 $0x2, v37  }
0x86: {  	s1 =	simm.s32 $0x1920;
	v41 =	vld.idx.msk [tilespmem:v37+s16+$0x0], $0xffff  }
0x87: {  	v43 =	vld [tilespmem:s1+$0xFFFFFFE0];
	v42 =	vor.u32 $0x3, v37  }
0x88: {  	v39 =	vld.idx.msk [tilespmem:v39+s16+$0x0], $0xffff  }
0x89: {  	v44 =	vor.u32 $0x4, v37  }
0x8a: {  	v40 =	vld.idx.msk [tilespmem:v40+s16+$0x0], $0xffff  }
0x8b: {  	v45 =	vor.u32 $0x5, v37;
	v46 =	vmul.f32 v41, v4  }
0x8c: {  	v42 =	vld.idx.msk [tilespmem:v42+s16+$0x0], $0xffff  }
0x8d: {  	v47 =	vor.u32 $0x6, v37;
	v48 =	vmul.f32 v39, v8;
	v43 =	vadd.f32 v43, v46  }
0x8e: {  	v44 =	vld.idx.msk [tilespmem:v44+s16+$0x0], $0xffff  }
0x8f: {  	v37 =	vor.u32 $0x7, v37;
	v49 =	vmul.f32 v40, v12;
	v43 =	vadd.f32 v43, v48  }
0x90: {  	v45 =	vld.idx.msk [tilespmem:v45+s16+$0x0], $0xffff  }
0x91: {  	v50 =	vmul.f32 v42, v16;
	v43 =	vadd.f32 v43, v49  }
0x92: {  	v47 =	vld.idx.msk [tilespmem:v47+s16+$0x0], $0xffff  }
0x93: {  	v51 =	vmul.f32 v44, v20;
	v43 =	vadd.f32 v43, v50  }
0x94: {  	v37 =	vld.idx.msk [tilespmem:v37+s16+$0x0], $0xffff  }
0x95: {  	v52 =	vmul.f32 v45, v24;
	v43 =	vadd.f32 v43, v51;
	_ =	sdelay $0x1  }
0x96: {  	v53 =	vmul.f32 v47, v28;
	v43 =	vadd.f32 v43, v52  }
0x97: {  	v48 =	vadd.s32 v0, v38  }
0x98: {  	v54 =	vmul.f32 v37, v32;
	v43 =	vadd.f32 v43, v53;
	_ =	sdelay $0x1  }
0x99: {  	v43 =	vadd.f32 v43, v54;
	_ =	sdelay $0x1  }
0x9a: {  	[tilespmem:v48+s21+$0x0] =	vst.idx.msk $0xffff, v43  }
0x9b: {  	v43 =	vld [tilespmem:s1+$0xFFFFFFF0];
	_ =	sdelay $0x2  }
0x9c: {  	v55 =	vmul.f32 v41, v5;
	_ =	sdelay $0x1  }
0x9d: {  	v56 =	vmul.f32 v39, v9;
	v43 =	vadd.f32 v43, v55;
	_ =	sdelay $0x1  }
0x9e: {  	v57 =	vmul.f32 v40, v13;
	v43 =	vadd.f32 v43, v56;
	_ =	sdelay $0x1  }
0x9f: {  	v58 =	vmul.f32 v42, v17;
	v43 =	vadd.f32 v43, v57;
	_ =	sdelay $0x1  }
0xa0: {  	v59 =	vmul.f32 v44, v21;
	v43 =	vadd.f32 v43, v58;
	_ =	sdelay $0x1  }
0xa1: {  	v60 =	vmul.f32 v45, v25;
	v43 =	vadd.f32 v43, v59;
	_ =	sdelay $0x1  }
0xa2: {  	v61 =	vmul.f32 v47, v29;
	v43 =	vadd.f32 v43, v60  }
0xa3: {  	v62 =	vadd.s32 v1, v38  }
0xa4: {  	v63 =	vmul.f32 v37, v33;
	v43 =	vadd.f32 v43, v61;
	_ =	sdelay $0x1  }
0xa5: {  	v43 =	vadd.f32 v43, v63;
	_ =	sdelay $0x1  }
0xa6: {  	[tilespmem:v62+s21+$0x0] =	vst.idx.msk $0xffff, v43  }
0xa7: {  	v43 =	vld [tilespmem:s1+$0x0];
	_ =	sdelay $0x2  }
0xa8: {  	v49 =	vmul.f32 v41, v6;
	_ =	sdelay $0x1  }
0xa9: {  	v50 =	vmul.f32 v39, v10;
	v43 =	vadd.f32 v43, v49;
	_ =	sdelay $0x1  }
0xaa: {  	v51 =	vmul.f32 v40, v14;
	v43 =	vadd.f32 v43, v50;
	_ =	sdelay $0x1  }
0xab: {  	v52 =	vmul.f32 v42, v18;
	v43 =	vadd.f32 v43, v51;
	_ =	sdelay $0x1  }
0xac: {  	v53 =	vmul.f32 v44, v22;
	v43 =	vadd.f32 v43, v52;
	_ =	sdelay $0x1  }
0xad: {  	v54 =	vmul.f32 v45, v26;
	v43 =	vadd.f32 v43, v53;
	_ =	sdelay $0x1  }
0xae: {  	v55 =	vmul.f32 v47, v30;
	v43 =	vadd.f32 v43, v54  }
0xaf: {  	v56 =	vadd.s32 v2, v38  }
0xb0: {  	v57 =	vmul.f32 v37, v34;
	v43 =	vadd.f32 v43, v55;
	_ =	sdelay $0x1  }
0xb1: {  	v43 =	vadd.f32 v43, v57;
	_ =	sdelay $0x1  }
0xb2: {  	[tilespmem:v56+s21+$0x0] =	vst.idx.msk $0xffff, v43  }
0xb3: {  	v43 =	vld [tilespmem:s1+$0x10];
	_ =	sdelay $0x2  }
0xb4: {  	v41 =	vmul.f32 v41, v7;
	_ =	sdelay $0x1  }
0xb5: {  	v39 =	vmul.f32 v39, v11;
	v41 =	vadd.f32 v43, v41;
	_ =	sdelay $0x1  }
0xb6: {  	v40 =	vmul.f32 v40, v15;
	v39 =	vadd.f32 v41, v39;
	_ =	sdelay $0x1  }
0xb7: {  	v58 =	vmul.f32 v42, v19;
	v39 =	vadd.f32 v39, v40;
	_ =	sdelay $0x1  }
0xb8: {  	v59 =	vmul.f32 v44, v23;
	v39 =	vadd.f32 v39, v58;
	_ =	sdelay $0x1  }
0xb9: {  	v60 =	vmul.f32 v45, v27;
	v39 =	vadd.f32 v39, v59  }
0xba: {  	s15 =	simm.s32 $0x1  }
0xbb: {  	v61 =	vmul.f32 v47, v31;
	v40 =	vadd.f32 v39, v60;
	v39 =	vmov s15  }
0xbc: {  	v63 =	vmul.f32 v37, v35;
	v41 =	vadd.s32 v3, v38;
	v37 =	vand.u32 $0x7F, v39  }
0xbd: {  	v62 =	vadd.f32 v40, v61;
	v40 =	vor.u32 v36, v37;
	_ =	sdelay $0x1  }
0xbe: {  	s11 =	simm.s32 $0x2;
	v38 =	vadd.f32 v62, v63  }
.LBB2_3:
0xbf: {  	p1 =	sne.s32 s11, $0x7F  }
0xc0: {  	s1 =	sadd.s32 $0x40, s1;
	s13 =	smov.u32 s11;
	s11 =	sadd.s32 $0x1, s11;
	[tilespmem:v41+s21+$0x0] =	vst.idx.msk $0xffff, v38  }
0xc1: {  	v38 =	vld.idx.msk [tilespmem:v40+s3+$0x0], $0xffff;
	_ =	sdelay $0x5  }
0xc2: {  	v38 =	vshll.u32 v38, $0x3  }
0xc3: {  	v39 =	vshll.u32 v39, $0x7;
	v38 =	vand.u32 $0x78, v38  }
0xc4: {  	v38 =	vor.u32 v39, v38  }
0xc5: {  	v39 =	vor.u32 $0x1, v38;
	v40 =	vor.u32 $0x2, v38;
	v43 =	vor.u32 $0x3, v38  }
0xc6: {  	v44 =	vor.u32 $0x4, v38;
	v46 =	vor.u32 $0x5, v38;
	v47 =	vor.u32 $0x6, v38  }
0xc7: {  	v48 =	vor.u32 $0x7, v38;
	_ =	sdelay $0x1  }
0xc8: {  	v45 =	vld.idx.msk [tilespmem:v38+s16+$0x0], $0xffff;
	_ =	sdelay $0x1  }
0xc9: {  	v41 =	vld.idx.msk [tilespmem:v39+s16+$0x0], $0xffff  }
0xca: {  	v38 =	vld [tilespmem:s1+$0xFFFFFFE0]  }
0xcb: {  	v42 =	vld.idx.msk [tilespmem:v40+s16+$0x0], $0xffff;
	_ =	sdelay $0x1  }
0xcc: {  	v39 =	vld.idx.msk [tilespmem:v43+s16+$0x0], $0xffff;
	v43 =	vmul.f32 v45, v4;
	_ =	sdelay $0x1  }
0xcd: {  	v40 =	vld.idx.msk [tilespmem:v44+s16+$0x0], $0xffff;
	v38 =	vadd.f32 v38, v43;
	v44 =	vmul.f32 v41, v8;
	_ =	sdelay $0x1  }
0xce: {  	v43 =	vld.idx.msk [tilespmem:v46+s16+$0x0], $0xffff;
	v38 =	vadd.f32 v38, v44;
	v46 =	vmul.f32 v42, v12;
	_ =	sdelay $0x1  }
0xcf: {  	v44 =	vld.idx.msk [tilespmem:v47+s16+$0x0], $0xffff;
	v46 =	vadd.f32 v38, v46;
	v47 =	vmul.f32 v39, v16;
	_ =	sdelay $0x1  }
0xd0: {  	v38 =	vld.idx.msk [tilespmem:v48+s16+$0x0], $0xffff;
	v46 =	vadd.f32 v46, v47;
	v47 =	vmul.f32 v40, v20;
	_ =	sdelay $0x1  }
0xd1: {  	v46 =	vadd.f32 v46, v47;
	v47 =	vmul.f32 v43, v24;
	_ =	sdelay $0x1  }
0xd2: {  	v46 =	vadd.f32 v46, v47;
	v47 =	vmul.f32 v44, v28  }
0xd3: {  	v48 =	vadd.s32 v0, v37  }
0xd4: {  	v46 =	vadd.f32 v46, v47;
	v47 =	vmul.f32 v38, v32;
	_ =	sdelay $0x1  }
0xd5: {  	v46 =	vadd.f32 v46, v47;
	_ =	sdelay $0x1  }
0xd6: {  	[tilespmem:v48+s21+$0x0] =	vst.idx.msk $0xffff, v46  }
0xd7: {  	v46 =	vld [tilespmem:s1+$0xFFFFFFF0];
	_ =	sdelay $0x2  }
0xd8: {  	v47 =	vmul.f32 v45, v5;
	_ =	sdelay $0x1  }
0xd9: {  	v46 =	vadd.f32 v46, v47;
	v47 =	vmul.f32 v41, v9;
	_ =	sdelay $0x1  }
0xda: {  	v46 =	vadd.f32 v46, v47;
	v47 =	vmul.f32 v42, v13;
	_ =	sdelay $0x1  }
0xdb: {  	v46 =	vadd.f32 v46, v47;
	v47 =	vmul.f32 v39, v17;
	_ =	sdelay $0x1  }
0xdc: {  	v46 =	vadd.f32 v46, v47;
	v47 =	vmul.f32 v40, v21;
	_ =	sdelay $0x1  }
0xdd: {  	v46 =	vadd.f32 v46, v47;
	v47 =	vmul.f32 v43, v25;
	_ =	sdelay $0x1  }
0xde: {  	v46 =	vadd.f32 v46, v47;
	v47 =	vmul.f32 v44, v29  }
0xdf: {  	v48 =	vadd.s32 v1, v37  }
0xe0: {  	v46 =	vadd.f32 v46, v47;
	v47 =	vmul.f32 v38, v33;
	_ =	sdelay $0x1  }
0xe1: {  	v46 =	vadd.f32 v46, v47;
	_ =	sdelay $0x1  }
0xe2: {  	[tilespmem:v48+s21+$0x0] =	vst.idx.msk $0xffff, v46  }
0xe3: {  	v46 =	vld [tilespmem:s1+$0x0];
	_ =	sdelay $0x2  }
0xe4: {  	v47 =	vmul.f32 v45, v6;
	_ =	sdelay $0x1  }
0xe5: {  	v46 =	vadd.f32 v46, v47;
	v47 =	vmul.f32 v41, v10;
	_ =	sdelay $0x1  }
0xe6: {  	v46 =	vadd.f32 v46, v47;
	v47 =	vmul.f32 v42, v14;
	_ =	sdelay $0x1  }
0xe7: {  	v46 =	vadd.f32 v46, v47;
	v47 =	vmul.f32 v39, v18;
	_ =	sdelay $0x1  }
0xe8: {  	v46 =	vadd.f32 v46, v47;
	v47 =	vmul.f32 v40, v22;
	_ =	sdelay $0x1  }
0xe9: {  	v46 =	vadd.f32 v46, v47;
	v47 =	vmul.f32 v43, v26;
	_ =	sdelay $0x1  }
0xea: {  	v46 =	vadd.f32 v46, v47;
	v47 =	vmul.f32 v44, v30  }
0xeb: {  	v48 =	vadd.s32 v2, v37  }
0xec: {  	v46 =	vadd.f32 v46, v47;
	v47 =	vmul.f32 v38, v34;
	_ =	sdelay $0x1  }
0xed: {  	v46 =	vadd.f32 v46, v47;
	_ =	sdelay $0x1  }
0xee: {  	[tilespmem:v48+s21+$0x0] =	vst.idx.msk $0xffff, v46  }
0xef: {  	v46 =	vld [tilespmem:s1+$0x10];
	_ =	sdelay $0x2  }
0xf0: {  	v45 =	vmul.f32 v45, v7;
	_ =	sdelay $0x1  }
0xf1: {  	v41 =	vmul.f32 v41, v11;
	v45 =	vadd.f32 v46, v45;
	_ =	sdelay $0x1  }
0xf2: {  	v42 =	vmul.f32 v42, v15;
	v41 =	vadd.f32 v45, v41;
	_ =	sdelay $0x1  }
0xf3: {  	v39 =	vmul.f32 v39, v19;
	v41 =	vadd.f32 v41, v42;
	_ =	sdelay $0x1  }
0xf4: {  	v40 =	vmul.f32 v40, v23;
	v39 =	vadd.f32 v41, v39;
	_ =	sdelay $0x1  }
0xf5: {  	v41 =	vmul.f32 v43, v27;
	v40 =	vadd.f32 v39, v40;
	_ =	sdelay $0x1  }
.Ltmp0:
0xf6: {  	v43 =	vmul.f32 v44, v31;
	v39 =	vmov s13;
	v42 =	vadd.f32 v40, v41;
	(pc) =	sbr.rel @p1 .LBB2_3-.Ltmp0, $3  }
0xf7: {  	v41 =	vadd.s32 v3, v37;
	v37 =	vand.u32 $0x7F, v39  }
0xf8: {  	v38 =	vmul.f32 v38, v35;
	v40 =	vor.u32 v36, v37;
	v42 =	vadd.f32 v42, v43;
	_ =	sdelay $0x1  }
0xf9: {  	v38 =	vadd.f32 v42, v38  }
0xfa: {  	_ =	sdelay $0x3  }
0xfb: {  	[tilespmem:v41+s21+$0x0] =	vst.idx.msk $0xffff, v38  }
0xfc: {  	v36 =	vld.idx.msk [tilespmem:v40+s3+$0x0], $0xffff;
	_ =	sdelay $0x4  }
0xfd: {  	v36 =	vshll.u32 v36, $0x3  }
0xfe: {  	v47 =	vshll.u32 v39, $0x7;
	v36 =	vand.u32 $0x78, v36  }
0xff: {  	v36 =	vor.u32 v47, v36;
	_ =	sdelay $0x1  }
0x100: {  	v38 =	vor.u32 $0x1, v36;
	_ =	sdelay $0x1  }
0x101: {  	v48 =	vor.u32 $0x2, v36  }
0x102: {  	s1 =	sadd.s32 $0x40, s1;
	v40 =	vld.idx.msk [tilespmem:v36+s16+$0x0], $0xffff  }
0x103: {  	v42 =	vld [tilespmem:s1+$0xFFFFFFE0];
	v49 =	vor.u32 $0x3, v36  }
0x104: {  	v38 =	vld.idx.msk [tilespmem:v38+s16+$0x0], $0xffff  }
0x105: {  	v43 =	vor.u32 $0x4, v36  }
0x106: {  	v39 =	vld.idx.msk [tilespmem:v48+s16+$0x0], $0xffff  }
0x107: {  	v44 =	vor.u32 $0x5, v36;
	v45 =	vmul.f32 v40, v4  }
0x108: {  	v41 =	vld.idx.msk [tilespmem:v49+s16+$0x0], $0xffff  }
0x109: {  	v46 =	vor.u32 $0x6, v36;
	v50 =	vmul.f32 v38, v8;
	v42 =	vadd.f32 v42, v45  }
0x10a: {  	v43 =	vld.idx.msk [tilespmem:v43+s16+$0x0], $0xffff  }
0x10b: {  	v36 =	vor.u32 $0x7, v36;
	v51 =	vmul.f32 v39, v12;
	v42 =	vadd.f32 v42, v50  }
0x10c: {  	v44 =	vld.idx.msk [tilespmem:v44+s16+$0x0], $0xffff  }
0x10d: {  	v52 =	vmul.f32 v41, v16;
	v42 =	vadd.f32 v42, v51  }
0x10e: {  	v46 =	vld.idx.msk [tilespmem:v46+s16+$0x0], $0xffff  }
0x10f: {  	v53 =	vmul.f32 v43, v20;
	v42 =	vadd.f32 v42, v52  }
0x110: {  	v36 =	vld.idx.msk [tilespmem:v36+s16+$0x0], $0xffff  }
0x111: {  	v54 =	vmul.f32 v44, v24;
	v42 =	vadd.f32 v42, v53;
	_ =	sdelay $0x1  }
0x112: {  	v55 =	vmul.f32 v46, v28;
	v42 =	vadd.f32 v42, v54  }
0x113: {  	v47 =	vadd.s32 v0, v37  }
0x114: {  	v56 =	vmul.f32 v36, v32;
	v42 =	vadd.f32 v42, v55;
	_ =	sdelay $0x1  }
0x115: {  	v42 =	vadd.f32 v42, v56;
	_ =	sdelay $0x1  }
0x116: {  	[tilespmem:v47+s21+$0x0] =	vst.idx.msk $0xffff, v42  }
0x117: {  	v42 =	vld [tilespmem:s1+$0xFFFFFFF0];
	_ =	sdelay $0x2  }
0x118: {  	v57 =	vmul.f32 v40, v5;
	_ =	sdelay $0x1  }
0x119: {  	v58 =	vmul.f32 v38, v9;
	v42 =	vadd.f32 v42, v57;
	_ =	sdelay $0x1  }
0x11a: {  	v59 =	vmul.f32 v39, v13;
	v42 =	vadd.f32 v42, v58;
	_ =	sdelay $0x1  }
0x11b: {  	v60 =	vmul.f32 v41, v17;
	v42 =	vadd.f32 v42, v59;
	_ =	sdelay $0x1  }
0x11c: {  	v61 =	vmul.f32 v43, v21;
	v42 =	vadd.f32 v42, v60;
	_ =	sdelay $0x1  }
0x11d: {  	v62 =	vmul.f32 v44, v25;
	v42 =	vadd.f32 v42, v61;
	_ =	sdelay $0x1  }
0x11e: {  	v63 =	vmul.f32 v46, v29;
	v42 =	vadd.f32 v42, v62  }
0x11f: {  	v48 =	vadd.s32 v1, v37  }
0x120: {  	v49 =	vmul.f32 v36, v33;
	v42 =	vadd.f32 v42, v63;
	_ =	sdelay $0x1  }
0x121: {  	v42 =	vadd.f32 v42, v49;
	_ =	sdelay $0x1  }
0x122: {  	[tilespmem:v48+s21+$0x0] =	vst.idx.msk $0xffff, v42  }
0x123: {  	v42 =	vld [tilespmem:s1+$0x0];
	_ =	sdelay $0x2  }
0x124: {  	v50 =	vmul.f32 v40, v6;
	_ =	sdelay $0x1  }
0x125: {  	v51 =	vmul.f32 v38, v10;
	v42 =	vadd.f32 v42, v50;
	_ =	sdelay $0x1  }
0x126: {  	v52 =	vmul.f32 v39, v14;
	v42 =	vadd.f32 v42, v51;
	_ =	sdelay $0x1  }
0x127: {  	v53 =	vmul.f32 v41, v18;
	v42 =	vadd.f32 v42, v52;
	_ =	sdelay $0x1  }
0x128: {  	v54 =	vmul.f32 v43, v22;
	v42 =	vadd.f32 v42, v53;
	_ =	sdelay $0x1  }
0x129: {  	v55 =	vmul.f32 v44, v26;
	v42 =	vadd.f32 v42, v54;
	_ =	sdelay $0x1  }
0x12a: {  	v56 =	vmul.f32 v46, v30;
	v42 =	vadd.f32 v42, v55  }
0x12b: {  	v57 =	vadd.s32 v2, v37  }
0x12c: {  	v58 =	vmul.f32 v36, v34;
	v42 =	vadd.f32 v42, v56;
	_ =	sdelay $0x1  }
0x12d: {  	v42 =	vadd.f32 v42, v58;
	_ =	sdelay $0x1  }
0x12e: {  	[tilespmem:v57+s21+$0x0] =	vst.idx.msk $0xffff, v42  }
0x12f: {  	v42 =	vld [tilespmem:s1+$0x10];
	_ =	sdelay $0x2  }
0x130: {  	v40 =	vmul.f32 v40, v7;
	_ =	sdelay $0x1  }
0x131: {  	v38 =	vmul.f32 v38, v11;
	v40 =	vadd.f32 v42, v40;
	_ =	sdelay $0x1  }
0x132: {  	v39 =	vmul.f32 v39, v15;
	v38 =	vadd.f32 v40, v38;
	_ =	sdelay $0x1  }
0x133: {  	v59 =	vmul.f32 v41, v19;
	v38 =	vadd.f32 v38, v39;
	_ =	sdelay $0x1  }
0x134: {  	v60 =	vmul.f32 v43, v23;
	v38 =	vadd.f32 v38, v59;
	_ =	sdelay $0x1  }
0x135: {  	v61 =	vmul.f32 v44, v27;
	v38 =	vadd.f32 v38, v60;
	_ =	sdelay $0x1  }
0x136: {  	v62 =	vmul.f32 v46, v31;
	v38 =	vadd.f32 v38, v61  }
0x137: {  	v63 =	vadd.s32 v3, v37  }
0x138: {  	v36 =	vmul.f32 v36, v35;
	v38 =	vadd.f32 v38, v62  }
0x139: {  	s14 =	sshll.u32 s28, $0x13  }
0x13a: {  	s1 =	sor.u32 s8, s14;
	v36 =	vadd.f32 v38, v36  }
0x13b: {  	s1 =	sshrl.u32 s1, $0x3  }
0x13c: {  	s15 =	simm.s32 $0xDA00;
	s11 =	sadd.s32 s2, s1;
	[tilespmem:v63+s21+$0x0] =	vst.idx.msk $0xffff, v36  }
0x13d: {  	[hbm4b:s11+s3] =	stream.linear.scatter [tilespmem:s15], [sflag:$0x3], $0x80, $0x38;
	[tilespmem:$0x12000] =	vst v63  }
0x13e: {  	s6 =	simm.s32 $0xDA88;
	s13 =	sadd.s32 $0x10, s11  }
0x13f: {  	[hbm4b:s13+s3] =	stream.linear.scatter [tilespmem:s6], [sflag:$0x3], $0x80, $0x38;
	[tilespmem:$0x12000] =	vst v63  }
0x140: {  	s14 =	sadd.s32 $0x20, s11;
	s13 =	simm.s32 $0xDB10  }
0x141: {  	[hbm4b:s14+s3] =	stream.linear.scatter [tilespmem:s13], [sflag:$0x3], $0x80, $0x38;
	[tilespmem:$0x12000] =	vst v63  }
0x142: {  	s15 =	simm.s32 $0xDB98;
	s6 =	sadd.s32 $0x30, s11  }
0x143: {  	[hbm4b:s6+s3] =	stream.linear.scatter [tilespmem:s15], [sflag:$0x3], $0x80, $0x38;
	[tilespmem:$0x12000] =	vst v63  }
0x144: {  	s13 =	simm.s32 $0xDC20;
	s14 =	sadd.s32 $0x40, s11  }
0x145: {  	[hbm4b:s14+s3] =	stream.linear.scatter [tilespmem:s13], [sflag:$0x3], $0x80, $0x38;
	[tilespmem:$0x12000] =	vst v63  }
0x146: {  	s1 =	simm.s32 $0x440;
	s15 =	simm.s32 $0xDCA8;
	s6 =	sadd.s32 $0x50, s11  }
0x147: {  	[hbm4b:s6+s3] =	stream.linear.scatter [tilespmem:s15], [sflag:$0x3], $0x80, $0x38;
	[tilespmem:$0x12000] =	vst v63  }
0x148: {  	s14 =	simm.s32 $0xDD30;
	s13 =	simm.s32 $0x2200;
	s15 =	sadd.s32 $0x60, s11  }
0x149: {  	[hbm4b:s15+s3] =	stream.linear.scatter [tilespmem:s14], [sflag:$0x3], $0x80, $0x38;
	[tilespmem:$0x12000] =	vst v63  }
0x14a: {  	s14 =	simm.s32 $0xDDB8;
	s15 =	sadd.s32 $0x70, s11;
	s11 =	sadd.s32 $0x1000, s11  }
.LBB2_5:
0x14b: {  	[hbm4b:s15+s3] =	stream.linear.scatter [tilespmem:s14], [sflag:$0x3], $0x80, $0x38;
	[tilespmem:$0x12000] =	vst v63  }
0x14c: {  	s14 =	smov.u32 s1;
	s1 =	smov.u32 s13  }
0x14d: {  	s6 =	sadd.s32 $0x1100, s13;
	s1 =	sshra.s32 s1, $0x2;
	s15 =	sadd.s32 $0xDA00, s14  }
0x14e: {  	[hbm4b:s11+s3] =	stream.linear.scatter [tilespmem:s15], [sflag:$0x3], $0x80, $0x38;
	[tilespmem:$0x12000] =	vst v63  }
0x14f: {  	p1 =	sne.s32 s13, $0x7700;
	s13 =	sadd.s32 $0xDA88, s14;
	s15 =	sadd.s32 $0x10, s11  }
0x150: {  	[hbm4b:s15+s3] =	stream.linear.scatter [tilespmem:s13], [sflag:$0x3], $0x80, $0x38;
	[tilespmem:$0x12000] =	vst v63  }
0x151: {  	s13 =	sadd.s32 $0xDB10, s14;
	s15 =	sadd.s32 $0x20, s11  }
0x152: {  	[hbm4b:s15+s3] =	stream.linear.scatter [tilespmem:s13], [sflag:$0x3], $0x80, $0x38;
	[tilespmem:$0x12000] =	vst v63  }
0x153: {  	s13 =	sadd.s32 $0xDB98, s14;
	s15 =	sadd.s32 $0x30, s11  }
0x154: {  	[hbm4b:s15+s3] =	stream.linear.scatter [tilespmem:s13], [sflag:$0x3], $0x80, $0x38;
	[tilespmem:$0x12000] =	vst v63  }
0x155: {  	s13 =	sadd.s32 $0xDC20, s14;
	s15 =	sadd.s32 $0x40, s11  }
0x156: {  	[hbm4b:s15+s3] =	stream.linear.scatter [tilespmem:s13], [sflag:$0x3], $0x80, $0x38;
	[tilespmem:$0x12000] =	vst v63  }
.Ltmp1:
0x157: {  	s13 =	sadd.s32 $0xDCA8, s14;
	s15 =	sadd.s32 $0x50, s11;
	(pc) =	sbr.rel @p1 .LBB2_5-.Ltmp1, $4  }
0x158: {  	[hbm4b:s15+s3] =	stream.linear.scatter [tilespmem:s13], [sflag:$0x3], $0x80, $0x38;
	[tilespmem:$0x12000] =	vst v63  }
0x159: {  	s13 =	sadd.s32 $0xDD30, s14;
	s15 =	sadd.s32 $0x60, s11;
	s14 =	sadd.s32 $0xDDB8, s14  }
0x15a: {  	[hbm4b:s15+s3] =	stream.linear.scatter [tilespmem:s13], [sflag:$0x3], $0x80, $0x38;
	[tilespmem:$0x12000] =	vst v63  }
0x15b: {  	s15 =	sadd.s32 $0x70, s11;
	s11 =	sadd.s32 $0x1000, s11;
	s13 =	smov.u32 s6  }
0x15c: {  	[hbm4b:s15+s3] =	stream.linear.scatter [tilespmem:s14], [sflag:$0x3], $0x80, $0x38;
	[tilespmem:$0x12000] =	vst v63  }
0x15d: {  	s6 =	sadd.s32 $0xDA00, s1  }
0x15e: {  	[hbm4b:s11+s3] =	stream.linear.scatter [tilespmem:s6], [sflag:$0x3], $0x80, $0x38;
	[tilespmem:$0x12000] =	vst v63  }
0x15f: {  	s15 =	sadd.s32 $0xDA88, s1;
	s13 =	sadd.s32 $0x10, s11  }
0x160: {  	[hbm4b:s13+s3] =	stream.linear.scatter [tilespmem:s15], [sflag:$0x3], $0x80, $0x38;
	[tilespmem:$0x12000] =	vst v63  }
0x161: {  	s14 =	sadd.s32 $0xDB10, s1;
	s15 =	sadd.s32 $0x20, s11  }
0x162: {  	[hbm4b:s15+s3] =	stream.linear.scatter [tilespmem:s14], [sflag:$0x3], $0x80, $0x38;
	[tilespmem:$0x12000] =	vst v63  }
0x163: {  	s14 =	sadd.s32 $0xDB98, s1;
	s15 =	sadd.s32 $0x30, s11  }
0x164: {  	[hbm4b:s15+s3] =	stream.linear.scatter [tilespmem:s14], [sflag:$0x3], $0x80, $0x38;
	[tilespmem:$0x12000] =	vst v63  }
0x165: {  	s14 =	sadd.s32 $0xDC20, s1;
	s15 =	sadd.s32 $0x40, s11  }
0x166: {  	[hbm4b:s15+s3] =	stream.linear.scatter [tilespmem:s14], [sflag:$0x3], $0x80, $0x38;
	[tilespmem:$0x12000] =	vst v63  }
0x167: {  	s14 =	sadd.s32 $0xDCA8, s1;
	s15 =	sadd.s32 $0x50, s11  }
0x168: {  	[hbm4b:s15+s3] =	stream.linear.scatter [tilespmem:s14], [sflag:$0x3], $0x80, $0x38;
	[tilespmem:$0x12000] =	vst v63  }
0x169: {  	s14 =	sadd.s32 $0xDD30, s1;
	s15 =	sadd.s32 $0x60, s11  }
0x16a: {  	[hbm4b:s15+s3] =	stream.linear.scatter [tilespmem:s14], [sflag:$0x3], $0x80, $0x38;
	[tilespmem:$0x12000] =	vst v63  }
0x16b: {  	p1 =	seq.s32 s28, $0x18;
	s13 =	sadd.s32 $0xDDB8, s1;
	s14 =	sadd.s32 $0x70, s11  }
0x16c: {  	[hbm4b:s14+s3] =	stream.linear.scatter [tilespmem:s13], [sflag:$0x3], $0x80, $0x38;
	[tilespmem:$0x12000] =	vst v63  }
0x16d: {  	v36 =	vld @!p1 [tilespmem:s0+$0x100];
	_ =	sdelay $0x4  }
0x16e: {  	v36 =	vshra.s32 @!p1 v36, $0x4  }
0x16f: {  	[tilespmem:$0xD900] =	vst @!p1 v36  }
0x170: {  	v36 =	vld @!p1 [tilespmem:s0+$0x110];
	_ =	sdelay $0x4  }
0x171: {  	v36 =	vshra.s32 @!p1 v36, $0x4  }
0x172: {  	[tilespmem:$0xD910] =	vst @!p1 v36  }
0x173: {  	v36 =	vld @!p1 [tilespmem:s0+$0x120];
	_ =	sdelay $0x4  }
0x174: {  	v36 =	vshra.s32 @!p1 v36, $0x4  }
0x175: {  	[tilespmem:$0xD920] =	vst @!p1 v36  }
0x176: {  	v36 =	vld @!p1 [tilespmem:s0+$0x130];
	_ =	sdelay $0x4  }
0x177: {  	v36 =	vshra.s32 @!p1 v36, $0x4  }
0x178: {  	[tilespmem:$0xD930] =	vst @!p1 v36  }
0x179: {  	v36 =	vld @!p1 [tilespmem:s0+$0x140];
	_ =	sdelay $0x4  }
0x17a: {  	v36 =	vshra.s32 @!p1 v36, $0x4  }
0x17b: {  	[tilespmem:$0xD940] =	vst @!p1 v36  }
0x17c: {  	v36 =	vld @!p1 [tilespmem:s0+$0x150];
	_ =	sdelay $0x4  }
0x17d: {  	v36 =	vshra.s32 @!p1 v36, $0x4  }
0x17e: {  	[tilespmem:$0xD950] =	vst @!p1 v36  }
0x17f: {  	v36 =	vld @!p1 [tilespmem:s0+$0x160];
	_ =	sdelay $0x4  }
0x180: {  	v36 =	vshra.s32 @!p1 v36, $0x4  }
0x181: {  	[tilespmem:$0xD960] =	vst @!p1 v36  }
0x182: {  	v36 =	vld @!p1 [tilespmem:s0+$0x170];
	_ =	sdelay $0x4  }
0x183: {  	v36 =	vshra.s32 @!p1 v36, $0x4  }
0x184: {  	s6 =	simm.s32 @!p1 $0x1900;
	s1 =	simm.s32 @!p1 $0x80;
	s0 =	sadd.s32 @!p1 $0x100, s0;
	[tilespmem:$0xD970] =	vst @!p1 v36  }
0x185: {  	[tilespmem:s6], [sflag:$0x1] =	stream.indirect.gather @!p1 [hbm4b:s4+s1], $0x40, s0, s1, $0xb8;
	[tilespmem:$0x12000] =	vst v63  }
0x186: {  	s0 =	simm.s32 @!p1 $0xD900;
	s6 =	simm.s32 @!p1 $0x5900  }
0x187: {  	[tilespmem:s6], [sflag:$0x1] =	stream.indirect.gather @!p1 [hbm4b:s5+s1], $0x80, s0, s1, $0xb8;
	[tilespmem:$0x12000] =	vst v63  }
0x188: {  	v36 =	vld [tilespmem:s31+$0x0];
	_ =	sdelay $0x4  }
0x189: {  	v36 =	vshra.s32 v36, $0x4  }
0x18a: {  	[tilespmem:$0xD980] =	vst v36  }
0x18b: {  	v36 =	vld [tilespmem:s31+$0x10];
	_ =	sdelay $0x4  }
0x18c: {  	v36 =	vshra.s32 v36, $0x4  }
0x18d: {  	[tilespmem:$0xD990] =	vst v36  }
0x18e: {  	v36 =	vld [tilespmem:s31+$0x20];
	_ =	sdelay $0x4  }
0x18f: {  	v36 =	vshra.s32 v36, $0x4  }
0x190: {  	[tilespmem:$0xD9A0] =	vst v36  }
0x191: {  	v36 =	vld [tilespmem:s31+$0x30];
	_ =	sdelay $0x4  }
0x192: {  	v36 =	vshra.s32 v36, $0x4  }
0x193: {  	[tilespmem:$0xD9B0] =	vst v36  }
0x194: {  	v36 =	vld [tilespmem:s31+$0x40];
	_ =	sdelay $0x4  }
0x195: {  	v36 =	vshra.s32 v36, $0x4  }
0x196: {  	[tilespmem:$0xD9C0] =	vst v36  }
0x197: {  	v36 =	vld [tilespmem:s31+$0x50];
	_ =	sdelay $0x4  }
0x198: {  	v36 =	vshra.s32 v36, $0x4  }
0x199: {  	[tilespmem:$0xD9D0] =	vst v36  }
0x19a: {  	v36 =	vld [tilespmem:s31+$0x60];
	_ =	sdelay $0x4  }
0x19b: {  	v36 =	vshra.s32 v36, $0x4  }
0x19c: {  	[tilespmem:$0xD9E0] =	vst v36  }
0x19d: {  	v36 =	vld [tilespmem:s31+$0x70];
	_ =	sdelay $0x4  }
0x19e: {  	v36 =	vshra.s32 v36, $0x4  }
0x19f: {  	[tilespmem:$0xD9F0] =	vst v36  }
0x1a0: {  	_ =	swait.ge [sflag:s22], $0x2000  }
0x1a1: {  	s15 =	simm.s32 $0x0;
	[sflag:s22] =	ssyncset.done $0x0  }
0x1a2: {  	v37 =	vmov s15;
	[sflag:s22] =	ssyncadd.s32 $0xFFFFE000  }
0x1a3: {  	v38 =	vand.u32 $0x7F, v37;
	v36 =	vmov s30;
	_ =	swait.ge [sflag:s22], $0x4000  }
0x1a4: {  	v39 =	vor.u32 v36, v38;
	[sflag:s22] =	ssyncset.done $0x0  }
0x1a5: {  	s0 =	simm.s32 @!p0 $0x4;
	[sflag:s22] =	ssyncadd.s32 $0xFFFFC000  }
0x1a6: {  	_ =	swait.ge @!p0 [sflag:s0], $0x2000  }
0x1a7: {  	[sflag:s0] =	ssyncset.done @!p0 $0x0  }
0x1a8: {  	[sflag:s0] =	ssyncadd.s32 @!p0 $0xFFFFE000  }
0x1a9: {  	v39 =	vld.idx.msk [tilespmem:v39+s3+$0x0], $0xffff;
	_ =	sdelay $0x4  }
0x1aa: {  	v39 =	vshll.u32 v39, $0x3  }
0x1ab: {  	v37 =	vshll.u32 v37, $0x7;
	v39 =	vand.u32 $0x78, v39  }
0x1ac: {  	v37 =	vor.u32 v37, v39;
	_ =	sdelay $0x1  }
0x1ad: {  	v39 =	vor.u32 $0x1, v37;
	_ =	sdelay $0x1  }
0x1ae: {  	v40 =	vor.u32 $0x2, v37  }
0x1af: {  	s0 =	simm.s32 $0x3930;
	v41 =	vld.idx.msk [tilespmem:v37+s19+$0x0], $0xffff  }
0x1b0: {  	v43 =	vld [tilespmem:s0+$0xFFFFFFD0];
	v42 =	vor.u32 $0x3, v37  }
0x1b1: {  	v39 =	vld.idx.msk [tilespmem:v39+s19+$0x0], $0xffff  }
0x1b2: {  	v44 =	vor.u32 $0x4, v37  }
0x1b3: {  	v40 =	vld.idx.msk [tilespmem:v40+s19+$0x0], $0xffff  }
0x1b4: {  	v45 =	vor.u32 $0x5, v37;
	v46 =	vmul.f32 v41, v4  }
0x1b5: {  	v42 =	vld.idx.msk [tilespmem:v42+s19+$0x0], $0xffff  }
0x1b6: {  	v47 =	vor.u32 $0x6, v37;
	v48 =	vmul.f32 v39, v8;
	v43 =	vadd.f32 v43, v46  }
0x1b7: {  	v44 =	vld.idx.msk [tilespmem:v44+s19+$0x0], $0xffff  }
0x1b8: {  	v37 =	vor.u32 $0x7, v37;
	v49 =	vmul.f32 v40, v12;
	v43 =	vadd.f32 v43, v48  }
0x1b9: {  	v45 =	vld.idx.msk [tilespmem:v45+s19+$0x0], $0xffff  }
0x1ba: {  	v50 =	vmul.f32 v42, v16;
	v43 =	vadd.f32 v43, v49  }
0x1bb: {  	v47 =	vld.idx.msk [tilespmem:v47+s19+$0x0], $0xffff  }
0x1bc: {  	v51 =	vmul.f32 v44, v20;
	v43 =	vadd.f32 v43, v50  }
0x1bd: {  	v37 =	vld.idx.msk [tilespmem:v37+s19+$0x0], $0xffff  }
0x1be: {  	v52 =	vmul.f32 v45, v24;
	v43 =	vadd.f32 v43, v51;
	_ =	sdelay $0x1  }
0x1bf: {  	v53 =	vmul.f32 v47, v28;
	v43 =	vadd.f32 v43, v52  }
0x1c0: {  	v48 =	vadd.s32 v0, v38  }
0x1c1: {  	v54 =	vmul.f32 v37, v32;
	v43 =	vadd.f32 v43, v53;
	_ =	sdelay $0x1  }
0x1c2: {  	v43 =	vadd.f32 v43, v54;
	_ =	sdelay $0x1  }
0x1c3: {  	[tilespmem:v48+s23+$0x0] =	vst.idx.msk $0xffff, v43  }
0x1c4: {  	v43 =	vld [tilespmem:s0+$0xFFFFFFE0];
	_ =	sdelay $0x2  }
0x1c5: {  	v55 =	vmul.f32 v41, v5;
	_ =	sdelay $0x1  }
0x1c6: {  	v56 =	vmul.f32 v39, v9;
	v43 =	vadd.f32 v43, v55;
	_ =	sdelay $0x1  }
0x1c7: {  	v57 =	vmul.f32 v40, v13;
	v43 =	vadd.f32 v43, v56;
	_ =	sdelay $0x1  }
0x1c8: {  	v58 =	vmul.f32 v42, v17;
	v43 =	vadd.f32 v43, v57;
	_ =	sdelay $0x1  }
0x1c9: {  	v59 =	vmul.f32 v44, v21;
	v43 =	vadd.f32 v43, v58;
	_ =	sdelay $0x1  }
0x1ca: {  	v60 =	vmul.f32 v45, v25;
	v43 =	vadd.f32 v43, v59;
	_ =	sdelay $0x1  }
0x1cb: {  	v61 =	vmul.f32 v47, v29;
	v43 =	vadd.f32 v43, v60  }
0x1cc: {  	v62 =	vadd.s32 v1, v38  }
0x1cd: {  	v63 =	vmul.f32 v37, v33;
	v43 =	vadd.f32 v43, v61;
	_ =	sdelay $0x1  }
0x1ce: {  	v43 =	vadd.f32 v43, v63;
	_ =	sdelay $0x1  }
0x1cf: {  	[tilespmem:v62+s23+$0x0] =	vst.idx.msk $0xffff, v43  }
0x1d0: {  	v43 =	vld [tilespmem:s0+$0xFFFFFFF0];
	_ =	sdelay $0x2  }
0x1d1: {  	v49 =	vmul.f32 v41, v6;
	_ =	sdelay $0x1  }
0x1d2: {  	v50 =	vmul.f32 v39, v10;
	v43 =	vadd.f32 v43, v49;
	_ =	sdelay $0x1  }
0x1d3: {  	v51 =	vmul.f32 v40, v14;
	v43 =	vadd.f32 v43, v50;
	_ =	sdelay $0x1  }
0x1d4: {  	v52 =	vmul.f32 v42, v18;
	v43 =	vadd.f32 v43, v51;
	_ =	sdelay $0x1  }
0x1d5: {  	v53 =	vmul.f32 v44, v22;
	v43 =	vadd.f32 v43, v52;
	_ =	sdelay $0x1  }
0x1d6: {  	v54 =	vmul.f32 v45, v26;
	v43 =	vadd.f32 v43, v53;
	_ =	sdelay $0x1  }
0x1d7: {  	v55 =	vmul.f32 v47, v30;
	v43 =	vadd.f32 v43, v54  }
0x1d8: {  	v56 =	vadd.s32 v2, v38  }
0x1d9: {  	v57 =	vmul.f32 v37, v34;
	v43 =	vadd.f32 v43, v55;
	_ =	sdelay $0x1  }
0x1da: {  	v43 =	vadd.f32 v43, v57;
	_ =	sdelay $0x1  }
0x1db: {  	[tilespmem:v56+s23+$0x0] =	vst.idx.msk $0xffff, v43  }
0x1dc: {  	v43 =	vld [tilespmem:s0+$0x0];
	_ =	sdelay $0x2  }
0x1dd: {  	v41 =	vmul.f32 v41, v7;
	_ =	sdelay $0x1  }
0x1de: {  	v39 =	vmul.f32 v39, v11;
	v41 =	vadd.f32 v43, v41;
	_ =	sdelay $0x1  }
0x1df: {  	v40 =	vmul.f32 v40, v15;
	v39 =	vadd.f32 v41, v39;
	_ =	sdelay $0x1  }
0x1e0: {  	v58 =	vmul.f32 v42, v19;
	v39 =	vadd.f32 v39, v40;
	_ =	sdelay $0x1  }
0x1e1: {  	v59 =	vmul.f32 v44, v23;
	v39 =	vadd.f32 v39, v58;
	_ =	sdelay $0x1  }
0x1e2: {  	v60 =	vmul.f32 v45, v27;
	v39 =	vadd.f32 v39, v59  }
0x1e3: {  	s31 =	simm.s32 $0x1  }
0x1e4: {  	v61 =	vmul.f32 v47, v31;
	v40 =	vadd.f32 v39, v60;
	v39 =	vmov s31  }
0x1e5: {  	v63 =	vmul.f32 v37, v35;
	v41 =	vadd.s32 v3, v38;
	v37 =	vand.u32 $0x7F, v39  }
0x1e6: {  	v62 =	vadd.f32 v40, v61;
	v40 =	vor.u32 v36, v37;
	_ =	sdelay $0x1  }
0x1e7: {  	s1 =	simm.s32 $0x2;
	v38 =	vadd.f32 v62, v63  }
.LBB2_7:
0x1e8: {  	p0 =	sne.s32 s1, $0x7F  }
0x1e9: {  	s0 =	sadd.s32 $0x40, s0;
	s11 =	smov.u32 s1;
	s1 =	sadd.s32 $0x1, s1;
	[tilespmem:v41+s23+$0x0] =	vst.idx.msk $0xffff, v38  }
0x1ea: {  	v38 =	vld.idx.msk [tilespmem:v40+s3+$0x0], $0xffff;
	_ =	sdelay $0x5  }
0x1eb: {  	v38 =	vshll.u32 v38, $0x3  }
0x1ec: {  	v39 =	vshll.u32 v39, $0x7;
	v38 =	vand.u32 $0x78, v38  }
0x1ed: {  	v38 =	vor.u32 v39, v38  }
0x1ee: {  	v39 =	vor.u32 $0x1, v38;
	v40 =	vor.u32 $0x2, v38;
	v43 =	vor.u32 $0x3, v38  }
0x1ef: {  	v44 =	vor.u32 $0x4, v38;
	v46 =	vor.u32 $0x5, v38;
	v47 =	vor.u32 $0x6, v38  }
0x1f0: {  	v48 =	vor.u32 $0x7, v38;
	_ =	sdelay $0x1  }
0x1f1: {  	v45 =	vld.idx.msk [tilespmem:v38+s19+$0x0], $0xffff;
	_ =	sdelay $0x1  }
0x1f2: {  	v41 =	vld.idx.msk [tilespmem:v39+s19+$0x0], $0xffff  }
0x1f3: {  	v38 =	vld [tilespmem:s0+$0xFFFFFFD0]  }
0x1f4: {  	v42 =	vld.idx.msk [tilespmem:v40+s19+$0x0], $0xffff;
	_ =	sdelay $0x1  }
0x1f5: {  	v39 =	vld.idx.msk [tilespmem:v43+s19+$0x0], $0xffff;
	v43 =	vmul.f32 v45, v4;
	_ =	sdelay $0x1  }
0x1f6: {  	v40 =	vld.idx.msk [tilespmem:v44+s19+$0x0], $0xffff;
	v38 =	vadd.f32 v38, v43;
	v44 =	vmul.f32 v41, v8;
	_ =	sdelay $0x1  }
0x1f7: {  	v43 =	vld.idx.msk [tilespmem:v46+s19+$0x0], $0xffff;
	v38 =	vadd.f32 v38, v44;
	v46 =	vmul.f32 v42, v12;
	_ =	sdelay $0x1  }
0x1f8: {  	v44 =	vld.idx.msk [tilespmem:v47+s19+$0x0], $0xffff;
	v46 =	vadd.f32 v38, v46;
	v47 =	vmul.f32 v39, v16;
	_ =	sdelay $0x1  }
0x1f9: {  	v38 =	vld.idx.msk [tilespmem:v48+s19+$0x0], $0xffff;
	v46 =	vadd.f32 v46, v47;
	v47 =	vmul.f32 v40, v20;
	_ =	sdelay $0x1  }
0x1fa: {  	v46 =	vadd.f32 v46, v47;
	v47 =	vmul.f32 v43, v24;
	_ =	sdelay $0x1  }
0x1fb: {  	v46 =	vadd.f32 v46, v47;
	v47 =	vmul.f32 v44, v28  }
0x1fc: {  	v48 =	vadd.s32 v0, v37  }
0x1fd: {  	v46 =	vadd.f32 v46, v47;
	v47 =	vmul.f32 v38, v32;
	_ =	sdelay $0x1  }
0x1fe: {  	v46 =	vadd.f32 v46, v47;
	_ =	sdelay $0x1  }
0x1ff: {  	[tilespmem:v48+s23+$0x0] =	vst.idx.msk $0xffff, v46  }
0x200: {  	v46 =	vld [tilespmem:s0+$0xFFFFFFE0];
	_ =	sdelay $0x2  }
0x201: {  	v47 =	vmul.f32 v45, v5;
	_ =	sdelay $0x1  }
0x202: {  	v46 =	vadd.f32 v46, v47;
	v47 =	vmul.f32 v41, v9;
	_ =	sdelay $0x1  }
0x203: {  	v46 =	vadd.f32 v46, v47;
	v47 =	vmul.f32 v42, v13;
	_ =	sdelay $0x1  }
0x204: {  	v46 =	vadd.f32 v46, v47;
	v47 =	vmul.f32 v39, v17;
	_ =	sdelay $0x1  }
0x205: {  	v46 =	vadd.f32 v46, v47;
	v47 =	vmul.f32 v40, v21;
	_ =	sdelay $0x1  }
0x206: {  	v46 =	vadd.f32 v46, v47;
	v47 =	vmul.f32 v43, v25;
	_ =	sdelay $0x1  }
0x207: {  	v46 =	vadd.f32 v46, v47;
	v47 =	vmul.f32 v44, v29  }
0x208: {  	v48 =	vadd.s32 v1, v37  }
0x209: {  	v46 =	vadd.f32 v46, v47;
	v47 =	vmul.f32 v38, v33;
	_ =	sdelay $0x1  }
0x20a: {  	v46 =	vadd.f32 v46, v47;
	_ =	sdelay $0x1  }
0x20b: {  	[tilespmem:v48+s23+$0x0] =	vst.idx.msk $0xffff, v46  }
0x20c: {  	v46 =	vld [tilespmem:s0+$0xFFFFFFF0];
	_ =	sdelay $0x2  }
0x20d: {  	v47 =	vmul.f32 v45, v6;
	_ =	sdelay $0x1  }
0x20e: {  	v46 =	vadd.f32 v46, v47;
	v47 =	vmul.f32 v41, v10;
	_ =	sdelay $0x1  }
0x20f: {  	v46 =	vadd.f32 v46, v47;
	v47 =	vmul.f32 v42, v14;
	_ =	sdelay $0x1  }
0x210: {  	v46 =	vadd.f32 v46, v47;
	v47 =	vmul.f32 v39, v18;
	_ =	sdelay $0x1  }
0x211: {  	v46 =	vadd.f32 v46, v47;
	v47 =	vmul.f32 v40, v22;
	_ =	sdelay $0x1  }
0x212: {  	v46 =	vadd.f32 v46, v47;
	v47 =	vmul.f32 v43, v26;
	_ =	sdelay $0x1  }
0x213: {  	v46 =	vadd.f32 v46, v47;
	v47 =	vmul.f32 v44, v30  }
0x214: {  	v48 =	vadd.s32 v2, v37  }
0x215: {  	v46 =	vadd.f32 v46, v47;
	v47 =	vmul.f32 v38, v34;
	_ =	sdelay $0x1  }
0x216: {  	v46 =	vadd.f32 v46, v47;
	_ =	sdelay $0x1  }
0x217: {  	[tilespmem:v48+s23+$0x0] =	vst.idx.msk $0xffff, v46  }
0x218: {  	v46 =	vld [tilespmem:s0+$0x0];
	_ =	sdelay $0x2  }
0x219: {  	v45 =	vmul.f32 v45, v7;
	_ =	sdelay $0x1  }
0x21a: {  	v41 =	vmul.f32 v41, v11;
	v45 =	vadd.f32 v46, v45;
	_ =	sdelay $0x1  }
0x21b: {  	v42 =	vmul.f32 v42, v15;
	v41 =	vadd.f32 v45, v41;
	_ =	sdelay $0x1  }
0x21c: {  	v39 =	vmul.f32 v39, v19;
	v41 =	vadd.f32 v41, v42;
	_ =	sdelay $0x1  }
0x21d: {  	v40 =	vmul.f32 v40, v23;
	v39 =	vadd.f32 v41, v39;
	_ =	sdelay $0x1  }
0x21e: {  	v41 =	vmul.f32 v43, v27;
	v40 =	vadd.f32 v39, v40;
	_ =	sdelay $0x1  }
.Ltmp2:
0x21f: {  	v43 =	vmul.f32 v44, v31;
	v39 =	vmov s11;
	v42 =	vadd.f32 v40, v41;
	(pc) =	sbr.rel @p0 .LBB2_7-.Ltmp2, $3  }
0x220: {  	v41 =	vadd.s32 v3, v37;
	v37 =	vand.u32 $0x7F, v39  }
0x221: {  	v38 =	vmul.f32 v38, v35;
	v40 =	vor.u32 v36, v37;
	v42 =	vadd.f32 v42, v43;
	_ =	sdelay $0x1  }
0x222: {  	v38 =	vadd.f32 v42, v38  }
0x223: {  	_ =	sdelay $0x3  }
0x224: {  	[tilespmem:v41+s23+$0x0] =	vst.idx.msk $0xffff, v38  }
0x225: {  	v36 =	vld.idx.msk [tilespmem:v40+s3+$0x0], $0xffff;
	_ =	sdelay $0x4  }
0x226: {  	v36 =	vshll.u32 v36, $0x3  }
0x227: {  	v47 =	vshll.u32 v39, $0x7;
	v36 =	vand.u32 $0x78, v36  }
0x228: {  	v36 =	vor.u32 v47, v36;
	_ =	sdelay $0x1  }
0x229: {  	v38 =	vor.u32 $0x1, v36;
	_ =	sdelay $0x1  }
0x22a: {  	v48 =	vor.u32 $0x2, v36  }
0x22b: {  	s0 =	sadd.s32 $0x40, s0;
	v40 =	vld.idx.msk [tilespmem:v36+s19+$0x0], $0xffff  }
0x22c: {  	v42 =	vld [tilespmem:s0+$0xFFFFFFD0];
	v49 =	vor.u32 $0x3, v36  }
0x22d: {  	v38 =	vld.idx.msk [tilespmem:v38+s19+$0x0], $0xffff  }
0x22e: {  	v43 =	vor.u32 $0x4, v36  }
0x22f: {  	v39 =	vld.idx.msk [tilespmem:v48+s19+$0x0], $0xffff  }
0x230: {  	v44 =	vor.u32 $0x5, v36;
	v45 =	vmul.f32 v40, v4  }
0x231: {  	v41 =	vld.idx.msk [tilespmem:v49+s19+$0x0], $0xffff  }
0x232: {  	v46 =	vor.u32 $0x6, v36;
	v50 =	vmul.f32 v38, v8;
	v42 =	vadd.f32 v42, v45  }
0x233: {  	v43 =	vld.idx.msk [tilespmem:v43+s19+$0x0], $0xffff  }
0x234: {  	v36 =	vor.u32 $0x7, v36;
	v51 =	vmul.f32 v39, v12;
	v42 =	vadd.f32 v42, v50  }
0x235: {  	v44 =	vld.idx.msk [tilespmem:v44+s19+$0x0], $0xffff  }
0x236: {  	v52 =	vmul.f32 v41, v16;
	v42 =	vadd.f32 v42, v51  }
0x237: {  	v46 =	vld.idx.msk [tilespmem:v46+s19+$0x0], $0xffff  }
0x238: {  	v53 =	vmul.f32 v43, v20;
	v42 =	vadd.f32 v42, v52  }
0x239: {  	v36 =	vld.idx.msk [tilespmem:v36+s19+$0x0], $0xffff  }
0x23a: {  	v54 =	vmul.f32 v44, v24;
	v42 =	vadd.f32 v42, v53;
	_ =	sdelay $0x1  }
0x23b: {  	v55 =	vmul.f32 v46, v28;
	v42 =	vadd.f32 v42, v54  }
0x23c: {  	v47 =	vadd.s32 v0, v37  }
0x23d: {  	v56 =	vmul.f32 v36, v32;
	v42 =	vadd.f32 v42, v55;
	_ =	sdelay $0x1  }
0x23e: {  	v42 =	vadd.f32 v42, v56;
	_ =	sdelay $0x1  }
0x23f: {  	[tilespmem:v47+s23+$0x0] =	vst.idx.msk $0xffff, v42  }
0x240: {  	v42 =	vld [tilespmem:s0+$0xFFFFFFE0];
	_ =	sdelay $0x2  }
0x241: {  	v57 =	vmul.f32 v40, v5;
	_ =	sdelay $0x1  }
0x242: {  	v58 =	vmul.f32 v38, v9;
	v42 =	vadd.f32 v42, v57;
	_ =	sdelay $0x1  }
0x243: {  	v59 =	vmul.f32 v39, v13;
	v42 =	vadd.f32 v42, v58;
	_ =	sdelay $0x1  }
0x244: {  	v60 =	vmul.f32 v41, v17;
	v42 =	vadd.f32 v42, v59;
	_ =	sdelay $0x1  }
0x245: {  	v61 =	vmul.f32 v43, v21;
	v42 =	vadd.f32 v42, v60;
	_ =	sdelay $0x1  }
0x246: {  	v62 =	vmul.f32 v44, v25;
	v42 =	vadd.f32 v42, v61;
	_ =	sdelay $0x1  }
0x247: {  	v63 =	vmul.f32 v46, v29;
	v42 =	vadd.f32 v42, v62  }
0x248: {  	v48 =	vadd.s32 v1, v37  }
0x249: {  	v49 =	vmul.f32 v36, v33;
	v42 =	vadd.f32 v42, v63;
	_ =	sdelay $0x1  }
0x24a: {  	v42 =	vadd.f32 v42, v49;
	_ =	sdelay $0x1  }
0x24b: {  	[tilespmem:v48+s23+$0x0] =	vst.idx.msk $0xffff, v42  }
0x24c: {  	v42 =	vld [tilespmem:s0+$0xFFFFFFF0];
	_ =	sdelay $0x2  }
0x24d: {  	v50 =	vmul.f32 v40, v6;
	_ =	sdelay $0x1  }
0x24e: {  	v51 =	vmul.f32 v38, v10;
	v42 =	vadd.f32 v42, v50;
	_ =	sdelay $0x1  }
0x24f: {  	v52 =	vmul.f32 v39, v14;
	v42 =	vadd.f32 v42, v51;
	_ =	sdelay $0x1  }
0x250: {  	v53 =	vmul.f32 v41, v18;
	v42 =	vadd.f32 v42, v52;
	_ =	sdelay $0x1  }
0x251: {  	v54 =	vmul.f32 v43, v22;
	v42 =	vadd.f32 v42, v53;
	_ =	sdelay $0x1  }
0x252: {  	v55 =	vmul.f32 v44, v26;
	v42 =	vadd.f32 v42, v54;
	_ =	sdelay $0x1  }
0x253: {  	v56 =	vmul.f32 v46, v30;
	v42 =	vadd.f32 v42, v55  }
0x254: {  	v57 =	vadd.s32 v2, v37  }
0x255: {  	v58 =	vmul.f32 v36, v34;
	v42 =	vadd.f32 v42, v56;
	_ =	sdelay $0x1  }
0x256: {  	v42 =	vadd.f32 v42, v58;
	_ =	sdelay $0x1  }
0x257: {  	[tilespmem:v57+s23+$0x0] =	vst.idx.msk $0xffff, v42  }
0x258: {  	v42 =	vld [tilespmem:s0+$0x0];
	_ =	sdelay $0x2  }
0x259: {  	v40 =	vmul.f32 v40, v7;
	_ =	sdelay $0x1  }
0x25a: {  	v38 =	vmul.f32 v38, v11;
	v40 =	vadd.f32 v42, v40;
	_ =	sdelay $0x1  }
0x25b: {  	v39 =	vmul.f32 v39, v15;
	v38 =	vadd.f32 v40, v38;
	_ =	sdelay $0x1  }
0x25c: {  	v59 =	vmul.f32 v41, v19;
	v38 =	vadd.f32 v38, v39;
	_ =	sdelay $0x1  }
0x25d: {  	v60 =	vmul.f32 v43, v23;
	v38 =	vadd.f32 v38, v59;
	_ =	sdelay $0x1  }
0x25e: {  	v61 =	vmul.f32 v44, v27;
	v38 =	vadd.f32 v38, v60;
	_ =	sdelay $0x1  }
0x25f: {  	v62 =	vmul.f32 v46, v31;
	v38 =	vadd.f32 v38, v61  }
0x260: {  	v63 =	vadd.s32 v3, v37  }
0x261: {  	v36 =	vmul.f32 v36, v35;
	v38 =	vadd.f32 v38, v62  }
0x262: {  	s14 =	sshll.u32 s29, $0x12  }
0x263: {  	s0 =	sor.u32 s8, s14;
	v36 =	vadd.f32 v38, v36  }
0x264: {  	s0 =	sshrl.u32 s0, $0x3  }
0x265: {  	s15 =	simm.s32 $0xFC00;
	s1 =	sadd.s32 s2, s0;
	[tilespmem:v63+s23+$0x0] =	vst.idx.msk $0xffff, v36  }
0x266: {  	[hbm4b:s1+s3] =	stream.linear.scatter [tilespmem:s15], [sflag:$0x4], $0x80, $0x38;
	[tilespmem:$0x12000] =	vst v63  }
0x267: {  	s29 =	simm.s32 $0xFC88;
	s6 =	sadd.s32 $0x10, s1  }
0x268: {  	[hbm4b:s6+s3] =	stream.linear.scatter [tilespmem:s29], [sflag:$0x4], $0x80, $0x38;
	[tilespmem:$0x12000] =	vst v63  }
0x269: {  	s30 =	simm.s32 $0xFD10;
	s13 =	simm.s32 $0xFE20;
	s31 =	sadd.s32 $0x20, s1  }
0x26a: {  	[hbm4b:s31+s3] =	stream.linear.scatter [tilespmem:s30], [sflag:$0x4], $0x80, $0x38;
	[tilespmem:$0x12000] =	vst v63  }
0x26b: {  	s0 =	simm.s32 $0x440;
	s11 =	sadd.s32 $0x30, s1;
	s6 =	simm.s32 $0xFD98  }
0x26c: {  	[hbm4b:s11+s3] =	stream.linear.scatter [tilespmem:s6], [sflag:$0x4], $0x80, $0x38;
	[tilespmem:$0x12000] =	vst v63  }
0x26d: {  	s14 =	sadd.s32 $0x40, s1;
	s15 =	simm.s32 $0xFEA8;
	s29 =	sadd.s32 $0x50, s1  }
0x26e: {  	[hbm4b:s14+s3] =	stream.linear.scatter [tilespmem:s13], [sflag:$0x4], $0x80, $0x38;
	[tilespmem:$0x12000] =	vst v63  }
0x26f: {  	s30 =	simm.s32 $0xFF30;
	s31 =	sadd.s32 $0x60, s1;
	s11 =	simm.s32 $0x2200  }
0x270: {  	[hbm4b:s29+s3] =	stream.linear.scatter [tilespmem:s15], [sflag:$0x4], $0x80, $0x38;
	[tilespmem:$0x12000] =	vst v63  }
0x271: {  	s13 =	simm.s32 $0xFFB8;
	s14 =	sadd.s32 $0x70, s1;
	s1 =	sadd.s32 $0x1000, s1  }
0x272: {  	[hbm4b:s31+s3] =	stream.linear.scatter [tilespmem:s30], [sflag:$0x4], $0x80, $0x38;
	[tilespmem:$0x12000] =	vst v63  }
.LBB2_9:
0x273: {  	[hbm4b:s14+s3] =	stream.linear.scatter [tilespmem:s13], [sflag:$0x4], $0x80, $0x38;
	[tilespmem:$0x12000] =	vst v63  }
0x274: {  	s6 =	smov.u32 s0;
	s0 =	smov.u32 s11  }
0x275: {  	s15 =	sadd.s32 $0x1100, s11;
	s0 =	sshra.s32 s0, $0x2;
	s13 =	sadd.s32 $0xFC00, s6  }
0x276: {  	[hbm4b:s1+s3] =	stream.linear.scatter [tilespmem:s13], [sflag:$0x4], $0x80, $0x38;
	[tilespmem:$0x12000] =	vst v63  }
0x277: {  	p0 =	sne.s32 s11, $0x7700;
	s11 =	sadd.s32 $0xFC88, s6;
	s13 =	sadd.s32 $0x10, s1  }
0x278: {  	[hbm4b:s13+s3] =	stream.linear.scatter [tilespmem:s11], [sflag:$0x4], $0x80, $0x38;
	[tilespmem:$0x12000] =	vst v63  }
0x279: {  	s11 =	sadd.s32 $0xFD10, s6;
	s13 =	sadd.s32 $0x20, s1  }
0x27a: {  	[hbm4b:s13+s3] =	stream.linear.scatter [tilespmem:s11], [sflag:$0x4], $0x80, $0x38;
	[tilespmem:$0x12000] =	vst v63  }
0x27b: {  	s11 =	sadd.s32 $0xFD98, s6;
	s13 =	sadd.s32 $0x30, s1  }
0x27c: {  	[hbm4b:s13+s3] =	stream.linear.scatter [tilespmem:s11], [sflag:$0x4], $0x80, $0x38;
	[tilespmem:$0x12000] =	vst v63  }
0x27d: {  	s11 =	sadd.s32 $0xFE20, s6;
	s13 =	sadd.s32 $0x40, s1  }
0x27e: {  	[hbm4b:s13+s3] =	stream.linear.scatter [tilespmem:s11], [sflag:$0x4], $0x80, $0x38;
	[tilespmem:$0x12000] =	vst v63  }
.Ltmp3:
0x27f: {  	s11 =	sadd.s32 $0xFEA8, s6;
	s13 =	sadd.s32 $0x50, s1;
	(pc) =	sbr.rel @p0 .LBB2_9-.Ltmp3, $4  }
0x280: {  	[hbm4b:s13+s3] =	stream.linear.scatter [tilespmem:s11], [sflag:$0x4], $0x80, $0x38;
	[tilespmem:$0x12000] =	vst v63  }
0x281: {  	s14 =	sadd.s32 $0x70, s1;
	s11 =	sadd.s32 $0xFF30, s6;
	s13 =	sadd.s32 $0x60, s1  }
0x282: {  	[hbm4b:s13+s3] =	stream.linear.scatter [tilespmem:s11], [sflag:$0x4], $0x80, $0x38;
	[tilespmem:$0x12000] =	vst v63  }
0x283: {  	s1 =	sadd.s32 $0x1000, s1;
	s13 =	sadd.s32 $0xFFB8, s6;
	s11 =	smov.u32 s15  }
0x284: {  	[hbm4b:s14+s3] =	stream.linear.scatter [tilespmem:s13], [sflag:$0x4], $0x80, $0x38;
	[tilespmem:$0x12000] =	vst v63  }
0x285: {  	s6 =	sadd.s32 $0xFC00, s0  }
0x286: {  	[hbm4b:s1+s3] =	stream.linear.scatter [tilespmem:s6], [sflag:$0x4], $0x80, $0x38;
	[tilespmem:$0x12000] =	vst v63  }
0x287: {  	s31 =	sadd.s32 $0xFC88, s0;
	s11 =	sadd.s32 $0x10, s1  }
0x288: {  	[hbm4b:s11+s3] =	stream.linear.scatter [tilespmem:s31], [sflag:$0x4], $0x80, $0x38;
	[tilespmem:$0x12000] =	vst v63  }
0x289: {  	s13 =	sadd.s32 $0xFD10, s0;
	s14 =	sadd.s32 $0x20, s1  }
0x28a: {  	[hbm4b:s14+s3] =	stream.linear.scatter [tilespmem:s13], [sflag:$0x4], $0x80, $0x38;
	[tilespmem:$0x12000] =	vst v63  }
0x28b: {  	s15 =	sadd.s32 $0xFD98, s0;
	s29 =	sadd.s32 $0x30, s1  }
0x28c: {  	[hbm4b:s29+s3] =	stream.linear.scatter [tilespmem:s15], [sflag:$0x4], $0x80, $0x38;
	[tilespmem:$0x12000] =	vst v63  }
0x28d: {  	s30 =	sadd.s32 $0xFE20, s0;
	s28 =	sadd.s32 $0x1, s28;
	s31 =	sadd.s32 $0x40, s1  }
0x28e: {  	[hbm4b:s31+s3] =	stream.linear.scatter [tilespmem:s30], [sflag:$0x4], $0x80, $0x38;
	[tilespmem:$0x12000] =	vst v63  }
0x28f: {  	p0 =	sne.s32 s28, $0x19;
	s13 =	sadd.s32 $0xFEA8, s0;
	s14 =	sadd.s32 $0x50, s1  }
0x290: {  	[hbm4b:s14+s3] =	stream.linear.scatter [tilespmem:s13], [sflag:$0x4], $0x80, $0x38;
	[tilespmem:$0x12000] =	vst v63  }
.Ltmp4:
0x291: {  	_ = 	snop;
	(pc) =	sbr.rel @p0 .LBB2_2-.Ltmp4, $4  }
0x292: {  	s15 =	sadd.s32 $0xFF30, s0;
	s29 =	sadd.s32 $0x60, s1  }
0x293: {  	[hbm4b:s29+s3] =	stream.linear.scatter [tilespmem:s15], [sflag:$0x4], $0x80, $0x38;
	[tilespmem:$0x12000] =	vst v63  }
0x294: {  	s30 =	sadd.s32 $0xFFB8, s0;
	s31 =	sadd.s32 $0x70, s1  }
0x295: {  	[hbm4b:s31+s3] =	stream.linear.scatter [tilespmem:s30], [sflag:$0x4], $0x80, $0x38;
	[tilespmem:$0x12000] =	vst v63  }
0x296: {  	s26 =	sadd.s32 $0x1, s26  }
0x297: {  	_ =	swait.ge [sflag:s24], $0x2000;
	p0 =	sne.s32 s26, s9  }
.Ltmp5:
0x298: {  	[sflag:s24] =	ssyncset.done $0x0;
	(pc) =	sbr.rel @p0 .LBB2_1-.Ltmp5, $4  }
0x299: {  	[sflag:s24] =	ssyncadd.s32 $0xFFFFE000  }
0x29a: {  	_ =	swait.ge [sflag:s25], $0x2000  }
0x29b: {  	[sflag:s25] =	ssyncset.done $0x0  }
0x29c: {  	[sflag:s25] =	ssyncadd.s32 $0xFFFFE000  }
0x29d: {  	_ =	sfence.sel $0x180000  }
0x29e: {  	[bflag:$0x0] =	sbarrier.arrive $0xFFFF  }
0x29f: {  	_ =	strace $0x90000047  }
0x2a0: {  	s0 =	stileid.u32;
	[bflag:$0x2] =	sbarrier.arrive $0xFFFF  }
0x2a1: {  	p0 =	sne.s32 s0, $0x0;
	s0 =	rddreg [dreg:$0x2]  }
0x2a2: {  	s0 =	sadd.s32 @!p0 $0x100000, s0  }
0x2a3: {  	[sflag:s0] =	ssyncadd.tile.s32 @!p0 $0x1;
	_ =	shalt  }
.Lfunc_end2:
_tile_overlayer_lowered:
.L_overlay_start_2:
0x2a4: {  	(tag) =	ssettag $0x2  }
0x2a5: {  	s0 =	rddreg [dreg:$0x0];
	s2 =	stileid.u32  }
0x2a6: {  	s1 =	rddreg [dreg:$0x1];
	p0 =	sne.s32 s2, $0x0  }
0x2a7: {  	s3 =	rddreg [dreg:$0x2];
	[bflag:$0x3] =	sbarrier.arrive $0xFFFF;
	s2 =	simm.s32 @!p0 $0x1C05  }
0x2a8: {  	[timem:s3], [sflag:s2] =	dma.local @!p0 [hbm:s0], s1  }
0x2a9: {  	s0 =	simm.s32 @!p0 $0x5  }
0x2aa: {  	_ =	swait.ge @!p0 [sflag:s0], s1  }
0x2ab: {  	s1 =	ssub.s32 @!p0 $0x0, s1;
	[sflag:s0] =	ssyncset.done @!p0 $0x0  }
0x2ac: {  	[sflag:s0] =	ssyncadd.s32 @!p0 s1  }
0x2ad: {  	[bflag:$0x3] =	sbarrier.arrive $0xFFFF  }
0x2ae: {  	_ =	shalt  }

</sc_bundles>
